<compile_context>
chip_gen: v7x
topology: tpu7x:2x2x1
jax: 0.10.2.dev20260603
libtpu: 0.0.44.dev20260713+nightly
codegen_flags: <defaults>
</compile_context>

<pallas_src>
import jax
import jax.numpy as jnp
from jax import lax
from jax.experimental import pallas as pl
from jax.experimental.pallas import tpu as pltpu
from jax.experimental.pallas import tpu_sc as plsc

N = 10000
NPAD = 10240
D = 128
NC = 2
NS = 16
NW = NC * NS
CHUNK = 128
EPW_CHUNKS = 80
EPW = CHUNK * EPW_CHUNKS
E_PAD = NW * EPW
RPS = NPAD // NS

_mesh = plsc.VectorSubcoreMesh(core_axis_name="c", subcore_axis_name="s")


def _worker_id():
    return lax.axis_index("s") * NC + lax.axis_index("c")


def _deg_body(src_hbm, dst_hbm,
              dego_hbm, degi_hbm,
              dego_t, degi_t, srcv, dstv):
    wid = _worker_id()
    zero16 = jnp.zeros((16,), jnp.float32)

    @pl.loop(0, NPAD // 16)
    def _(r):
        dego_t[pl.ds(r * 16, 16)] = zero16
        degi_t[pl.ds(r * 16, 16)] = zero16

    base = wid * EPW
    ones16 = jnp.ones((16,), jnp.float32)
    pltpu.sync_copy(src_hbm.at[pl.ds(base, EPW)], srcv)
    pltpu.sync_copy(dst_hbm.at[pl.ds(base, EPW)], dstv)

    @pl.loop(0, EPW // 16)
    def _(j):
        sidx = srcv[pl.ds(j * 16, 16)]
        didx = dstv[pl.ds(j * 16, 16)]
        plsc.addupdate_scatter(dego_t, [sidx], ones16)
        plsc.addupdate_scatter(degi_t, [didx], ones16)

    pltpu.sync_copy(dego_t, dego_hbm.at[wid])
    pltpu.sync_copy(degi_t, degi_hbm.at[wid])


_NBUF = 2
_NSLAB = 2
_SLAB = EPW_CHUNKS // _NSLAB


def _agg_body(a_hbm, src_hbm, dst_hbm, zeros_hbm,
              agg_hbm,
              acc_s, srcv, dstv, rows, gsems, ssems):
    c = lax.axis_index("c")
    s = lax.axis_index("s")
    wid = _worker_id()
    r0 = s * RPS
    base_c = wid * EPW_CHUNKS
    pltpu.sync_copy(zeros_hbm.at[pl.ds(r0, RPS)], acc_s.at[pl.ds(r0, RPS)])
    plsc.subcore_barrier()

    def _gather_start(chunk, b):
        pltpu.async_copy(a_hbm.at[srcv.at[chunk]], rows.at[b], gsems.at[b])

    def _gather_wait(chunk, b):
        pltpu.make_async_copy(a_hbm.at[srcv.at[chunk]], rows.at[b],
                              gsems.at[b]).wait()

    def _scatter_start(chunk, b):
        pltpu.async_copy(rows.at[b], acc_s.at[dstv.at[chunk]], ssems.at[b],
                         add=True)

    def _scatter_wait(chunk, b):
        pltpu.make_async_copy(rows.at[b], acc_s.at[dstv.at[chunk]],
                              ssems.at[b]).wait()

    for h in range(_NSLAB):
        pltpu.sync_copy(src_hbm.at[pl.ds(base_c + h * _SLAB, _SLAB)], srcv)
        pltpu.sync_copy(dst_hbm.at[pl.ds(base_c + h * _SLAB, _SLAB)], dstv)
        for b in range(_NBUF):
            _gather_start(b, b)

        @pl.loop(0, _SLAB - _NBUF, step=_NBUF)
        def _(i):
            for b in range(_NBUF):
                chunk = i + b
                _gather_wait(chunk, b)
                _scatter_start(chunk, b)
                _scatter_wait(chunk, b)
                _gather_start(chunk + _NBUF, b)

        for b in range(_NBUF):
            chunk = _SLAB - _NBUF + b
            _gather_wait(chunk, b)
            _scatter_start(chunk, b)
            _scatter_wait(chunk, b)

    plsc.subcore_barrier()
    out_r0 = c * NPAD + r0
    pltpu.sync_copy(acc_s.at[pl.ds(r0, RPS)], agg_hbm.at[pl.ds(out_r0, RPS)])


_DEG_SCRATCH = [
    pltpu.VMEM((NPAD,), jnp.float32),
    pltpu.VMEM((NPAD,), jnp.float32),
    pltpu.VMEM((EPW,), jnp.int32),
    pltpu.VMEM((EPW,), jnp.int32),
]
_DEG_OUT = [
    jax.ShapeDtypeStruct((NW, NPAD), jnp.float32),
    jax.ShapeDtypeStruct((NW, NPAD), jnp.float32),
]
_AGG_SCRATCH = [
    pltpu.VMEM_SHARED((NPAD, D), jnp.float32),
    pltpu.VMEM((_SLAB, CHUNK), jnp.int32),
    pltpu.VMEM((_SLAB, CHUNK), jnp.int32),
    pltpu.VMEM((_NBUF, CHUNK, D), jnp.float32),
    pltpu.SemaphoreType.DMA((_NBUF,)),
    pltpu.SemaphoreType.DMA((_NBUF,)),
]
_AGG_OUT = jax.ShapeDtypeStruct((NC * NPAD, D), jnp.float32)

_deg_kernel = pl.kernel(_deg_body, out_type=_DEG_OUT, mesh=_mesh,
                        scratch_types=_DEG_SCRATCH,
                        compiler_params=pltpu.CompilerParams(
                            needs_layout_passes=False))
_agg_kernel = pl.kernel(_agg_body, out_type=_AGG_OUT, mesh=_mesh,
                        scratch_types=_AGG_SCRATCH)



_BLK = 2048
_PREC = lax.Precision.HIGHEST


def _inv_sqrt_deg(degp):
    deg = jnp.sum(degp, axis=0)
    return lax.rsqrt(jnp.maximum(deg, 1.0))


def _mm_body(x_ref, w_ref, o_ref):
    o_ref[...] = lax.dot_general(x_ref[...], w_ref[...],
                                 (((1,), (0,)), ((), ())),
                                 precision=_PREC,
                                 preferred_element_type=jnp.float32)


def _scale_body(m_ref, degop_ref, o_ref):
    inv_out = _inv_sqrt_deg(degop_ref[...])
    o_ref[...] = m_ref[...] * inv_out[:, None]


def _mid_body(aggp_ref, degip_ref, degop_ref, b_ref, res_ref, w_ref,
              h_ref, a_ref):
    inv_in = _inv_sqrt_deg(degip_ref[...])
    agg = aggp_ref[0] + aggp_ref[1]
    h = jnp.maximum(agg * inv_in[:, None] + b_ref[...], 0.0) + res_ref[...]
    h_ref[...] = h
    inv_out = _inv_sqrt_deg(degop_ref[...])
    y = lax.dot_general(h, w_ref[...], (((1,), (0,)), ((), ())),
                        precision=_PREC, preferred_element_type=jnp.float32)
    a_ref[...] = y * inv_out[:, None]


def _final_body(aggp_ref, degip_ref, b_ref, res_ref, o_ref):
    inv_in = _inv_sqrt_deg(degip_ref[...])
    agg = aggp_ref[0] + aggp_ref[1]
    o_ref[...] = (jnp.maximum(agg * inv_in[:, None] + b_ref[...], 0.0)
                  + res_ref[...])


def _row_spec(w):
    return pl.BlockSpec((_BLK, w), lambda i: (i, 0))


def _part_spec(w):
    return pl.BlockSpec((2, _BLK, w), lambda i: (0, i, 0))


def _deg_spec():
    return pl.BlockSpec((NW, _BLK), lambda i: (0, i))


def _full_spec(shape):
    return pl.BlockSpec(shape, lambda i: tuple(0 for _ in shape))


_GRID = (NPAD // _BLK,)


def _mm(x, w):
    return pl.pallas_call(
        _mm_body,
        grid=_GRID,
        in_specs=[_row_spec(D), _full_spec((D, D))],
        out_specs=_row_spec(D),
        out_shape=jax.ShapeDtypeStruct((NPAD, D), jnp.float32),
    )(x, w)


def _scale(m, degop):
    return pl.pallas_call(
        _scale_body,
        grid=_GRID,
        in_specs=[_row_spec(D), _deg_spec()],
        out_specs=_row_spec(D),
        out_shape=jax.ShapeDtypeStruct((NPAD, D), jnp.float32),
    )(m, degop)


def _mid(aggp, degip, degop, b, res, w):
    return pl.pallas_call(
        _mid_body,
        grid=_GRID,
        in_specs=[_part_spec(D), _deg_spec(), _deg_spec(),
                  _full_spec((1, D)), _row_spec(D), _full_spec((D, D))],
        out_specs=[_row_spec(D), _row_spec(D)],
        out_shape=[jax.ShapeDtypeStruct((NPAD, D), jnp.float32),
                   jax.ShapeDtypeStruct((NPAD, D), jnp.float32)],
    )(aggp, degip, degop, b, res, w)


def _final(aggp, degip, b, res):
    return pl.pallas_call(
        _final_body,
        grid=_GRID,
        in_specs=[_part_spec(D), _deg_spec(), _full_spec((1, D)),
                  _row_spec(D)],
        out_specs=_row_spec(D),
        out_shape=jax.ShapeDtypeStruct((N, D), jnp.float32),
    )(aggp, degip, b, res)


def kernel(features, edge_index, W1, b1, W2, b2):
    src = edge_index[0].astype(jnp.int32)
    dst = edge_index[1].astype(jnp.int32)
    n_pad_e = E_PAD - src.shape[0]
    pad_ids = N + (jnp.arange(n_pad_e, dtype=jnp.int32) % (NPAD - N))
    src_p = jnp.concatenate([src, pad_ids])
    dst_p = jnp.concatenate([dst, pad_ids])

    x = jnp.zeros((NPAD, D), jnp.float32).at[:N].set(features)
    zeros_nd = jnp.zeros((NPAD, D), jnp.float32)

    b1r = b1.reshape(1, D)
    b2r = b2.reshape(1, D)

    m1 = _mm(x, W1)
    dego_p, degi_p = _deg_kernel(src_p, dst_p)
    a1 = _scale(m1, dego_p)
    src2 = src_p.reshape(-1, CHUNK)
    dst2 = dst_p.reshape(-1, CHUNK)
    agg1 = _agg_kernel(a1, src2, dst2, zeros_nd).reshape(NC, NPAD, D)
    h1, a2 = _mid(agg1, degi_p, dego_p, b1r, x, W2)
    agg2 = _agg_kernel(a2, src2, dst2, zeros_nd).reshape(NC, NPAD, D)
    return _final(agg2, degi_p, b2r, h1)

# --- scband reference (transcript-rebuilt; emitter-appended) ---
"""Pipeline reference for scband-gcn-1537598292356 (READ-ONLY COPY).

The authoritative reference and input builder live on the scoring server;
editing this copy changes nothing except your own understanding.
"""

import jax, jax.numpy as jnp
import numpy as np

N_NODES = 10000
N_EDGES = 320000
D = 128

def setup_inputs(seed: int = 0) -> dict:
    key = jax.random.key(seed)
    k1, k2, k3, k4 = jax.random.split(key, 4)
    features = jax.random.normal(k1, (N_NODES, D), dtype=jnp.float32)
    edge_index = jax.random.randint(k2, (2, N_EDGES), 0, N_NODES, dtype=jnp.int64)
    # GraphConv weights (xavier-like scale) and biases for 2 layers
    scale = float(np.sqrt(2.0 / (D + D)))
    W1 = jax.random.normal(k3, (D, D), dtype=jnp.float32) * scale
    b1 = jnp.zeros((D,), dtype=jnp.float32)
    W2 = jax.random.normal(k4, (D, D), dtype=jnp.float32) * scale
    b2 = jnp.zeros((D,), dtype=jnp.float32)
    return {"features": features, "edge_index": edge_index, "W1": W1, "b1": b1, "W2": W2, "b2": b2}

def _graph_conv(h, W, b, src, dst, inv_sqrt_out, inv_sqrt_in, n_nodes):
    # DGL GraphConv with norm='both': D_in^{-1/2} A (D_out^{-1/2} X W) + b, then relu
    h = h @ W
    msg = h[src] * inv_sqrt_out[src][:, None]
    agg = jax.ops.segment_sum(msg, dst, num_segments=n_nodes)
    out = agg * inv_sqrt_in[:, None] + b
    return jax.nn.relu(out)

def reference(features, edge_index, W1, b1, W2, b2):
    n_nodes = features.shape[0]
    src = edge_index[0]
    dst = edge_index[1]
    ones = jnp.ones((src.shape[0],), dtype=jnp.float32)
    deg_out = jnp.clip(jax.ops.segment_sum(ones, src, num_segments=n_nodes), 1.0, None)
    deg_in = jnp.clip(jax.ops.segment_sum(ones, dst, num_segments=n_nodes), 1.0, None)
    inv_sqrt_out = 1.0 / jnp.sqrt(deg_out)
    inv_sqrt_in = 1.0 / jnp.sqrt(deg_in)
    h = features
    # layer 1 with residual
    h = _graph_conv(h, W1, b1, src, dst, inv_sqrt_out, inv_sqrt_in, n_nodes) + h
    # dropout is identity in eval mode
    # layer 2 with residual
    h = _graph_conv(h, W2, b2, src, dst, inv_sqrt_out, inv_sqrt_in, n_nodes) + h
    return h

if __name__ == "__main__":
    import jax
    _d = setup_inputs()
    print(jax.jit(kernel)(*tuple(_d.values())))

</pallas_src>

<mosaic_0001>
#map = affine_map<(d0, d1) -> (0, 0)>
module attributes {stable_mosaic.version = 14 : i64} {
  func.func @_agg_body(%arg0: i32, %arg1: i32, %arg2: memref<10240x128xf32, #tpu.memory_space<hbm>>, %arg3: memref<2560x128xi32, #tpu.memory_space<hbm>>, %arg4: memref<2560x128xi32, #tpu.memory_space<hbm>>, %arg5: memref<10240x128xf32, #tpu.memory_space<hbm>>, %arg6: memref<20480x128xf32, #tpu.memory_space<hbm>>, %arg7: memref<10240x128xf32, #tpu.memory_space<vmem_shared>>, %arg8: memref<40x128xi32, #tpu.memory_space<vmem>>, %arg9: memref<40x128xi32, #tpu.memory_space<vmem>>, %arg10: memref<2x128x128xf32, #tpu.memory_space<vmem>>, %arg11: memref<2x!tpu.dma_semaphore, #tpu.memory_space<semaphore_mem>>, %arg12: memref<2x!tpu.dma_semaphore, #tpu.memory_space<semaphore_mem>>) attributes {dimension_semantics = [#tpu.dimension_semantics<core_parallel>, #tpu.dimension_semantics<subcore_parallel>], iteration_bounds = array<i64: 2, 16>, scalar_prefetch = 0 : i64, scratch_operands = 6 : i64, tpu.core_type = #tpu.core_type<sc_vector_subcore>, window_params = [{transform_indices = #map}, {transform_indices = #map}, {transform_indices = #map}, {transform_indices = #map}, {transform_indices = #map}]} {
    %mul3A = arith.constant 2 : i32
    %mul3A_0 = arith.muli %arg1, %mul3A : i32
    %add3A = arith.addi %mul3A_0, %arg0 : i32
    %mul3A_1 = arith.constant 640 : i32
    %mul3A_2 = arith.muli %arg1, %mul3A_1 : i32
    %mul3A_3 = arith.constant 80 : i32
    %mul3A_4 = arith.muli %add3A, %mul3A_3 : i32
    "tpu.region"() ({
      %run_scoped3A = tpu.sem_alloc : memref<!tpu.dma_semaphore, #tpu.memory_space<semaphore_mem>>
      %dma_start3A_264 = arith.constant 0 : i32
      %dma_start3A_265 = tpu.memref_slice %arg7[%mul3A_2, %dma_start3A_264] : memref<10240x128xf32, #tpu.memory_space<vmem_shared>> -> memref<640x128xf32, #tpu.memory_space<vmem_shared>>
      %dma_start3A_266 = arith.constant 0 : i32
      %dma_start3A_267 = tpu.memref_slice %arg5[%mul3A_2, %dma_start3A_266] : memref<10240x128xf32, #tpu.memory_space<hbm>> -> memref<640x128xf32, #tpu.memory_space<hbm>>
      tpu.enqueue_dma source(%dma_start3A_267 : memref<640x128xf32, #tpu.memory_space<hbm>>) target(%dma_start3A_265 : memref<640x128xf32, #tpu.memory_space<vmem_shared>>) target_semaphore(%run_scoped3A : memref<!tpu.dma_semaphore, #tpu.memory_space<semaphore_mem>>)
      %dma_wait3A_268 = arith.constant 0 : i32
      %dma_wait3A_269 = tpu.memref_slice %arg7[%mul3A_2, %dma_wait3A_268] : memref<10240x128xf32, #tpu.memory_space<vmem_shared>> -> memref<640x128xf32, #tpu.memory_space<vmem_shared>>
      %dma_wait3A_270 = arith.constant 0 : i32
      %dma_wait3A_271 = tpu.memref_slice %arg5[%mul3A_2, %dma_wait3A_270] : memref<10240x128xf32, #tpu.memory_space<hbm>> -> memref<640x128xf32, #tpu.memory_space<hbm>>
      tpu.wait_dma2 semaphore(%run_scoped3A : memref<!tpu.dma_semaphore, #tpu.memory_space<semaphore_mem>>) src(%dma_wait3A_271 : memref<640x128xf32, #tpu.memory_space<hbm>>) dst(%dma_wait3A_269 : memref<640x128xf32, #tpu.memory_space<vmem_shared>>)
      tpu.yield
    }) : () -> ()
    %barrier3A = arith.constant 0 : index
    tpu.barrier barrier_id(%barrier3A)
    %add3A_5 = arith.constant 0 : i32
    %add3A_6 = arith.addi %mul3A_4, %add3A_5 : i32
    "tpu.region"() ({
      %run_scoped3A = tpu.sem_alloc : memref<!tpu.dma_semaphore, #tpu.memory_space<semaphore_mem>>
      %dma_start3A_264 = arith.constant 0 : i32
      %dma_start3A_265 = tpu.memref_slice %arg3[%add3A_6, %dma_start3A_264] : memref<2560x128xi32, #tpu.memory_space<hbm>> -> memref<40x128xi32, #tpu.memory_space<hbm>>
      %dma_start3A_266 = arith.constant 0 : i32
      %dma_start3A_267 = tpu.memref_slice %arg3[%add3A_6, %dma_start3A_266] : memref<2560x128xi32, #tpu.memory_space<hbm>> -> memref<40x128xi32, #tpu.memory_space<hbm>>
      tpu.enqueue_dma source(%dma_start3A_267 : memref<40x128xi32, #tpu.memory_space<hbm>>) target(%arg8 : memref<40x128xi32, #tpu.memory_space<vmem>>) target_semaphore(%run_scoped3A : memref<!tpu.dma_semaphore, #tpu.memory_space<semaphore_mem>>)
      %dma_wait3A_268 = arith.constant 0 : i32
      %dma_wait3A_269 = tpu.memref_slice %arg3[%add3A_6, %dma_wait3A_268] : memref<2560x128xi32, #tpu.memory_space<hbm>> -> memref<40x128xi32, #tpu.memory_space<hbm>>
      %dma_wait3A_270 = arith.constant 0 : i32
      %dma_wait3A_271 = tpu.memref_slice %arg3[%add3A_6, %dma_wait3A_270] : memref<2560x128xi32, #tpu.memory_space<hbm>> -> memref<40x128xi32, #tpu.memory_space<hbm>>
      tpu.wait_dma2 semaphore(%run_scoped3A : memref<!tpu.dma_semaphore, #tpu.memory_space<semaphore_mem>>) src(%dma_wait3A_271 : memref<40x128xi32, #tpu.memory_space<hbm>>) dst(%arg8 : memref<40x128xi32, #tpu.memory_space<vmem>>)
      tpu.yield
    }) : () -> ()
    %add3A_7 = arith.constant 0 : i32
    %add3A_8 = arith.addi %mul3A_4, %add3A_7 : i32
    "tpu.region"() ({
      %run_scoped3A = tpu.sem_alloc : memref<!tpu.dma_semaphore, #tpu.memory_space<semaphore_mem>>
      %dma_start3A_264 = arith.constant 0 : i32
      %dma_start3A_265 = tpu.memref_slice %arg4[%add3A_8, %dma_start3A_264] : memref<2560x128xi32, #tpu.memory_space<hbm>> -> memref<40x128xi32, #tpu.memory_space<hbm>>
      %dma_start3A_266 = arith.constant 0 : i32
      %dma_start3A_267 = tpu.memref_slice %arg4[%add3A_8, %dma_start3A_266] : memref<2560x128xi32, #tpu.memory_space<hbm>> -> memref<40x128xi32, #tpu.memory_space<hbm>>
      tpu.enqueue_dma source(%dma_start3A_267 : memref<40x128xi32, #tpu.memory_space<hbm>>) target(%arg9 : memref<40x128xi32, #tpu.memory_space<vmem>>) target_semaphore(%run_scoped3A : memref<!tpu.dma_semaphore, #tpu.memory_space<semaphore_mem>>)
      %dma_wait3A_268 = arith.constant 0 : i32
      %dma_wait3A_269 = tpu.memref_slice %arg4[%add3A_8, %dma_wait3A_268] : memref<2560x128xi32, #tpu.memory_space<hbm>> -> memref<40x128xi32, #tpu.memory_space<hbm>>
      %dma_wait3A_270 = arith.constant 0 : i32
      %dma_wait3A_271 = tpu.memref_slice %arg4[%add3A_8, %dma_wait3A_270] : memref<2560x128xi32, #tpu.memory_space<hbm>> -> memref<40x128xi32, #tpu.memory_space<hbm>>
      tpu.wait_dma2 semaphore(%run_scoped3A : memref<!tpu.dma_semaphore, #tpu.memory_space<semaphore_mem>>) src(%dma_wait3A_271 : memref<40x128xi32, #tpu.memory_space<hbm>>) dst(%arg9 : memref<40x128xi32, #tpu.memory_space<vmem>>)
      tpu.yield
    }) : () -> ()
    %dma_start3A = arith.constant 0 : i32
    %dma_start3A_9 = arith.constant 0 : i32
    %dma_start3A_10 = arith.constant 0 : i32
    %dma_start3A_11 = arith.constant 0 : i32
    %dma_start3A_12 = arith.constant 0 : i32
    %dma_start3A_13 = tpu.memref_slice %arg10[%dma_start3A_9, %dma_start3A_11, %dma_start3A_12] : memref<2x128x128xf32, #tpu.memory_space<vmem>> -> memref<1x128x128xf32, #tpu.memory_space<vmem>>
    %dma_start3A_14 = tpu.memref_squeeze %dma_start3A_13 : memref<1x128x128xf32, #tpu.memory_space<vmem>> -> memref<128x128xf32, #tpu.memory_space<vmem>>
    %dma_start3A_15 = arith.constant 0 : i32
    %dma_start3A_16 = tpu.memref_slice %arg8[%dma_start3A, %dma_start3A_15] : memref<40x128xi32, #tpu.memory_space<vmem>> -> memref<1x128xi32, #tpu.memory_space<vmem>>
    %dma_start3A_17 = tpu.memref_squeeze %dma_start3A_16 : memref<1x128xi32, #tpu.memory_space<vmem>> -> memref<128xi32, #tpu.memory_space<vmem>>
    %dma_start3A_18 = arith.constant 0 : i32
    %dma_start3A_19 = arith.constant 0 : i32
    %dma_start3A_20 = tpu.memref_slice %arg2[%dma_start3A_18, %dma_start3A_19] : memref<10240x128xf32, #tpu.memory_space<hbm>> -> memref<10240x128xf32, #tpu.memory_space<hbm>>
    %dma_start3A_21 = tpu.memref_slice %arg11[%dma_start3A_10] : memref<2x!tpu.dma_semaphore, #tpu.memory_space<semaphore_mem>> -> memref<1x!tpu.dma_semaphore, #tpu.memory_space<semaphore_mem>>
    %dma_start3A_22 = tpu.memref_squeeze %dma_start3A_21 : memref<1x!tpu.dma_semaphore, #tpu.memory_space<semaphore_mem>> -> memref<!tpu.dma_semaphore, #tpu.memory_space<semaphore_mem>>
    tpu.enqueue_indirect_dma source(%dma_start3A_20 : memref<10240x128xf32, #tpu.memory_space<hbm>>) target(%dma_start3A_14 : memref<128x128xf32, #tpu.memory_space<vmem>>) offsets(%dma_start3A_17 : memref<128xi32, #tpu.memory_space<vmem>>) semaphore(%dma_start3A_22 : memref<!tpu.dma_semaphore, #tpu.memory_space<semaphore_mem>>)
    %dma_start3A_23 = arith.constant 1 : i32
    %dma_start3A_24 = arith.constant 1 : i32
    %dma_start3A_25 = arith.constant 1 : i32
    %dma_start3A_26 = arith.constant 0 : i32
    %dma_start3A_27 = arith.constant 0 : i32
    %dma_start3A_28 = tpu.memref_slice %arg10[%dma_start3A_24, %dma_start3A_26, %dma_start3A_27] : memref<2x128x128xf32, #tpu.memory_space<vmem>> -> memref<1x128x128xf32, #tpu.memory_space<vmem>>
    %dma_start3A_29 = tpu.memref_squeeze %dma_start3A_28 : memref<1x128x128xf32, #tpu.memory_space<vmem>> -> memref<128x128xf32, #tpu.memory_space<vmem>>
    %dma_start3A_30 = arith.constant 0 : i32
    %dma_start3A_31 = tpu.memref_slice %arg8[%dma_start3A_23, %dma_start3A_30] : memref<40x128xi32, #tpu.memory_space<vmem>> -> memref<1x128xi32, #tpu.memory_space<vmem>>
    %dma_start3A_32 = tpu.memref_squeeze %dma_start3A_31 : memref<1x128xi32, #tpu.memory_space<vmem>> -> memref<128xi32, #tpu.memory_space<vmem>>
    %dma_start3A_33 = arith.constant 0 : i32
    %dma_start3A_34 = arith.constant 0 : i32
    %dma_start3A_35 = tpu.memref_slice %arg2[%dma_start3A_33, %dma_start3A_34] : memref<10240x128xf32, #tpu.memory_space<hbm>> -> memref<10240x128xf32, #tpu.memory_space<hbm>>
    %dma_start3A_36 = tpu.memref_slice %arg11[%dma_start3A_25] : memref<2x!tpu.dma_semaphore, #tpu.memory_space<semaphore_mem>> -> memref<1x!tpu.dma_semaphore, #tpu.memory_space<semaphore_mem>>
    %dma_start3A_37 = tpu.memref_squeeze %dma_start3A_36 : memref<1x!tpu.dma_semaphore, #tpu.memory_space<semaphore_mem>> -> memref<!tpu.dma_semaphore, #tpu.memory_space<semaphore_mem>>
    tpu.enqueue_indirect_dma source(%dma_start3A_35 : memref<10240x128xf32, #tpu.memory_space<hbm>>) target(%dma_start3A_29 : memref<128x128xf32, #tpu.memory_space<vmem>>) offsets(%dma_start3A_32 : memref<128xi32, #tpu.memory_space<vmem>>) semaphore(%dma_start3A_37 : memref<!tpu.dma_semaphore, #tpu.memory_space<semaphore_mem>>)
    %scan3A = arith.constant 0 : i32
    %scan3A_38 = arith.constant 19 : i32
    %scan3A_39 = arith.addi %scan3A, %scan3A_38 : i32
    %scan3A_40 = arith.constant 1 : i32
    scf.for %scan3A_264 = %scan3A to %scan3A_39 step %scan3A_40  : i32 {
      %mul3A_265 = arith.constant 2 : i32
      %mul3A_266 = arith.muli %scan3A_264, %mul3A_265 : i32
      %add3A_267 = arith.constant 0 : i32
      %add3A_268 = arith.addi %add3A_267, %mul3A_266 : i32
      %add3A_269 = arith.constant 0 : i32
      %add3A_270 = arith.addi %add3A_268, %add3A_269 : i32
      %dma_wait3A_271 = arith.constant 0 : i32
      %dma_wait3A_272 = arith.constant 0 : i32
      %dma_wait3A_273 = arith.constant 0 : i32
      %dma_wait3A_274 = arith.constant 0 : i32
      %dma_wait3A_275 = tpu.memref_slice %arg10[%dma_wait3A_271, %dma_wait3A_273, %dma_wait3A_274] : memref<2x128x128xf32, #tpu.memory_space<vmem>> -> memref<1x128x128xf32, #tpu.memory_space<vmem>>
      %dma_wait3A_276 = tpu.memref_squeeze %dma_wait3A_275 : memref<1x128x128xf32, #tpu.memory_space<vmem>> -> memref<128x128xf32, #tpu.memory_space<vmem>>
      %dma_wait3A_277 = arith.constant 0 : i32
      %dma_wait3A_278 = tpu.memref_slice %arg8[%add3A_270, %dma_wait3A_277] : memref<40x128xi32, #tpu.memory_space<vmem>> -> memref<1x128xi32, #tpu.memory_space<vmem>>
      %dma_wait3A_279 = tpu.memref_squeeze %dma_wait3A_278 : memref<1x128xi32, #tpu.memory_space<vmem>> -> memref<128xi32, #tpu.memory_space<vmem>>
      %dma_wait3A_280 = arith.constant 0 : i32
      %dma_wait3A_281 = arith.constant 0 : i32
      %dma_wait3A_282 = tpu.memref_slice %arg2[%dma_wait3A_280, %dma_wait3A_281] : memref<10240x128xf32, #tpu.memory_space<hbm>> -> memref<10240x128xf32, #tpu.memory_space<hbm>>
      %dma_wait3A_283 = tpu.memref_slice %arg11[%dma_wait3A_272] : memref<2x!tpu.dma_semaphore, #tpu.memory_space<semaphore_mem>> -> memref<1x!tpu.dma_semaphore, #tpu.memory_space<semaphore_mem>>
      %dma_wait3A_284 = tpu.memref_squeeze %dma_wait3A_283 : memref<1x!tpu.dma_semaphore, #tpu.memory_space<semaphore_mem>> -> memref<!tpu.dma_semaphore, #tpu.memory_space<semaphore_mem>>
      tpu.wait_indirect_dma semaphore(%dma_wait3A_284 : memref<!tpu.dma_semaphore, #tpu.memory_space<semaphore_mem>>) src(%dma_wait3A_282 : memref<10240x128xf32, #tpu.memory_space<hbm>>) dst(%dma_wait3A_276 : memref<128x128xf32, #tpu.memory_space<vmem>>)
      %dma_start3A_285 = arith.constant 0 : i32
      %dma_start3A_286 = arith.constant 0 : i32
      %dma_start3A_287 = arith.constant 0 : i32
      %dma_start3A_288 = arith.constant 0 : i32
      %dma_start3A_289 = tpu.memref_slice %arg10[%dma_start3A_285, %dma_start3A_287, %dma_start3A_288] : memref<2x128x128xf32, #tpu.memory_space<vmem>> -> memref<1x128x128xf32, #tpu.memory_space<vmem>>
      %dma_start3A_290 = tpu.memref_squeeze %dma_start3A_289 : memref<1x128x128xf32, #tpu.memory_space<vmem>> -> memref<128x128xf32, #tpu.memory_space<vmem>>
      %dma_start3A_291 = arith.constant 0 : i32
      %dma_start3A_292 = tpu.memref_slice %arg9[%add3A_270, %dma_start3A_291] : memref<40x128xi32, #tpu.memory_space<vmem>> -> memref<1x128xi32, #tpu.memory_space<vmem>>
      %dma_start3A_293 = tpu.memref_squeeze %dma_start3A_292 : memref<1x128xi32, #tpu.memory_space<vmem>> -> memref<128xi32, #tpu.memory_space<vmem>>
      %dma_start3A_294 = arith.constant 0 : i32
      %dma_start3A_295 = arith.constant 0 : i32
      %dma_start3A_296 = tpu.memref_slice %arg7[%dma_start3A_294, %dma_start3A_295] : memref<10240x128xf32, #tpu.memory_space<vmem_shared>> -> memref<10240x128xf32, #tpu.memory_space<vmem_shared>>
      %dma_start3A_297 = tpu.memref_slice %arg12[%dma_start3A_286] : memref<2x!tpu.dma_semaphore, #tpu.memory_space<semaphore_mem>> -> memref<1x!tpu.dma_semaphore, #tpu.memory_space<semaphore_mem>>
      %dma_start3A_298 = tpu.memref_squeeze %dma_start3A_297 : memref<1x!tpu.dma_semaphore, #tpu.memory_space<semaphore_mem>> -> memref<!tpu.dma_semaphore, #tpu.memory_space<semaphore_mem>>
      tpu.enqueue_indirect_dma source(%dma_start3A_290 : memref<128x128xf32, #tpu.memory_space<vmem>>) target(%dma_start3A_296 : memref<10240x128xf32, #tpu.memory_space<vmem_shared>>) offsets(%dma_start3A_293 : memref<128xi32, #tpu.memory_space<vmem>>) semaphore(%dma_start3A_298 : memref<!tpu.dma_semaphore, #tpu.memory_space<semaphore_mem>>) {add = true}
      %dma_wait3A_299 = arith.constant 0 : i32
      %dma_wait3A_300 = arith.constant 0 : i32
      %dma_wait3A_301 = arith.constant 0 : i32
      %dma_wait3A_302 = arith.constant 0 : i32
      %dma_wait3A_303 = tpu.memref_slice %arg10[%dma_wait3A_299, %dma_wait3A_301, %dma_wait3A_302] : memref<2x128x128xf32, #tpu.memory_space<vmem>> -> memref<1x128x128xf32, #tpu.memory_space<vmem>>
      %dma_wait3A_304 = tpu.memref_squeeze %dma_wait3A_303 : memref<1x128x128xf32, #tpu.memory_space<vmem>> -> memref<128x128xf32, #tpu.memory_space<vmem>>
      %dma_wait3A_305 = arith.constant 0 : i32
      %dma_wait3A_306 = tpu.memref_slice %arg9[%add3A_270, %dma_wait3A_305] : memref<40x128xi32, #tpu.memory_space<vmem>> -> memref<1x128xi32, #tpu.memory_space<vmem>>
      %dma_wait3A_307 = tpu.memref_squeeze %dma_wait3A_306 : memref<1x128xi32, #tpu.memory_space<vmem>> -> memref<128xi32, #tpu.memory_space<vmem>>
      %dma_wait3A_308 = arith.constant 0 : i32
      %dma_wait3A_309 = arith.constant 0 : i32
      %dma_wait3A_310 = tpu.memref_slice %arg7[%dma_wait3A_308, %dma_wait3A_309] : memref<10240x128xf32, #tpu.memory_space<vmem_shared>> -> memref<10240x128xf32, #tpu.memory_space<vmem_shared>>
      %dma_wait3A_311 = tpu.memref_slice %arg12[%dma_wait3A_300] : memref<2x!tpu.dma_semaphore, #tpu.memory_space<semaphore_mem>> -> memref<1x!tpu.dma_semaphore, #tpu.memory_space<semaphore_mem>>
      %dma_wait3A_312 = tpu.memref_squeeze %dma_wait3A_311 : memref<1x!tpu.dma_semaphore, #tpu.memory_space<semaphore_mem>> -> memref<!tpu.dma_semaphore, #tpu.memory_space<semaphore_mem>>
      tpu.wait_indirect_dma semaphore(%dma_wait3A_312 : memref<!tpu.dma_semaphore, #tpu.memory_space<semaphore_mem>>) src(%dma_wait3A_304 : memref<128x128xf32, #tpu.memory_space<vmem>>) dst(%dma_wait3A_310 : memref<10240x128xf32, #tpu.memory_space<vmem_shared>>)
      %add3A_313 = arith.constant 2 : i32
      %add3A_314 = arith.addi %add3A_270, %add3A_313 : i32
      %dma_start3A_315 = arith.constant 0 : i32
      %dma_start3A_316 = arith.constant 0 : i32
      %dma_start3A_317 = arith.constant 0 : i32
      %dma_start3A_318 = arith.constant 0 : i32
      %dma_start3A_319 = tpu.memref_slice %arg10[%dma_start3A_315, %dma_start3A_317, %dma_start3A_318] : memref<2x128x128xf32, #tpu.memory_space<vmem>> -> memref<1x128x128xf32, #tpu.memory_space<vmem>>
      %dma_start3A_320 = tpu.memref_squeeze %dma_start3A_319 : memref<1x128x128xf32, #tpu.memory_space<vmem>> -> memref<128x128xf32, #tpu.memory_space<vmem>>
      %dma_start3A_321 = arith.constant 0 : i32
      %dma_start3A_322 = tpu.memref_slice %arg8[%add3A_314, %dma_start3A_321] : memref<40x128xi32, #tpu.memory_space<vmem>> -> memref<1x128xi32, #tpu.memory_space<vmem>>
      %dma_start3A_323 = tpu.memref_squeeze %dma_start3A_322 : memref<1x128xi32, #tpu.memory_space<vmem>> -> memref<128xi32, #tpu.memory_space<vmem>>
      %dma_start3A_324 = arith.constant 0 : i32
      %dma_start3A_325 = arith.constant 0 : i32
      %dma_start3A_326 = tpu.memref_slice %arg2[%dma_start3A_324, %dma_start3A_325] : memref<10240x128xf32, #tpu.memory_space<hbm>> -> memref<10240x128xf32, #tpu.memory_space<hbm>>
      %dma_start3A_327 = tpu.memref_slice %arg11[%dma_start3A_316] : memref<2x!tpu.dma_semaphore, #tpu.memory_space<semaphore_mem>> -> memref<1x!tpu.dma_semaphore, #tpu.memory_space<semaphore_mem>>
      %dma_start3A_328 = tpu.memref_squeeze %dma_start3A_327 : memref<1x!tpu.dma_semaphore, #tpu.memory_space<semaphore_mem>> -> memref<!tpu.dma_semaphore, #tpu.memory_space<semaphore_mem>>
      tpu.enqueue_indirect_dma source(%dma_start3A_326 : memref<10240x128xf32, #tpu.memory_space<hbm>>) target(%dma_start3A_320 : memref<128x128xf32, #tpu.memory_space<vmem>>) offsets(%dma_start3A_323 : memref<128xi32, #tpu.memory_space<vmem>>) semaphore(%dma_start3A_328 : memref<!tpu.dma_semaphore, #tpu.memory_space<semaphore_mem>>)
      %add3A_329 = arith.constant 1 : i32
      %add3A_330 = arith.addi %add3A_268, %add3A_329 : i32
      %dma_wait3A_331 = arith.constant 1 : i32
      %dma_wait3A_332 = arith.constant 1 : i32
      %dma_wait3A_333 = arith.constant 0 : i32
      %dma_wait3A_334 = arith.constant 0 : i32
      %dma_wait3A_335 = tpu.memref_slice %arg10[%dma_wait3A_331, %dma_wait3A_333, %dma_wait3A_334] : memref<2x128x128xf32, #tpu.memory_space<vmem>> -> memref<1x128x128xf32, #tpu.memory_space<vmem>>
      %dma_wait3A_336 = tpu.memref_squeeze %dma_wait3A_335 : memref<1x128x128xf32, #tpu.memory_space<vmem>> -> memref<128x128xf32, #tpu.memory_space<vmem>>
      %dma_wait3A_337 = arith.constant 0 : i32
      %dma_wait3A_338 = tpu.memref_slice %arg8[%add3A_330, %dma_wait3A_337] : memref<40x128xi32, #tpu.memory_space<vmem>> -> memref<1x128xi32, #tpu.memory_space<vmem>>
      %dma_wait3A_339 = tpu.memref_squeeze %dma_wait3A_338 : memref<1x128xi32, #tpu.memory_space<vmem>> -> memref<128xi32, #tpu.memory_space<vmem>>
      %dma_wait3A_340 = arith.constant 0 : i32
      %dma_wait3A_341 = arith.constant 0 : i32
      %dma_wait3A_342 = tpu.memref_slice %arg2[%dma_wait3A_340, %dma_wait3A_341] : memref<10240x128xf32, #tpu.memory_space<hbm>> -> memref<10240x128xf32, #tpu.memory_space<hbm>>
      %dma_wait3A_343 = tpu.memref_slice %arg11[%dma_wait3A_332] : memref<2x!tpu.dma_semaphore, #tpu.memory_space<semaphore_mem>> -> memref<1x!tpu.dma_semaphore, #tpu.memory_space<semaphore_mem>>
      %dma_wait3A_344 = tpu.memref_squeeze %dma_wait3A_343 : memref<1x!tpu.dma_semaphore, #tpu.memory_space<semaphore_mem>> -> memref<!tpu.dma_semaphore, #tpu.memory_space<semaphore_mem>>
      tpu.wait_indirect_dma semaphore(%dma_wait3A_344 : memref<!tpu.dma_semaphore, #tpu.memory_space<semaphore_mem>>) src(%dma_wait3A_342 : memref<10240x128xf32, #tpu.memory_space<hbm>>) dst(%dma_wait3A_336 : memref<128x128xf32, #tpu.memory_space<vmem>>)
      %dma_start3A_345 = arith.constant 1 : i32
      %dma_start3A_346 = arith.constant 1 : i32
      %dma_start3A_347 = arith.constant 0 : i32
      %dma_start3A_348 = arith.constant 0 : i32
      %dma_start3A_349 = tpu.memref_slice %arg10[%dma_start3A_345, %dma_start3A_347, %dma_start3A_348] : memref<2x128x128xf32, #tpu.memory_space<vmem>> -> memref<1x128x128xf32, #tpu.memory_space<vmem>>
      %dma_start3A_350 = tpu.memref_squeeze %dma_start3A_349 : memref<1x128x128xf32, #tpu.memory_space<vmem>> -> memref<128x128xf32, #tpu.memory_space<vmem>>
      %dma_start3A_351 = arith.constant 0 : i32
      %dma_start3A_352 = tpu.memref_slice %arg9[%add3A_330, %dma_start3A_351] : memref<40x128xi32, #tpu.memory_space<vmem>> -> memref<1x128xi32, #tpu.memory_space<vmem>>
      %dma_start3A_353 = tpu.memref_squeeze %dma_start3A_352 : memref<1x128xi32, #tpu.memory_space<vmem>> -> memref<128xi32, #tpu.memory_space<vmem>>
      %dma_start3A_354 = arith.constant 0 : i32
      %dma_start3A_355 = arith.constant 0 : i32
      %dma_start3A_356 = tpu.memref_slice %arg7[%dma_start3A_354, %dma_start3A_355] : memref<10240x128xf32, #tpu.memory_space<vmem_shared>> -> memref<10240x128xf32, #tpu.memory_space<vmem_shared>>
      %dma_start3A_357 = tpu.memref_slice %arg12[%dma_start3A_346] : memref<2x!tpu.dma_semaphore, #tpu.memory_space<semaphore_mem>> -> memref<1x!tpu.dma_semaphore, #tpu.memory_space<semaphore_mem>>
      %dma_start3A_358 = tpu.memref_squeeze %dma_start3A_357 : memref<1x!tpu.dma_semaphore, #tpu.memory_space<semaphore_mem>> -> memref<!tpu.dma_semaphore, #tpu.memory_space<semaphore_mem>>
      tpu.enqueue_indirect_dma source(%dma_start3A_350 : memref<128x128xf32, #tpu.memory_space<vmem>>) target(%dma_start3A_356 : memref<10240x128xf32, #tpu.memory_space<vmem_shared>>) offsets(%dma_start3A_353 : memref<128xi32, #tpu.memory_space<vmem>>) semaphore(%dma_start3A_358 : memref<!tpu.dma_semaphore, #tpu.memory_space<semaphore_mem>>) {add = true}
      %dma_wait3A_359 = arith.constant 1 : i32
      %dma_wait3A_360 = arith.constant 1 : i32
      %dma_wait3A_361 = arith.constant 0 : i32
      %dma_wait3A_362 = arith.constant 0 : i32
      %dma_wait3A_363 = tpu.memref_slice %arg10[%dma_wait3A_359, %dma_wait3A_361, %dma_wait3A_362] : memref<2x128x128xf32, #tpu.memory_space<vmem>> -> memref<1x128x128xf32, #tpu.memory_space<vmem>>
      %dma_wait3A_364 = tpu.memref_squeeze %dma_wait3A_363 : memref<1x128x128xf32, #tpu.memory_space<vmem>> -> memref<128x128xf32, #tpu.memory_space<vmem>>
      %dma_wait3A_365 = arith.constant 0 : i32
      %dma_wait3A_366 = tpu.memref_slice %arg9[%add3A_330, %dma_wait3A_365] : memref<40x128xi32, #tpu.memory_space<vmem>> -> memref<1x128xi32, #tpu.memory_space<vmem>>
      %dma_wait3A_367 = tpu.memref_squeeze %dma_wait3A_366 : memref<1x128xi32, #tpu.memory_space<vmem>> -> memref<128xi32, #tpu.memory_space<vmem>>
      %dma_wait3A_368 = arith.constant 0 : i32
      %dma_wait3A_369 = arith.constant 0 : i32
      %dma_wait3A_370 = tpu.memref_slice %arg7[%dma_wait3A_368, %dma_wait3A_369] : memref<10240x128xf32, #tpu.memory_space<vmem_shared>> -> memref<10240x128xf32, #tpu.memory_space<vmem_shared>>
      %dma_wait3A_371 = tpu.memref_slice %arg12[%dma_wait3A_360] : memref<2x!tpu.dma_semaphore, #tpu.memory_space<semaphore_mem>> -> memref<1x!tpu.dma_semaphore, #tpu.memory_space<semaphore_mem>>
      %dma_wait3A_372 = tpu.memref_squeeze %dma_wait3A_371 : memref<1x!tpu.dma_semaphore, #tpu.memory_space<semaphore_mem>> -> memref<!tpu.dma_semaphore, #tpu.memory_space<semaphore_mem>>
      tpu.wait_indirect_dma semaphore(%dma_wait3A_372 : memref<!tpu.dma_semaphore, #tpu.memory_space<semaphore_mem>>) src(%dma_wait3A_364 : memref<128x128xf32, #tpu.memory_space<vmem>>) dst(%dma_wait3A_370 : memref<10240x128xf32, #tpu.memory_space<vmem_shared>>)
      %add3A_373 = arith.constant 2 : i32
      %add3A_374 = arith.addi %add3A_330, %add3A_373 : i32
      %dma_start3A_375 = arith.constant 1 : i32
      %dma_start3A_376 = arith.constant 1 : i32
      %dma_start3A_377 = arith.constant 0 : i32
      %dma_start3A_378 = arith.constant 0 : i32
      %dma_start3A_379 = tpu.memref_slice %arg10[%dma_start3A_375, %dma_start3A_377, %dma_start3A_378] : memref<2x128x128xf32, #tpu.memory_space<vmem>> -> memref<1x128x128xf32, #tpu.memory_space<vmem>>
      %dma_start3A_380 = tpu.memref_squeeze %dma_start3A_379 : memref<1x128x128xf32, #tpu.memory_space<vmem>> -> memref<128x128xf32, #tpu.memory_space<vmem>>
      %dma_start3A_381 = arith.constant 0 : i32
      %dma_start3A_382 = tpu.memref_slice %arg8[%add3A_374, %dma_start3A_381] : memref<40x128xi32, #tpu.memory_space<vmem>> -> memref<1x128xi32, #tpu.memory_space<vmem>>
      %dma_start3A_383 = tpu.memref_squeeze %dma_start3A_382 : memref<1x128xi32, #tpu.memory_space<vmem>> -> memref<128xi32, #tpu.memory_space<vmem>>
      %dma_start3A_384 = arith.constant 0 : i32
      %dma_start3A_385 = arith.constant 0 : i32
      %dma_start3A_386 = tpu.memref_slice %arg2[%dma_start3A_384, %dma_start3A_385] : memref<10240x128xf32, #tpu.memory_space<hbm>> -> memref<10240x128xf32, #tpu.memory_space<hbm>>
      %dma_start3A_387 = tpu.memref_slice %arg11[%dma_start3A_376] : memref<2x!tpu.dma_semaphore, #tpu.memory_space<semaphore_mem>> -> memref<1x!tpu.dma_semaphore, #tpu.memory_space<semaphore_mem>>
      %dma_start3A_388 = tpu.memref_squeeze %dma_start3A_387 : memref<1x!tpu.dma_semaphore, #tpu.memory_space<semaphore_mem>> -> memref<!tpu.dma_semaphore, #tpu.memory_space<semaphore_mem>>
      tpu.enqueue_indirect_dma source(%dma_start3A_386 : memref<10240x128xf32, #tpu.memory_space<hbm>>) target(%dma_start3A_380 : memref<128x128xf32, #tpu.memory_space<vmem>>) offsets(%dma_start3A_383 : memref<128xi32, #tpu.memory_space<vmem>>) semaphore(%dma_start3A_388 : memref<!tpu.dma_semaphore, #tpu.memory_space<semaphore_mem>>)
    }
    %scan3A_41 = arith.constant 19 : i32
    %dma_wait3A = arith.constant 38 : i32
    %dma_wait3A_42 = arith.constant 0 : i32
    %dma_wait3A_43 = arith.constant 0 : i32
    %dma_wait3A_44 = arith.constant 0 : i32
    %dma_wait3A_45 = arith.constant 0 : i32
    %dma_wait3A_46 = tpu.memref_slice %arg10[%dma_wait3A_42, %dma_wait3A_44, %dma_wait3A_45] : memref<2x128x128xf32, #tpu.memory_space<vmem>> -> memref<1x128x128xf32, #tpu.memory_space<vmem>>
    %dma_wait3A_47 = tpu.memref_squeeze %dma_wait3A_46 : memref<1x128x128xf32, #tpu.memory_space<vmem>> -> memref<128x128xf32, #tpu.memory_space<vmem>>
    %dma_wait3A_48 = arith.constant 0 : i32
    %dma_wait3A_49 = tpu.memref_slice %arg8[%dma_wait3A, %dma_wait3A_48] : memref<40x128xi32, #tpu.memory_space<vmem>> -> memref<1x128xi32, #tpu.memory_space<vmem>>
    %dma_wait3A_50 = tpu.memref_squeeze %dma_wait3A_49 : memref<1x128xi32, #tpu.memory_space<vmem>> -> memref<128xi32, #tpu.memory_space<vmem>>
    %dma_wait3A_51 = arith.constant 0 : i32
    %dma_wait3A_52 = arith.constant 0 : i32
    %dma_wait3A_53 = tpu.memref_slice %arg2[%dma_wait3A_51, %dma_wait3A_52] : memref<10240x128xf32, #tpu.memory_space<hbm>> -> memref<10240x128xf32, #tpu.memory_space<hbm>>
    %dma_wait3A_54 = tpu.memref_slice %arg11[%dma_wait3A_43] : memref<2x!tpu.dma_semaphore, #tpu.memory_space<semaphore_mem>> -> memref<1x!tpu.dma_semaphore, #tpu.memory_space<semaphore_mem>>
    %dma_wait3A_55 = tpu.memref_squeeze %dma_wait3A_54 : memref<1x!tpu.dma_semaphore, #tpu.memory_space<semaphore_mem>> -> memref<!tpu.dma_semaphore, #tpu.memory_space<semaphore_mem>>
    tpu.wait_indirect_dma semaphore(%dma_wait3A_55 : memref<!tpu.dma_semaphore, #tpu.memory_space<semaphore_mem>>) src(%dma_wait3A_53 : memref<10240x128xf32, #tpu.memory_space<hbm>>) dst(%dma_wait3A_47 : memref<128x128xf32, #tpu.memory_space<vmem>>)
    %dma_start3A_56 = arith.constant 0 : i32
    %dma_start3A_57 = arith.constant 38 : i32
    %dma_start3A_58 = arith.constant 0 : i32
    %dma_start3A_59 = arith.constant 0 : i32
    %dma_start3A_60 = arith.constant 0 : i32
    %dma_start3A_61 = tpu.memref_slice %arg10[%dma_start3A_56, %dma_start3A_59, %dma_start3A_60] : memref<2x128x128xf32, #tpu.memory_space<vmem>> -> memref<1x128x128xf32, #tpu.memory_space<vmem>>
    %dma_start3A_62 = tpu.memref_squeeze %dma_start3A_61 : memref<1x128x128xf32, #tpu.memory_space<vmem>> -> memref<128x128xf32, #tpu.memory_space<vmem>>
    %dma_start3A_63 = arith.constant 0 : i32
    %dma_start3A_64 = tpu.memref_slice %arg9[%dma_start3A_57, %dma_start3A_63] : memref<40x128xi32, #tpu.memory_space<vmem>> -> memref<1x128xi32, #tpu.memory_space<vmem>>
    %dma_start3A_65 = tpu.memref_squeeze %dma_start3A_64 : memref<1x128xi32, #tpu.memory_space<vmem>> -> memref<128xi32, #tpu.memory_space<vmem>>
    %dma_start3A_66 = arith.constant 0 : i32
    %dma_start3A_67 = arith.constant 0 : i32
    %dma_start3A_68 = tpu.memref_slice %arg7[%dma_start3A_66, %dma_start3A_67] : memref<10240x128xf32, #tpu.memory_space<vmem_shared>> -> memref<10240x128xf32, #tpu.memory_space<vmem_shared>>
    %dma_start3A_69 = tpu.memref_slice %arg12[%dma_start3A_58] : memref<2x!tpu.dma_semaphore, #tpu.memory_space<semaphore_mem>> -> memref<1x!tpu.dma_semaphore, #tpu.memory_space<semaphore_mem>>
    %dma_start3A_70 = tpu.memref_squeeze %dma_start3A_69 : memref<1x!tpu.dma_semaphore, #tpu.memory_space<semaphore_mem>> -> memref<!tpu.dma_semaphore, #tpu.memory_space<semaphore_mem>>
    tpu.enqueue_indirect_dma source(%dma_start3A_62 : memref<128x128xf32, #tpu.memory_space<vmem>>) target(%dma_start3A_68 : memref<10240x128xf32, #tpu.memory_space<vmem_shared>>) offsets(%dma_start3A_65 : memref<128xi32, #tpu.memory_space<vmem>>) semaphore(%dma_start3A_70 : memref<!tpu.dma_semaphore, #tpu.memory_space<semaphore_mem>>) {add = true}
    %dma_wait3A_71 = arith.constant 0 : i32
    %dma_wait3A_72 = arith.constant 38 : i32
    %dma_wait3A_73 = arith.constant 0 : i32
    %dma_wait3A_74 = arith.constant 0 : i32
    %dma_wait3A_75 = arith.constant 0 : i32
    %dma_wait3A_76 = tpu.memref_slice %arg10[%dma_wait3A_71, %dma_wait3A_74, %dma_wait3A_75] : memref<2x128x128xf32, #tpu.memory_space<vmem>> -> memref<1x128x128xf32, #tpu.memory_space<vmem>>
    %dma_wait3A_77 = tpu.memref_squeeze %dma_wait3A_76 : memref<1x128x128xf32, #tpu.memory_space<vmem>> -> memref<128x128xf32, #tpu.memory_space<vmem>>
    %dma_wait3A_78 = arith.constant 0 : i32
    %dma_wait3A_79 = tpu.memref_slice %arg9[%dma_wait3A_72, %dma_wait3A_78] : memref<40x128xi32, #tpu.memory_space<vmem>> -> memref<1x128xi32, #tpu.memory_space<vmem>>
    %dma_wait3A_80 = tpu.memref_squeeze %dma_wait3A_79 : memref<1x128xi32, #tpu.memory_space<vmem>> -> memref<128xi32, #tpu.memory_space<vmem>>
    %dma_wait3A_81 = arith.constant 0 : i32
    %dma_wait3A_82 = arith.constant 0 : i32
    %dma_wait3A_83 = tpu.memref_slice %arg7[%dma_wait3A_81, %dma_wait3A_82] : memref<10240x128xf32, #tpu.memory_space<vmem_shared>> -> memref<10240x128xf32, #tpu.memory_space<vmem_shared>>
    %dma_wait3A_84 = tpu.memref_slice %arg12[%dma_wait3A_73] : memref<2x!tpu.dma_semaphore, #tpu.memory_space<semaphore_mem>> -> memref<1x!tpu.dma_semaphore, #tpu.memory_space<semaphore_mem>>
    %dma_wait3A_85 = tpu.memref_squeeze %dma_wait3A_84 : memref<1x!tpu.dma_semaphore, #tpu.memory_space<semaphore_mem>> -> memref<!tpu.dma_semaphore, #tpu.memory_space<semaphore_mem>>
    tpu.wait_indirect_dma semaphore(%dma_wait3A_85 : memref<!tpu.dma_semaphore, #tpu.memory_space<semaphore_mem>>) src(%dma_wait3A_77 : memref<128x128xf32, #tpu.memory_space<vmem>>) dst(%dma_wait3A_83 : memref<10240x128xf32, #tpu.memory_space<vmem_shared>>)
    %dma_wait3A_86 = arith.constant 39 : i32
    %dma_wait3A_87 = arith.constant 1 : i32
    %dma_wait3A_88 = arith.constant 1 : i32
    %dma_wait3A_89 = arith.constant 0 : i32
    %dma_wait3A_90 = arith.constant 0 : i32
    %dma_wait3A_91 = tpu.memref_slice %arg10[%dma_wait3A_87, %dma_wait3A_89, %dma_wait3A_90] : memref<2x128x128xf32, #tpu.memory_space<vmem>> -> memref<1x128x128xf32, #tpu.memory_space<vmem>>
    %dma_wait3A_92 = tpu.memref_squeeze %dma_wait3A_91 : memref<1x128x128xf32, #tpu.memory_space<vmem>> -> memref<128x128xf32, #tpu.memory_space<vmem>>
    %dma_wait3A_93 = arith.constant 0 : i32
    %dma_wait3A_94 = tpu.memref_slice %arg8[%dma_wait3A_86, %dma_wait3A_93] : memref<40x128xi32, #tpu.memory_space<vmem>> -> memref<1x128xi32, #tpu.memory_space<vmem>>
    %dma_wait3A_95 = tpu.memref_squeeze %dma_wait3A_94 : memref<1x128xi32, #tpu.memory_space<vmem>> -> memref<128xi32, #tpu.memory_space<vmem>>
    %dma_wait3A_96 = arith.constant 0 : i32
    %dma_wait3A_97 = arith.constant 0 : i32
    %dma_wait3A_98 = tpu.memref_slice %arg2[%dma_wait3A_96, %dma_wait3A_97] : memref<10240x128xf32, #tpu.memory_space<hbm>> -> memref<10240x128xf32, #tpu.memory_space<hbm>>
    %dma_wait3A_99 = tpu.memref_slice %arg11[%dma_wait3A_88] : memref<2x!tpu.dma_semaphore, #tpu.memory_space<semaphore_mem>> -> memref<1x!tpu.dma_semaphore, #tpu.memory_space<semaphore_mem>>
    %dma_wait3A_100 = tpu.memref_squeeze %dma_wait3A_99 : memref<1x!tpu.dma_semaphore, #tpu.memory_space<semaphore_mem>> -> memref<!tpu.dma_semaphore, #tpu.memory_space<semaphore_mem>>
    tpu.wait_indirect_dma semaphore(%dma_wait3A_100 : memref<!tpu.dma_semaphore, #tpu.memory_space<semaphore_mem>>) src(%dma_wait3A_98 : memref<10240x128xf32, #tpu.memory_space<hbm>>) dst(%dma_wait3A_92 : memref<128x128xf32, #tpu.memory_space<vmem>>)
    %dma_start3A_101 = arith.constant 1 : i32
    %dma_start3A_102 = arith.constant 39 : i32
    %dma_start3A_103 = arith.constant 1 : i32
    %dma_start3A_104 = arith.constant 0 : i32
    %dma_start3A_105 = arith.constant 0 : i32
    %dma_start3A_106 = tpu.memref_slice %arg10[%dma_start3A_101, %dma_start3A_104, %dma_start3A_105] : memref<2x128x128xf32, #tpu.memory_space<vmem>> -> memref<1x128x128xf32, #tpu.memory_space<vmem>>
    %dma_start3A_107 = tpu.memref_squeeze %dma_start3A_106 : memref<1x128x128xf32, #tpu.memory_space<vmem>> -> memref<128x128xf32, #tpu.memory_space<vmem>>
    %dma_start3A_108 = arith.constant 0 : i32
    %dma_start3A_109 = tpu.memref_slice %arg9[%dma_start3A_102, %dma_start3A_108] : memref<40x128xi32, #tpu.memory_space<vmem>> -> memref<1x128xi32, #tpu.memory_space<vmem>>
    %dma_start3A_110 = tpu.memref_squeeze %dma_start3A_109 : memref<1x128xi32, #tpu.memory_space<vmem>> -> memref<128xi32, #tpu.memory_space<vmem>>
    %dma_start3A_111 = arith.constant 0 : i32
    %dma_start3A_112 = arith.constant 0 : i32
    %dma_start3A_113 = tpu.memref_slice %arg7[%dma_start3A_111, %dma_start3A_112] : memref<10240x128xf32, #tpu.memory_space<vmem_shared>> -> memref<10240x128xf32, #tpu.memory_space<vmem_shared>>
    %dma_start3A_114 = tpu.memref_slice %arg12[%dma_start3A_103] : memref<2x!tpu.dma_semaphore, #tpu.memory_space<semaphore_mem>> -> memref<1x!tpu.dma_semaphore, #tpu.memory_space<semaphore_mem>>
    %dma_start3A_115 = tpu.memref_squeeze %dma_start3A_114 : memref<1x!tpu.dma_semaphore, #tpu.memory_space<semaphore_mem>> -> memref<!tpu.dma_semaphore, #tpu.memory_space<semaphore_mem>>
    tpu.enqueue_indirect_dma source(%dma_start3A_107 : memref<128x128xf32, #tpu.memory_space<vmem>>) target(%dma_start3A_113 : memref<10240x128xf32, #tpu.memory_space<vmem_shared>>) offsets(%dma_start3A_110 : memref<128xi32, #tpu.memory_space<vmem>>) semaphore(%dma_start3A_115 : memref<!tpu.dma_semaphore, #tpu.memory_space<semaphore_mem>>) {add = true}
    %dma_wait3A_116 = arith.constant 1 : i32
    %dma_wait3A_117 = arith.constant 39 : i32
    %dma_wait3A_118 = arith.constant 1 : i32
    %dma_wait3A_119 = arith.constant 0 : i32
    %dma_wait3A_120 = arith.constant 0 : i32
    %dma_wait3A_121 = tpu.memref_slice %arg10[%dma_wait3A_116, %dma_wait3A_119, %dma_wait3A_120] : memref<2x128x128xf32, #tpu.memory_space<vmem>> -> memref<1x128x128xf32, #tpu.memory_space<vmem>>
    %dma_wait3A_122 = tpu.memref_squeeze %dma_wait3A_121 : memref<1x128x128xf32, #tpu.memory_space<vmem>> -> memref<128x128xf32, #tpu.memory_space<vmem>>
    %dma_wait3A_123 = arith.constant 0 : i32
    %dma_wait3A_124 = tpu.memref_slice %arg9[%dma_wait3A_117, %dma_wait3A_123] : memref<40x128xi32, #tpu.memory_space<vmem>> -> memref<1x128xi32, #tpu.memory_space<vmem>>
    %dma_wait3A_125 = tpu.memref_squeeze %dma_wait3A_124 : memref<1x128xi32, #tpu.memory_space<vmem>> -> memref<128xi32, #tpu.memory_space<vmem>>
    %dma_wait3A_126 = arith.constant 0 : i32
    %dma_wait3A_127 = arith.constant 0 : i32
    %dma_wait3A_128 = tpu.memref_slice %arg7[%dma_wait3A_126, %dma_wait3A_127] : memref<10240x128xf32, #tpu.memory_space<vmem_shared>> -> memref<10240x128xf32, #tpu.memory_space<vmem_shared>>
    %dma_wait3A_129 = tpu.memref_slice %arg12[%dma_wait3A_118] : memref<2x!tpu.dma_semaphore, #tpu.memory_space<semaphore_mem>> -> memref<1x!tpu.dma_semaphore, #tpu.memory_space<semaphore_mem>>
    %dma_wait3A_130 = tpu.memref_squeeze %dma_wait3A_129 : memref<1x!tpu.dma_semaphore, #tpu.memory_space<semaphore_mem>> -> memref<!tpu.dma_semaphore, #tpu.memory_space<semaphore_mem>>
    tpu.wait_indirect_dma semaphore(%dma_wait3A_130 : memref<!tpu.dma_semaphore, #tpu.memory_space<semaphore_mem>>) src(%dma_wait3A_122 : memref<128x128xf32, #tpu.memory_space<vmem>>) dst(%dma_wait3A_128 : memref<10240x128xf32, #tpu.memory_space<vmem_shared>>)
    %add3A_131 = arith.constant 40 : i32
    %add3A_132 = arith.addi %mul3A_4, %add3A_131 : i32
    "tpu.region"() ({
      %run_scoped3A = tpu.sem_alloc : memref<!tpu.dma_semaphore, #tpu.memory_space<semaphore_mem>>
      %dma_start3A_264 = arith.constant 0 : i32
      %dma_start3A_265 = tpu.memref_slice %arg3[%add3A_132, %dma_start3A_264] : memref<2560x128xi32, #tpu.memory_space<hbm>> -> memref<40x128xi32, #tpu.memory_space<hbm>>
      %dma_start3A_266 = arith.constant 0 : i32
      %dma_start3A_267 = tpu.memref_slice %arg3[%add3A_132, %dma_start3A_266] : memref<2560x128xi32, #tpu.memory_space<hbm>> -> memref<40x128xi32, #tpu.memory_space<hbm>>
      tpu.enqueue_dma source(%dma_start3A_267 : memref<40x128xi32, #tpu.memory_space<hbm>>) target(%arg8 : memref<40x128xi32, #tpu.memory_space<vmem>>) target_semaphore(%run_scoped3A : memref<!tpu.dma_semaphore, #tpu.memory_space<semaphore_mem>>)
      %dma_wait3A_268 = arith.constant 0 : i32
      %dma_wait3A_269 = tpu.memref_slice %arg3[%add3A_132, %dma_wait3A_268] : memref<2560x128xi32, #tpu.memory_space<hbm>> -> memref<40x128xi32, #tpu.memory_space<hbm>>
      %dma_wait3A_270 = arith.constant 0 : i32
      %dma_wait3A_271 = tpu.memref_slice %arg3[%add3A_132, %dma_wait3A_270] : memref<2560x128xi32, #tpu.memory_space<hbm>> -> memref<40x128xi32, #tpu.memory_space<hbm>>
      tpu.wait_dma2 semaphore(%run_scoped3A : memref<!tpu.dma_semaphore, #tpu.memory_space<semaphore_mem>>) src(%dma_wait3A_271 : memref<40x128xi32, #tpu.memory_space<hbm>>) dst(%arg8 : memref<40x128xi32, #tpu.memory_space<vmem>>)
      tpu.yield
    }) : () -> ()
    %add3A_133 = arith.constant 40 : i32
    %add3A_134 = arith.addi %mul3A_4, %add3A_133 : i32
    "tpu.region"() ({
      %run_scoped3A = tpu.sem_alloc : memref<!tpu.dma_semaphore, #tpu.memory_space<semaphore_mem>>
      %dma_start3A_264 = arith.constant 0 : i32
      %dma_start3A_265 = tpu.memref_slice %arg4[%add3A_134, %dma_start3A_264] : memref<2560x128xi32, #tpu.memory_space<hbm>> -> memref<40x128xi32, #tpu.memory_space<hbm>>
      %dma_start3A_266 = arith.constant 0 : i32
      %dma_start3A_267 = tpu.memref_slice %arg4[%add3A_134, %dma_start3A_266] : memref<2560x128xi32, #tpu.memory_space<hbm>> -> memref<40x128xi32, #tpu.memory_space<hbm>>
      tpu.enqueue_dma source(%dma_start3A_267 : memref<40x128xi32, #tpu.memory_space<hbm>>) target(%arg9 : memref<40x128xi32, #tpu.memory_space<vmem>>) target_semaphore(%run_scoped3A : memref<!tpu.dma_semaphore, #tpu.memory_space<semaphore_mem>>)
      %dma_wait3A_268 = arith.constant 0 : i32
      %dma_wait3A_269 = tpu.memref_slice %arg4[%add3A_134, %dma_wait3A_268] : memref<2560x128xi32, #tpu.memory_space<hbm>> -> memref<40x128xi32, #tpu.memory_space<hbm>>
      %dma_wait3A_270 = arith.constant 0 : i32
      %dma_wait3A_271 = tpu.memref_slice %arg4[%add3A_134, %dma_wait3A_270] : memref<2560x128xi32, #tpu.memory_space<hbm>> -> memref<40x128xi32, #tpu.memory_space<hbm>>
      tpu.wait_dma2 semaphore(%run_scoped3A : memref<!tpu.dma_semaphore, #tpu.memory_space<semaphore_mem>>) src(%dma_wait3A_271 : memref<40x128xi32, #tpu.memory_space<hbm>>) dst(%arg9 : memref<40x128xi32, #tpu.memory_space<vmem>>)
      tpu.yield
    }) : () -> ()
    %dma_start3A_135 = arith.constant 0 : i32
    %dma_start3A_136 = arith.constant 0 : i32
    %dma_start3A_137 = arith.constant 0 : i32
    %dma_start3A_138 = arith.constant 0 : i32
    %dma_start3A_139 = arith.constant 0 : i32
    %dma_start3A_140 = tpu.memref_slice %arg10[%dma_start3A_136, %dma_start3A_138, %dma_start3A_139] : memref<2x128x128xf32, #tpu.memory_space<vmem>> -> memref<1x128x128xf32, #tpu.memory_space<vmem>>
    %dma_start3A_141 = tpu.memref_squeeze %dma_start3A_140 : memref<1x128x128xf32, #tpu.memory_space<vmem>> -> memref<128x128xf32, #tpu.memory_space<vmem>>
    %dma_start3A_142 = arith.constant 0 : i32
    %dma_start3A_143 = tpu.memref_slice %arg8[%dma_start3A_135, %dma_start3A_142] : memref<40x128xi32, #tpu.memory_space<vmem>> -> memref<1x128xi32, #tpu.memory_space<vmem>>
    %dma_start3A_144 = tpu.memref_squeeze %dma_start3A_143 : memref<1x128xi32, #tpu.memory_space<vmem>> -> memref<128xi32, #tpu.memory_space<vmem>>
    %dma_start3A_145 = arith.constant 0 : i32
    %dma_start3A_146 = arith.constant 0 : i32
    %dma_start3A_147 = tpu.memref_slice %arg2[%dma_start3A_145, %dma_start3A_146] : memref<10240x128xf32, #tpu.memory_space<hbm>> -> memref<10240x128xf32, #tpu.memory_space<hbm>>
    %dma_start3A_148 = tpu.memref_slice %arg11[%dma_start3A_137] : memref<2x!tpu.dma_semaphore, #tpu.memory_space<semaphore_mem>> -> memref<1x!tpu.dma_semaphore, #tpu.memory_space<semaphore_mem>>
    %dma_start3A_149 = tpu.memref_squeeze %dma_start3A_148 : memref<1x!tpu.dma_semaphore, #tpu.memory_space<semaphore_mem>> -> memref<!tpu.dma_semaphore, #tpu.memory_space<semaphore_mem>>
    tpu.enqueue_indirect_dma source(%dma_start3A_147 : memref<10240x128xf32, #tpu.memory_space<hbm>>) target(%dma_start3A_141 : memref<128x128xf32, #tpu.memory_space<vmem>>) offsets(%dma_start3A_144 : memref<128xi32, #tpu.memory_space<vmem>>) semaphore(%dma_start3A_149 : memref<!tpu.dma_semaphore, #tpu.memory_space<semaphore_mem>>)
    %dma_start3A_150 = arith.constant 1 : i32
    %dma_start3A_151 = arith.constant 1 : i32
    %dma_start3A_152 = arith.constant 1 : i32
    %dma_start3A_153 = arith.constant 0 : i32
    %dma_start3A_154 = arith.constant 0 : i32
    %dma_start3A_155 = tpu.memref_slice %arg10[%dma_start3A_151, %dma_start3A_153, %dma_start3A_154] : memref<2x128x128xf32, #tpu.memory_space<vmem>> -> memref<1x128x128xf32, #tpu.memory_space<vmem>>
    %dma_start3A_156 = tpu.memref_squeeze %dma_start3A_155 : memref<1x128x128xf32, #tpu.memory_space<vmem>> -> memref<128x128xf32, #tpu.memory_space<vmem>>
    %dma_start3A_157 = arith.constant 0 : i32
    %dma_start3A_158 = tpu.memref_slice %arg8[%dma_start3A_150, %dma_start3A_157] : memref<40x128xi32, #tpu.memory_space<vmem>> -> memref<1x128xi32, #tpu.memory_space<vmem>>
    %dma_start3A_159 = tpu.memref_squeeze %dma_start3A_158 : memref<1x128xi32, #tpu.memory_space<vmem>> -> memref<128xi32, #tpu.memory_space<vmem>>
    %dma_start3A_160 = arith.constant 0 : i32
    %dma_start3A_161 = arith.constant 0 : i32
    %dma_start3A_162 = tpu.memref_slice %arg2[%dma_start3A_160, %dma_start3A_161] : memref<10240x128xf32, #tpu.memory_space<hbm>> -> memref<10240x128xf32, #tpu.memory_space<hbm>>
    %dma_start3A_163 = tpu.memref_slice %arg11[%dma_start3A_152] : memref<2x!tpu.dma_semaphore, #tpu.memory_space<semaphore_mem>> -> memref<1x!tpu.dma_semaphore, #tpu.memory_space<semaphore_mem>>
    %dma_start3A_164 = tpu.memref_squeeze %dma_start3A_163 : memref<1x!tpu.dma_semaphore, #tpu.memory_space<semaphore_mem>> -> memref<!tpu.dma_semaphore, #tpu.memory_space<semaphore_mem>>
    tpu.enqueue_indirect_dma source(%dma_start3A_162 : memref<10240x128xf32, #tpu.memory_space<hbm>>) target(%dma_start3A_156 : memref<128x128xf32, #tpu.memory_space<vmem>>) offsets(%dma_start3A_159 : memref<128xi32, #tpu.memory_space<vmem>>) semaphore(%dma_start3A_164 : memref<!tpu.dma_semaphore, #tpu.memory_space<semaphore_mem>>)
    %scan3A_165 = arith.constant 0 : i32
    %scan3A_166 = arith.constant 19 : i32
    %scan3A_167 = arith.addi %scan3A_165, %scan3A_166 : i32
    %scan3A_168 = arith.constant 1 : i32
    scf.for %scan3A_264 = %scan3A_165 to %scan3A_167 step %scan3A_168  : i32 {
      %mul3A_265 = arith.constant 2 : i32
      %mul3A_266 = arith.muli %scan3A_264, %mul3A_265 : i32
      %add3A_267 = arith.constant 0 : i32
      %add3A_268 = arith.addi %add3A_267, %mul3A_266 : i32
      %add3A_269 = arith.constant 0 : i32
      %add3A_270 = arith.addi %add3A_268, %add3A_269 : i32
      %dma_wait3A_271 = arith.constant 0 : i32
      %dma_wait3A_272 = arith.constant 0 : i32
      %dma_wait3A_273 = arith.constant 0 : i32
      %dma_wait3A_274 = arith.constant 0 : i32
      %dma_wait3A_275 = tpu.memref_slice %arg10[%dma_wait3A_271, %dma_wait3A_273, %dma_wait3A_274] : memref<2x128x128xf32, #tpu.memory_space<vmem>> -> memref<1x128x128xf32, #tpu.memory_space<vmem>>
      %dma_wait3A_276 = tpu.memref_squeeze %dma_wait3A_275 : memref<1x128x128xf32, #tpu.memory_space<vmem>> -> memref<128x128xf32, #tpu.memory_space<vmem>>
      %dma_wait3A_277 = arith.constant 0 : i32
      %dma_wait3A_278 = tpu.memref_slice %arg8[%add3A_270, %dma_wait3A_277] : memref<40x128xi32, #tpu.memory_space<vmem>> -> memref<1x128xi32, #tpu.memory_space<vmem>>
      %dma_wait3A_279 = tpu.memref_squeeze %dma_wait3A_278 : memref<1x128xi32, #tpu.memory_space<vmem>> -> memref<128xi32, #tpu.memory_space<vmem>>
      %dma_wait3A_280 = arith.constant 0 : i32
      %dma_wait3A_281 = arith.constant 0 : i32
      %dma_wait3A_282 = tpu.memref_slice %arg2[%dma_wait3A_280, %dma_wait3A_281] : memref<10240x128xf32, #tpu.memory_space<hbm>> -> memref<10240x128xf32, #tpu.memory_space<hbm>>
      %dma_wait3A_283 = tpu.memref_slice %arg11[%dma_wait3A_272] : memref<2x!tpu.dma_semaphore, #tpu.memory_space<semaphore_mem>> -> memref<1x!tpu.dma_semaphore, #tpu.memory_space<semaphore_mem>>
      %dma_wait3A_284 = tpu.memref_squeeze %dma_wait3A_283 : memref<1x!tpu.dma_semaphore, #tpu.memory_space<semaphore_mem>> -> memref<!tpu.dma_semaphore, #tpu.memory_space<semaphore_mem>>
      tpu.wait_indirect_dma semaphore(%dma_wait3A_284 : memref<!tpu.dma_semaphore, #tpu.memory_space<semaphore_mem>>) src(%dma_wait3A_282 : memref<10240x128xf32, #tpu.memory_space<hbm>>) dst(%dma_wait3A_276 : memref<128x128xf32, #tpu.memory_space<vmem>>)
      %dma_start3A_285 = arith.constant 0 : i32
      %dma_start3A_286 = arith.constant 0 : i32
      %dma_start3A_287 = arith.constant 0 : i32
      %dma_start3A_288 = arith.constant 0 : i32
      %dma_start3A_289 = tpu.memref_slice %arg10[%dma_start3A_285, %dma_start3A_287, %dma_start3A_288] : memref<2x128x128xf32, #tpu.memory_space<vmem>> -> memref<1x128x128xf32, #tpu.memory_space<vmem>>
      %dma_start3A_290 = tpu.memref_squeeze %dma_start3A_289 : memref<1x128x128xf32, #tpu.memory_space<vmem>> -> memref<128x128xf32, #tpu.memory_space<vmem>>
      %dma_start3A_291 = arith.constant 0 : i32
      %dma_start3A_292 = tpu.memref_slice %arg9[%add3A_270, %dma_start3A_291] : memref<40x128xi32, #tpu.memory_space<vmem>> -> memref<1x128xi32, #tpu.memory_space<vmem>>
      %dma_start3A_293 = tpu.memref_squeeze %dma_start3A_292 : memref<1x128xi32, #tpu.memory_space<vmem>> -> memref<128xi32, #tpu.memory_space<vmem>>
      %dma_start3A_294 = arith.constant 0 : i32
      %dma_start3A_295 = arith.constant 0 : i32
      %dma_start3A_296 = tpu.memref_slice %arg7[%dma_start3A_294, %dma_start3A_295] : memref<10240x128xf32, #tpu.memory_space<vmem_shared>> -> memref<10240x128xf32, #tpu.memory_space<vmem_shared>>
      %dma_start3A_297 = tpu.memref_slice %arg12[%dma_start3A_286] : memref<2x!tpu.dma_semaphore, #tpu.memory_space<semaphore_mem>> -> memref<1x!tpu.dma_semaphore, #tpu.memory_space<semaphore_mem>>
      %dma_start3A_298 = tpu.memref_squeeze %dma_start3A_297 : memref<1x!tpu.dma_semaphore, #tpu.memory_space<semaphore_mem>> -> memref<!tpu.dma_semaphore, #tpu.memory_space<semaphore_mem>>
      tpu.enqueue_indirect_dma source(%dma_start3A_290 : memref<128x128xf32, #tpu.memory_space<vmem>>) target(%dma_start3A_296 : memref<10240x128xf32, #tpu.memory_space<vmem_shared>>) offsets(%dma_start3A_293 : memref<128xi32, #tpu.memory_space<vmem>>) semaphore(%dma_start3A_298 : memref<!tpu.dma_semaphore, #tpu.memory_space<semaphore_mem>>) {add = true}
      %dma_wait3A_299 = arith.constant 0 : i32
      %dma_wait3A_300 = arith.constant 0 : i32
      %dma_wait3A_301 = arith.constant 0 : i32
      %dma_wait3A_302 = arith.constant 0 : i32
      %dma_wait3A_303 = tpu.memref_slice %arg10[%dma_wait3A_299, %dma_wait3A_301, %dma_wait3A_302] : memref<2x128x128xf32, #tpu.memory_space<vmem>> -> memref<1x128x128xf32, #tpu.memory_space<vmem>>
      %dma_wait3A_304 = tpu.memref_squeeze %dma_wait3A_303 : memref<1x128x128xf32, #tpu.memory_space<vmem>> -> memref<128x128xf32, #tpu.memory_space<vmem>>
      %dma_wait3A_305 = arith.constant 0 : i32
      %dma_wait3A_306 = tpu.memref_slice %arg9[%add3A_270, %dma_wait3A_305] : memref<40x128xi32, #tpu.memory_space<vmem>> -> memref<1x128xi32, #tpu.memory_space<vmem>>
      %dma_wait3A_307 = tpu.memref_squeeze %dma_wait3A_306 : memref<1x128xi32, #tpu.memory_space<vmem>> -> memref<128xi32, #tpu.memory_space<vmem>>
      %dma_wait3A_308 = arith.constant 0 : i32
      %dma_wait3A_309 = arith.constant 0 : i32
      %dma_wait3A_310 = tpu.memref_slice %arg7[%dma_wait3A_308, %dma_wait3A_309] : memref<10240x128xf32, #tpu.memory_space<vmem_shared>> -> memref<10240x128xf32, #tpu.memory_space<vmem_shared>>
      %dma_wait3A_311 = tpu.memref_slice %arg12[%dma_wait3A_300] : memref<2x!tpu.dma_semaphore, #tpu.memory_space<semaphore_mem>> -> memref<1x!tpu.dma_semaphore, #tpu.memory_space<semaphore_mem>>
      %dma_wait3A_312 = tpu.memref_squeeze %dma_wait3A_311 : memref<1x!tpu.dma_semaphore, #tpu.memory_space<semaphore_mem>> -> memref<!tpu.dma_semaphore, #tpu.memory_space<semaphore_mem>>
      tpu.wait_indirect_dma semaphore(%dma_wait3A_312 : memref<!tpu.dma_semaphore, #tpu.memory_space<semaphore_mem>>) src(%dma_wait3A_304 : memref<128x128xf32, #tpu.memory_space<vmem>>) dst(%dma_wait3A_310 : memref<10240x128xf32, #tpu.memory_space<vmem_shared>>)
      %add3A_313 = arith.constant 2 : i32
      %add3A_314 = arith.addi %add3A_270, %add3A_313 : i32
      %dma_start3A_315 = arith.constant 0 : i32
      %dma_start3A_316 = arith.constant 0 : i32
      %dma_start3A_317 = arith.constant 0 : i32
      %dma_start3A_318 = arith.constant 0 : i32
      %dma_start3A_319 = tpu.memref_slice %arg10[%dma_start3A_315, %dma_start3A_317, %dma_start3A_318] : memref<2x128x128xf32, #tpu.memory_space<vmem>> -> memref<1x128x128xf32, #tpu.memory_space<vmem>>
      %dma_start3A_320 = tpu.memref_squeeze %dma_start3A_319 : memref<1x128x128xf32, #tpu.memory_space<vmem>> -> memref<128x128xf32, #tpu.memory_space<vmem>>
      %dma_start3A_321 = arith.constant 0 : i32
      %dma_start3A_322 = tpu.memref_slice %arg8[%add3A_314, %dma_start3A_321] : memref<40x128xi32, #tpu.memory_space<vmem>> -> memref<1x128xi32, #tpu.memory_space<vmem>>
      %dma_start3A_323 = tpu.memref_squeeze %dma_start3A_322 : memref<1x128xi32, #tpu.memory_space<vmem>> -> memref<128xi32, #tpu.memory_space<vmem>>
      %dma_start3A_324 = arith.constant 0 : i32
      %dma_start3A_325 = arith.constant 0 : i32
      %dma_start3A_326 = tpu.memref_slice %arg2[%dma_start3A_324, %dma_start3A_325] : memref<10240x128xf32, #tpu.memory_space<hbm>> -> memref<10240x128xf32, #tpu.memory_space<hbm>>
      %dma_start3A_327 = tpu.memref_slice %arg11[%dma_start3A_316] : memref<2x!tpu.dma_semaphore, #tpu.memory_space<semaphore_mem>> -> memref<1x!tpu.dma_semaphore, #tpu.memory_space<semaphore_mem>>
      %dma_start3A_328 = tpu.memref_squeeze %dma_start3A_327 : memref<1x!tpu.dma_semaphore, #tpu.memory_space<semaphore_mem>> -> memref<!tpu.dma_semaphore, #tpu.memory_space<semaphore_mem>>
      tpu.enqueue_indirect_dma source(%dma_start3A_326 : memref<10240x128xf32, #tpu.memory_space<hbm>>) target(%dma_start3A_320 : memref<128x128xf32, #tpu.memory_space<vmem>>) offsets(%dma_start3A_323 : memref<128xi32, #tpu.memory_space<vmem>>) semaphore(%dma_start3A_328 : memref<!tpu.dma_semaphore, #tpu.memory_space<semaphore_mem>>)
      %add3A_329 = arith.constant 1 : i32
      %add3A_330 = arith.addi %add3A_268, %add3A_329 : i32
      %dma_wait3A_331 = arith.constant 1 : i32
      %dma_wait3A_332 = arith.constant 1 : i32
      %dma_wait3A_333 = arith.constant 0 : i32
      %dma_wait3A_334 = arith.constant 0 : i32
      %dma_wait3A_335 = tpu.memref_slice %arg10[%dma_wait3A_331, %dma_wait3A_333, %dma_wait3A_334] : memref<2x128x128xf32, #tpu.memory_space<vmem>> -> memref<1x128x128xf32, #tpu.memory_space<vmem>>
      %dma_wait3A_336 = tpu.memref_squeeze %dma_wait3A_335 : memref<1x128x128xf32, #tpu.memory_space<vmem>> -> memref<128x128xf32, #tpu.memory_space<vmem>>
      %dma_wait3A_337 = arith.constant 0 : i32
      %dma_wait3A_338 = tpu.memref_slice %arg8[%add3A_330, %dma_wait3A_337] : memref<40x128xi32, #tpu.memory_space<vmem>> -> memref<1x128xi32, #tpu.memory_space<vmem>>
      %dma_wait3A_339 = tpu.memref_squeeze %dma_wait3A_338 : memref<1x128xi32, #tpu.memory_space<vmem>> -> memref<128xi32, #tpu.memory_space<vmem>>
      %dma_wait3A_340 = arith.constant 0 : i32
      %dma_wait3A_341 = arith.constant 0 : i32
      %dma_wait3A_342 = tpu.memref_slice %arg2[%dma_wait3A_340, %dma_wait3A_341] : memref<10240x128xf32, #tpu.memory_space<hbm>> -> memref<10240x128xf32, #tpu.memory_space<hbm>>
      %dma_wait3A_343 = tpu.memref_slice %arg11[%dma_wait3A_332] : memref<2x!tpu.dma_semaphore, #tpu.memory_space<semaphore_mem>> -> memref<1x!tpu.dma_semaphore, #tpu.memory_space<semaphore_mem>>
      %dma_wait3A_344 = tpu.memref_squeeze %dma_wait3A_343 : memref<1x!tpu.dma_semaphore, #tpu.memory_space<semaphore_mem>> -> memref<!tpu.dma_semaphore, #tpu.memory_space<semaphore_mem>>
      tpu.wait_indirect_dma semaphore(%dma_wait3A_344 : memref<!tpu.dma_semaphore, #tpu.memory_space<semaphore_mem>>) src(%dma_wait3A_342 : memref<10240x128xf32, #tpu.memory_space<hbm>>) dst(%dma_wait3A_336 : memref<128x128xf32, #tpu.memory_space<vmem>>)
      %dma_start3A_345 = arith.constant 1 : i32
      %dma_start3A_346 = arith.constant 1 : i32
      %dma_start3A_347 = arith.constant 0 : i32
      %dma_start3A_348 = arith.constant 0 : i32
      %dma_start3A_349 = tpu.memref_slice %arg10[%dma_start3A_345, %dma_start3A_347, %dma_start3A_348] : memref<2x128x128xf32, #tpu.memory_space<vmem>> -> memref<1x128x128xf32, #tpu.memory_space<vmem>>
      %dma_start3A_350 = tpu.memref_squeeze %dma_start3A_349 : memref<1x128x128xf32, #tpu.memory_space<vmem>> -> memref<128x128xf32, #tpu.memory_space<vmem>>
      %dma_start3A_351 = arith.constant 0 : i32
      %dma_start3A_352 = tpu.memref_slice %arg9[%add3A_330, %dma_start3A_351] : memref<40x128xi32, #tpu.memory_space<vmem>> -> memref<1x128xi32, #tpu.memory_space<vmem>>
      %dma_start3A_353 = tpu.memref_squeeze %dma_start3A_352 : memref<1x128xi32, #tpu.memory_space<vmem>> -> memref<128xi32, #tpu.memory_space<vmem>>
      %dma_start3A_354 = arith.constant 0 : i32
      %dma_start3A_355 = arith.constant 0 : i32
      %dma_start3A_356 = tpu.memref_slice %arg7[%dma_start3A_354, %dma_start3A_355] : memref<10240x128xf32, #tpu.memory_space<vmem_shared>> -> memref<10240x128xf32, #tpu.memory_space<vmem_shared>>
      %dma_start3A_357 = tpu.memref_slice %arg12[%dma_start3A_346] : memref<2x!tpu.dma_semaphore, #tpu.memory_space<semaphore_mem>> -> memref<1x!tpu.dma_semaphore, #tpu.memory_space<semaphore_mem>>
      %dma_start3A_358 = tpu.memref_squeeze %dma_start3A_357 : memref<1x!tpu.dma_semaphore, #tpu.memory_space<semaphore_mem>> -> memref<!tpu.dma_semaphore, #tpu.memory_space<semaphore_mem>>
      tpu.enqueue_indirect_dma source(%dma_start3A_350 : memref<128x128xf32, #tpu.memory_space<vmem>>) target(%dma_start3A_356 : memref<10240x128xf32, #tpu.memory_space<vmem_shared>>) offsets(%dma_start3A_353 : memref<128xi32, #tpu.memory_space<vmem>>) semaphore(%dma_start3A_358 : memref<!tpu.dma_semaphore, #tpu.memory_space<semaphore_mem>>) {add = true}
      %dma_wait3A_359 = arith.constant 1 : i32
      %dma_wait3A_360 = arith.constant 1 : i32
      %dma_wait3A_361 = arith.constant 0 : i32
      %dma_wait3A_362 = arith.constant 0 : i32
      %dma_wait3A_363 = tpu.memref_slice %arg10[%dma_wait3A_359, %dma_wait3A_361, %dma_wait3A_362] : memref<2x128x128xf32, #tpu.memory_space<vmem>> -> memref<1x128x128xf32, #tpu.memory_space<vmem>>
      %dma_wait3A_364 = tpu.memref_squeeze %dma_wait3A_363 : memref<1x128x128xf32, #tpu.memory_space<vmem>> -> memref<128x128xf32, #tpu.memory_space<vmem>>
      %dma_wait3A_365 = arith.constant 0 : i32
      %dma_wait3A_366 = tpu.memref_slice %arg9[%add3A_330, %dma_wait3A_365] : memref<40x128xi32, #tpu.memory_space<vmem>> -> memref<1x128xi32, #tpu.memory_space<vmem>>
      %dma_wait3A_367 = tpu.memref_squeeze %dma_wait3A_366 : memref<1x128xi32, #tpu.memory_space<vmem>> -> memref<128xi32, #tpu.memory_space<vmem>>
      %dma_wait3A_368 = arith.constant 0 : i32
      %dma_wait3A_369 = arith.constant 0 : i32
      %dma_wait3A_370 = tpu.memref_slice %arg7[%dma_wait3A_368, %dma_wait3A_369] : memref<10240x128xf32, #tpu.memory_space<vmem_shared>> -> memref<10240x128xf32, #tpu.memory_space<vmem_shared>>
      %dma_wait3A_371 = tpu.memref_slice %arg12[%dma_wait3A_360] : memref<2x!tpu.dma_semaphore, #tpu.memory_space<semaphore_mem>> -> memref<1x!tpu.dma_semaphore, #tpu.memory_space<semaphore_mem>>
      %dma_wait3A_372 = tpu.memref_squeeze %dma_wait3A_371 : memref<1x!tpu.dma_semaphore, #tpu.memory_space<semaphore_mem>> -> memref<!tpu.dma_semaphore, #tpu.memory_space<semaphore_mem>>
      tpu.wait_indirect_dma semaphore(%dma_wait3A_372 : memref<!tpu.dma_semaphore, #tpu.memory_space<semaphore_mem>>) src(%dma_wait3A_364 : memref<128x128xf32, #tpu.memory_space<vmem>>) dst(%dma_wait3A_370 : memref<10240x128xf32, #tpu.memory_space<vmem_shared>>)
      %add3A_373 = arith.constant 2 : i32
      %add3A_374 = arith.addi %add3A_330, %add3A_373 : i32
      %dma_start3A_375 = arith.constant 1 : i32
      %dma_start3A_376 = arith.constant 1 : i32
      %dma_start3A_377 = arith.constant 0 : i32
      %dma_start3A_378 = arith.constant 0 : i32
      %dma_start3A_379 = tpu.memref_slice %arg10[%dma_start3A_375, %dma_start3A_377, %dma_start3A_378] : memref<2x128x128xf32, #tpu.memory_space<vmem>> -> memref<1x128x128xf32, #tpu.memory_space<vmem>>
      %dma_start3A_380 = tpu.memref_squeeze %dma_start3A_379 : memref<1x128x128xf32, #tpu.memory_space<vmem>> -> memref<128x128xf32, #tpu.memory_space<vmem>>
      %dma_start3A_381 = arith.constant 0 : i32
      %dma_start3A_382 = tpu.memref_slice %arg8[%add3A_374, %dma_start3A_381] : memref<40x128xi32, #tpu.memory_space<vmem>> -> memref<1x128xi32, #tpu.memory_space<vmem>>
      %dma_start3A_383 = tpu.memref_squeeze %dma_start3A_382 : memref<1x128xi32, #tpu.memory_space<vmem>> -> memref<128xi32, #tpu.memory_space<vmem>>
      %dma_start3A_384 = arith.constant 0 : i32
      %dma_start3A_385 = arith.constant 0 : i32
      %dma_start3A_386 = tpu.memref_slice %arg2[%dma_start3A_384, %dma_start3A_385] : memref<10240x128xf32, #tpu.memory_space<hbm>> -> memref<10240x128xf32, #tpu.memory_space<hbm>>
      %dma_start3A_387 = tpu.memref_slice %arg11[%dma_start3A_376] : memref<2x!tpu.dma_semaphore, #tpu.memory_space<semaphore_mem>> -> memref<1x!tpu.dma_semaphore, #tpu.memory_space<semaphore_mem>>
      %dma_start3A_388 = tpu.memref_squeeze %dma_start3A_387 : memref<1x!tpu.dma_semaphore, #tpu.memory_space<semaphore_mem>> -> memref<!tpu.dma_semaphore, #tpu.memory_space<semaphore_mem>>
      tpu.enqueue_indirect_dma source(%dma_start3A_386 : memref<10240x128xf32, #tpu.memory_space<hbm>>) target(%dma_start3A_380 : memref<128x128xf32, #tpu.memory_space<vmem>>) offsets(%dma_start3A_383 : memref<128xi32, #tpu.memory_space<vmem>>) semaphore(%dma_start3A_388 : memref<!tpu.dma_semaphore, #tpu.memory_space<semaphore_mem>>)
    }
    %scan3A_169 = arith.constant 19 : i32
    %dma_wait3A_170 = arith.constant 38 : i32
    %dma_wait3A_171 = arith.constant 0 : i32
    %dma_wait3A_172 = arith.constant 0 : i32
    %dma_wait3A_173 = arith.constant 0 : i32
    %dma_wait3A_174 = arith.constant 0 : i32
    %dma_wait3A_175 = tpu.memref_slice %arg10[%dma_wait3A_171, %dma_wait3A_173, %dma_wait3A_174] : memref<2x128x128xf32, #tpu.memory_space<vmem>> -> memref<1x128x128xf32, #tpu.memory_space<vmem>>
    %dma_wait3A_176 = tpu.memref_squeeze %dma_wait3A_175 : memref<1x128x128xf32, #tpu.memory_space<vmem>> -> memref<128x128xf32, #tpu.memory_space<vmem>>
    %dma_wait3A_177 = arith.constant 0 : i32
    %dma_wait3A_178 = tpu.memref_slice %arg8[%dma_wait3A_170, %dma_wait3A_177] : memref<40x128xi32, #tpu.memory_space<vmem>> -> memref<1x128xi32, #tpu.memory_space<vmem>>
    %dma_wait3A_179 = tpu.memref_squeeze %dma_wait3A_178 : memref<1x128xi32, #tpu.memory_space<vmem>> -> memref<128xi32, #tpu.memory_space<vmem>>
    %dma_wait3A_180 = arith.constant 0 : i32
    %dma_wait3A_181 = arith.constant 0 : i32
    %dma_wait3A_182 = tpu.memref_slice %arg2[%dma_wait3A_180, %dma_wait3A_181] : memref<10240x128xf32, #tpu.memory_space<hbm>> -> memref<10240x128xf32, #tpu.memory_space<hbm>>
    %dma_wait3A_183 = tpu.memref_slice %arg11[%dma_wait3A_172] : memref<2x!tpu.dma_semaphore, #tpu.memory_space<semaphore_mem>> -> memref<1x!tpu.dma_semaphore, #tpu.memory_space<semaphore_mem>>
    %dma_wait3A_184 = tpu.memref_squeeze %dma_wait3A_183 : memref<1x!tpu.dma_semaphore, #tpu.memory_space<semaphore_mem>> -> memref<!tpu.dma_semaphore, #tpu.memory_space<semaphore_mem>>
    tpu.wait_indirect_dma semaphore(%dma_wait3A_184 : memref<!tpu.dma_semaphore, #tpu.memory_space<semaphore_mem>>) src(%dma_wait3A_182 : memref<10240x128xf32, #tpu.memory_space<hbm>>) dst(%dma_wait3A_176 : memref<128x128xf32, #tpu.memory_space<vmem>>)
    %dma_start3A_185 = arith.constant 0 : i32
    %dma_start3A_186 = arith.constant 38 : i32
    %dma_start3A_187 = arith.constant 0 : i32
    %dma_start3A_188 = arith.constant 0 : i32
    %dma_start3A_189 = arith.constant 0 : i32
    %dma_start3A_190 = tpu.memref_slice %arg10[%dma_start3A_185, %dma_start3A_188, %dma_start3A_189] : memref<2x128x128xf32, #tpu.memory_space<vmem>> -> memref<1x128x128xf32, #tpu.memory_space<vmem>>
    %dma_start3A_191 = tpu.memref_squeeze %dma_start3A_190 : memref<1x128x128xf32, #tpu.memory_space<vmem>> -> memref<128x128xf32, #tpu.memory_space<vmem>>
    %dma_start3A_192 = arith.constant 0 : i32
    %dma_start3A_193 = tpu.memref_slice %arg9[%dma_start3A_186, %dma_start3A_192] : memref<40x128xi32, #tpu.memory_space<vmem>> -> memref<1x128xi32, #tpu.memory_space<vmem>>
    %dma_start3A_194 = tpu.memref_squeeze %dma_start3A_193 : memref<1x128xi32, #tpu.memory_space<vmem>> -> memref<128xi32, #tpu.memory_space<vmem>>
    %dma_start3A_195 = arith.constant 0 : i32
    %dma_start3A_196 = arith.constant 0 : i32
    %dma_start3A_197 = tpu.memref_slice %arg7[%dma_start3A_195, %dma_start3A_196] : memref<10240x128xf32, #tpu.memory_space<vmem_shared>> -> memref<10240x128xf32, #tpu.memory_space<vmem_shared>>
    %dma_start3A_198 = tpu.memref_slice %arg12[%dma_start3A_187] : memref<2x!tpu.dma_semaphore, #tpu.memory_space<semaphore_mem>> -> memref<1x!tpu.dma_semaphore, #tpu.memory_space<semaphore_mem>>
    %dma_start3A_199 = tpu.memref_squeeze %dma_start3A_198 : memref<1x!tpu.dma_semaphore, #tpu.memory_space<semaphore_mem>> -> memref<!tpu.dma_semaphore, #tpu.memory_space<semaphore_mem>>
    tpu.enqueue_indirect_dma source(%dma_start3A_191 : memref<128x128xf32, #tpu.memory_space<vmem>>) target(%dma_start3A_197 : memref<10240x128xf32, #tpu.memory_space<vmem_shared>>) offsets(%dma_start3A_194 : memref<128xi32, #tpu.memory_space<vmem>>) semaphore(%dma_start3A_199 : memref<!tpu.dma_semaphore, #tpu.memory_space<semaphore_mem>>) {add = true}
    %dma_wait3A_200 = arith.constant 0 : i32
    %dma_wait3A_201 = arith.constant 38 : i32
    %dma_wait3A_202 = arith.constant 0 : i32
    %dma_wait3A_203 = arith.constant 0 : i32
    %dma_wait3A_204 = arith.constant 0 : i32
    %dma_wait3A_205 = tpu.memref_slice %arg10[%dma_wait3A_200, %dma_wait3A_203, %dma_wait3A_204] : memref<2x128x128xf32, #tpu.memory_space<vmem>> -> memref<1x128x128xf32, #tpu.memory_space<vmem>>
    %dma_wait3A_206 = tpu.memref_squeeze %dma_wait3A_205 : memref<1x128x128xf32, #tpu.memory_space<vmem>> -> memref<128x128xf32, #tpu.memory_space<vmem>>
    %dma_wait3A_207 = arith.constant 0 : i32
    %dma_wait3A_208 = tpu.memref_slice %arg9[%dma_wait3A_201, %dma_wait3A_207] : memref<40x128xi32, #tpu.memory_space<vmem>> -> memref<1x128xi32, #tpu.memory_space<vmem>>
    %dma_wait3A_209 = tpu.memref_squeeze %dma_wait3A_208 : memref<1x128xi32, #tpu.memory_space<vmem>> -> memref<128xi32, #tpu.memory_space<vmem>>
    %dma_wait3A_210 = arith.constant 0 : i32
    %dma_wait3A_211 = arith.constant 0 : i32
    %dma_wait3A_212 = tpu.memref_slice %arg7[%dma_wait3A_210, %dma_wait3A_211] : memref<10240x128xf32, #tpu.memory_space<vmem_shared>> -> memref<10240x128xf32, #tpu.memory_space<vmem_shared>>
    %dma_wait3A_213 = tpu.memref_slice %arg12[%dma_wait3A_202] : memref<2x!tpu.dma_semaphore, #tpu.memory_space<semaphore_mem>> -> memref<1x!tpu.dma_semaphore, #tpu.memory_space<semaphore_mem>>
    %dma_wait3A_214 = tpu.memref_squeeze %dma_wait3A_213 : memref<1x!tpu.dma_semaphore, #tpu.memory_space<semaphore_mem>> -> memref<!tpu.dma_semaphore, #tpu.memory_space<semaphore_mem>>
    tpu.wait_indirect_dma semaphore(%dma_wait3A_214 : memref<!tpu.dma_semaphore, #tpu.memory_space<semaphore_mem>>) src(%dma_wait3A_206 : memref<128x128xf32, #tpu.memory_space<vmem>>) dst(%dma_wait3A_212 : memref<10240x128xf32, #tpu.memory_space<vmem_shared>>)
    %dma_wait3A_215 = arith.constant 39 : i32
    %dma_wait3A_216 = arith.constant 1 : i32
    %dma_wait3A_217 = arith.constant 1 : i32
    %dma_wait3A_218 = arith.constant 0 : i32
    %dma_wait3A_219 = arith.constant 0 : i32
    %dma_wait3A_220 = tpu.memref_slice %arg10[%dma_wait3A_216, %dma_wait3A_218, %dma_wait3A_219] : memref<2x128x128xf32, #tpu.memory_space<vmem>> -> memref<1x128x128xf32, #tpu.memory_space<vmem>>
    %dma_wait3A_221 = tpu.memref_squeeze %dma_wait3A_220 : memref<1x128x128xf32, #tpu.memory_space<vmem>> -> memref<128x128xf32, #tpu.memory_space<vmem>>
    %dma_wait3A_222 = arith.constant 0 : i32
    %dma_wait3A_223 = tpu.memref_slice %arg8[%dma_wait3A_215, %dma_wait3A_222] : memref<40x128xi32, #tpu.memory_space<vmem>> -> memref<1x128xi32, #tpu.memory_space<vmem>>
    %dma_wait3A_224 = tpu.memref_squeeze %dma_wait3A_223 : memref<1x128xi32, #tpu.memory_space<vmem>> -> memref<128xi32, #tpu.memory_space<vmem>>
    %dma_wait3A_225 = arith.constant 0 : i32
    %dma_wait3A_226 = arith.constant 0 : i32
    %dma_wait3A_227 = tpu.memref_slice %arg2[%dma_wait3A_225, %dma_wait3A_226] : memref<10240x128xf32, #tpu.memory_space<hbm>> -> memref<10240x128xf32, #tpu.memory_space<hbm>>
    %dma_wait3A_228 = tpu.memref_slice %arg11[%dma_wait3A_217] : memref<2x!tpu.dma_semaphore, #tpu.memory_space<semaphore_mem>> -> memref<1x!tpu.dma_semaphore, #tpu.memory_space<semaphore_mem>>
    %dma_wait3A_229 = tpu.memref_squeeze %dma_wait3A_228 : memref<1x!tpu.dma_semaphore, #tpu.memory_space<semaphore_mem>> -> memref<!tpu.dma_semaphore, #tpu.memory_space<semaphore_mem>>
    tpu.wait_indirect_dma semaphore(%dma_wait3A_229 : memref<!tpu.dma_semaphore, #tpu.memory_space<semaphore_mem>>) src(%dma_wait3A_227 : memref<10240x128xf32, #tpu.memory_space<hbm>>) dst(%dma_wait3A_221 : memref<128x128xf32, #tpu.memory_space<vmem>>)
    %dma_start3A_230 = arith.constant 1 : i32
    %dma_start3A_231 = arith.constant 39 : i32
    %dma_start3A_232 = arith.constant 1 : i32
    %dma_start3A_233 = arith.constant 0 : i32
    %dma_start3A_234 = arith.constant 0 : i32
    %dma_start3A_235 = tpu.memref_slice %arg10[%dma_start3A_230, %dma_start3A_233, %dma_start3A_234] : memref<2x128x128xf32, #tpu.memory_space<vmem>> -> memref<1x128x128xf32, #tpu.memory_space<vmem>>
    %dma_start3A_236 = tpu.memref_squeeze %dma_start3A_235 : memref<1x128x128xf32, #tpu.memory_space<vmem>> -> memref<128x128xf32, #tpu.memory_space<vmem>>
    %dma_start3A_237 = arith.constant 0 : i32
    %dma_start3A_238 = tpu.memref_slice %arg9[%dma_start3A_231, %dma_start3A_237] : memref<40x128xi32, #tpu.memory_space<vmem>> -> memref<1x128xi32, #tpu.memory_space<vmem>>
    %dma_start3A_239 = tpu.memref_squeeze %dma_start3A_238 : memref<1x128xi32, #tpu.memory_space<vmem>> -> memref<128xi32, #tpu.memory_space<vmem>>
    %dma_start3A_240 = arith.constant 0 : i32
    %dma_start3A_241 = arith.constant 0 : i32
    %dma_start3A_242 = tpu.memref_slice %arg7[%dma_start3A_240, %dma_start3A_241] : memref<10240x128xf32, #tpu.memory_space<vmem_shared>> -> memref<10240x128xf32, #tpu.memory_space<vmem_shared>>
    %dma_start3A_243 = tpu.memref_slice %arg12[%dma_start3A_232] : memref<2x!tpu.dma_semaphore, #tpu.memory_space<semaphore_mem>> -> memref<1x!tpu.dma_semaphore, #tpu.memory_space<semaphore_mem>>
    %dma_start3A_244 = tpu.memref_squeeze %dma_start3A_243 : memref<1x!tpu.dma_semaphore, #tpu.memory_space<semaphore_mem>> -> memref<!tpu.dma_semaphore, #tpu.memory_space<semaphore_mem>>
    tpu.enqueue_indirect_dma source(%dma_start3A_236 : memref<128x128xf32, #tpu.memory_space<vmem>>) target(%dma_start3A_242 : memref<10240x128xf32, #tpu.memory_space<vmem_shared>>) offsets(%dma_start3A_239 : memref<128xi32, #tpu.memory_space<vmem>>) semaphore(%dma_start3A_244 : memref<!tpu.dma_semaphore, #tpu.memory_space<semaphore_mem>>) {add = true}
    %dma_wait3A_245 = arith.constant 1 : i32
    %dma_wait3A_246 = arith.constant 39 : i32
    %dma_wait3A_247 = arith.constant 1 : i32
    %dma_wait3A_248 = arith.constant 0 : i32
    %dma_wait3A_249 = arith.constant 0 : i32
    %dma_wait3A_250 = tpu.memref_slice %arg10[%dma_wait3A_245, %dma_wait3A_248, %dma_wait3A_249] : memref<2x128x128xf32, #tpu.memory_space<vmem>> -> memref<1x128x128xf32, #tpu.memory_space<vmem>>
    %dma_wait3A_251 = tpu.memref_squeeze %dma_wait3A_250 : memref<1x128x128xf32, #tpu.memory_space<vmem>> -> memref<128x128xf32, #tpu.memory_space<vmem>>
    %dma_wait3A_252 = arith.constant 0 : i32
    %dma_wait3A_253 = tpu.memref_slice %arg9[%dma_wait3A_246, %dma_wait3A_252] : memref<40x128xi32, #tpu.memory_space<vmem>> -> memref<1x128xi32, #tpu.memory_space<vmem>>
    %dma_wait3A_254 = tpu.memref_squeeze %dma_wait3A_253 : memref<1x128xi32, #tpu.memory_space<vmem>> -> memref<128xi32, #tpu.memory_space<vmem>>
    %dma_wait3A_255 = arith.constant 0 : i32
    %dma_wait3A_256 = arith.constant 0 : i32
    %dma_wait3A_257 = tpu.memref_slice %arg7[%dma_wait3A_255, %dma_wait3A_256] : memref<10240x128xf32, #tpu.memory_space<vmem_shared>> -> memref<10240x128xf32, #tpu.memory_space<vmem_shared>>
    %dma_wait3A_258 = tpu.memref_slice %arg12[%dma_wait3A_247] : memref<2x!tpu.dma_semaphore, #tpu.memory_space<semaphore_mem>> -> memref<1x!tpu.dma_semaphore, #tpu.memory_space<semaphore_mem>>
    %dma_wait3A_259 = tpu.memref_squeeze %dma_wait3A_258 : memref<1x!tpu.dma_semaphore, #tpu.memory_space<semaphore_mem>> -> memref<!tpu.dma_semaphore, #tpu.memory_space<semaphore_mem>>
    tpu.wait_indirect_dma semaphore(%dma_wait3A_259 : memref<!tpu.dma_semaphore, #tpu.memory_space<semaphore_mem>>) src(%dma_wait3A_251 : memref<128x128xf32, #tpu.memory_space<vmem>>) dst(%dma_wait3A_257 : memref<10240x128xf32, #tpu.memory_space<vmem_shared>>)
    %barrier3A_260 = arith.constant 0 : index
    tpu.barrier barrier_id(%barrier3A_260)
    %mul3A_261 = arith.constant 10240 : i32
    %mul3A_262 = arith.muli %arg0, %mul3A_261 : i32
    %add3A_263 = arith.addi %mul3A_262, %mul3A_2 : i32
    "tpu.region"() ({
      %run_scoped3A = tpu.sem_alloc : memref<!tpu.dma_semaphore, #tpu.memory_space<semaphore_mem>>
      %dma_start3A_264 = arith.constant 0 : i32
      %dma_start3A_265 = tpu.memref_slice %arg6[%add3A_263, %dma_start3A_264] : memref<20480x128xf32, #tpu.memory_space<hbm>> -> memref<640x128xf32, #tpu.memory_space<hbm>>
      %dma_start3A_266 = arith.constant 0 : i32
      %dma_start3A_267 = tpu.memref_slice %arg7[%mul3A_2, %dma_start3A_266] : memref<10240x128xf32, #tpu.memory_space<vmem_shared>> -> memref<640x128xf32, #tpu.memory_space<vmem_shared>>
      tpu.enqueue_dma source(%dma_start3A_267 : memref<640x128xf32, #tpu.memory_space<vmem_shared>>) target(%dma_start3A_265 : memref<640x128xf32, #tpu.memory_space<hbm>>) target_semaphore(%run_scoped3A : memref<!tpu.dma_semaphore, #tpu.memory_space<semaphore_mem>>)
      %dma_wait3A_268 = arith.constant 0 : i32
      %dma_wait3A_269 = tpu.memref_slice %arg6[%add3A_263, %dma_wait3A_268] : memref<20480x128xf32, #tpu.memory_space<hbm>> -> memref<640x128xf32, #tpu.memory_space<hbm>>
      %dma_wait3A_270 = arith.constant 0 : i32
      %dma_wait3A_271 = tpu.memref_slice %arg7[%mul3A_2, %dma_wait3A_270] : memref<10240x128xf32, #tpu.memory_space<vmem_shared>> -> memref<640x128xf32, #tpu.memory_space<vmem_shared>>
      tpu.wait_dma2 semaphore(%run_scoped3A : memref<!tpu.dma_semaphore, #tpu.memory_space<semaphore_mem>>) src(%dma_wait3A_271 : memref<640x128xf32, #tpu.memory_space<vmem_shared>>) dst(%dma_wait3A_269 : memref<640x128xf32, #tpu.memory_space<hbm>>)
      tpu.yield
    }) : () -> ()
    return
  }
}

#map = affine_map<(d0, d1) -> (0)>
#map1 = affine_map<(d0, d1) -> (0, 0)>
module attributes {stable_mosaic.version = 14 : i64} {
  func.func @_deg_body(%arg0: i32, %arg1: i32, %arg2: memref<327680xi32, #tpu.memory_space<hbm>>, %arg3: memref<327680xi32, #tpu.memory_space<hbm>>, %arg4: memref<32x10240xf32, #tpu.memory_space<hbm>>, %arg5: memref<32x10240xf32, #tpu.memory_space<hbm>>, %arg6: memref<10240xf32, #tpu.memory_space<vmem>>, %arg7: memref<10240xf32, #tpu.memory_space<vmem>>, %arg8: memref<10240xi32, #tpu.memory_space<vmem>>, %arg9: memref<10240xi32, #tpu.memory_space<vmem>>) attributes {dimension_semantics = [#tpu.dimension_semantics<core_parallel>, #tpu.dimension_semantics<subcore_parallel>], iteration_bounds = array<i64: 2, 16>, scalar_prefetch = 0 : i64, scratch_operands = 4 : i64, tpu.core_type = #tpu.core_type<sc_vector_subcore>, window_params = [{transform_indices = #map}, {transform_indices = #map}, {transform_indices = #map1}, {transform_indices = #map1}]} {
    %mul3A = arith.constant 2 : i32
    %mul3A_0 = arith.muli %arg1, %mul3A : i32
    %add3A = arith.addi %mul3A_0, %arg0 : i32
    %broadcast_in_dim3A = arith.constant 0.000000e+00 : f32
    %broadcast_in_dim3A_1 = vector.broadcast %broadcast_in_dim3A : f32 to vector<16xf32>
    %scan3A = arith.constant 0 : i32
    %scan3A_2 = arith.constant 640 : i32
    %scan3A_3 = arith.addi %scan3A, %scan3A_2 : i32
    %scan3A_4 = arith.constant 1 : i32
    scf.for %scan3A_15 = %scan3A to %scan3A_3 step %scan3A_4  : i32 {
      %mul3A_16 = arith.constant 1 : i32
      %mul3A_17 = arith.muli %scan3A_15, %mul3A_16 : i32
      %add3A_18 = arith.constant 0 : i32
      %add3A_19 = arith.addi %add3A_18, %mul3A_17 : i32
      %mul3A_20 = arith.constant 16 : i32
      %mul3A_21 = arith.muli %add3A_19, %mul3A_20 : i32
      %swap3A = arith.index_cast %mul3A_21 : i32 to index
      %swap3A_22 = tpu.vector_load %arg6[%swap3A] {strides = array<i32>} : memref<10240xf32, #tpu.memory_space<vmem>>, vector<16xf32>,
      tpu.vector_store %arg6[%swap3A], %broadcast_in_dim3A_1 {strides = array<i32>} : memref<10240xf32, #tpu.memory_space<vmem>>, vector<16xf32>,
      %mul3A_23 = arith.constant 16 : i32
      %mul3A_24 = arith.muli %add3A_19, %mul3A_23 : i32
      %swap3A_25 = arith.index_cast %mul3A_24 : i32 to index
      %swap3A_26 = tpu.vector_load %arg7[%swap3A_25] {strides = array<i32>} : memref<10240xf32, #tpu.memory_space<vmem>>, vector<16xf32>,
      tpu.vector_store %arg7[%swap3A_25], %broadcast_in_dim3A_1 {strides = array<i32>} : memref<10240xf32, #tpu.memory_space<vmem>>, vector<16xf32>,
    }
    %scan3A_5 = arith.constant 640 : i32
    %mul3A_6 = arith.constant 10240 : i32
    %mul3A_7 = arith.muli %add3A, %mul3A_6 : i32
    %broadcast_in_dim3A_8 = arith.constant 1.000000e+00 : f32
    %broadcast_in_dim3A_9 = vector.broadcast %broadcast_in_dim3A_8 : f32 to vector<16xf32>
    "tpu.region"() ({
      %run_scoped3A = tpu.sem_alloc : memref<!tpu.dma_semaphore, #tpu.memory_space<semaphore_mem>>
      %dma_start3A = tpu.memref_slice %arg2[%mul3A_7] : memref<327680xi32, #tpu.memory_space<hbm>> -> memref<10240xi32, #tpu.memory_space<hbm>>
      %dma_start3A_15 = tpu.memref_slice %arg2[%mul3A_7] : memref<327680xi32, #tpu.memory_space<hbm>> -> memref<10240xi32, #tpu.memory_space<hbm>>
      tpu.enqueue_dma source(%dma_start3A_15 : memref<10240xi32, #tpu.memory_space<hbm>>) target(%arg8 : memref<10240xi32, #tpu.memory_space<vmem>>) target_semaphore(%run_scoped3A : memref<!tpu.dma_semaphore, #tpu.memory_space<semaphore_mem>>)
      %dma_wait3A = tpu.memref_slice %arg2[%mul3A_7] : memref<327680xi32, #tpu.memory_space<hbm>> -> memref<10240xi32, #tpu.memory_space<hbm>>
      %dma_wait3A_16 = tpu.memref_slice %arg2[%mul3A_7] : memref<327680xi32, #tpu.memory_space<hbm>> -> memref<10240xi32, #tpu.memory_space<hbm>>
      tpu.wait_dma2 semaphore(%run_scoped3A : memref<!tpu.dma_semaphore, #tpu.memory_space<semaphore_mem>>) src(%dma_wait3A_16 : memref<10240xi32, #tpu.memory_space<hbm>>) dst(%arg8 : memref<10240xi32, #tpu.memory_space<vmem>>)
      tpu.yield
    }) : () -> ()
    "tpu.region"() ({
      %run_scoped3A = tpu.sem_alloc : memref<!tpu.dma_semaphore, #tpu.memory_space<semaphore_mem>>
      %dma_start3A = tpu.memref_slice %arg3[%mul3A_7] : memref<327680xi32, #tpu.memory_space<hbm>> -> memref<10240xi32, #tpu.memory_space<hbm>>
      %dma_start3A_15 = tpu.memref_slice %arg3[%mul3A_7] : memref<327680xi32, #tpu.memory_space<hbm>> -> memref<10240xi32, #tpu.memory_space<hbm>>
      tpu.enqueue_dma source(%dma_start3A_15 : memref<10240xi32, #tpu.memory_space<hbm>>) target(%arg9 : memref<10240xi32, #tpu.memory_space<vmem>>) target_semaphore(%run_scoped3A : memref<!tpu.dma_semaphore, #tpu.memory_space<semaphore_mem>>)
      %dma_wait3A = tpu.memref_slice %arg3[%mul3A_7] : memref<327680xi32, #tpu.memory_space<hbm>> -> memref<10240xi32, #tpu.memory_space<hbm>>
      %dma_wait3A_16 = tpu.memref_slice %arg3[%mul3A_7] : memref<327680xi32, #tpu.memory_space<hbm>> -> memref<10240xi32, #tpu.memory_space<hbm>>
      tpu.wait_dma2 semaphore(%run_scoped3A : memref<!tpu.dma_semaphore, #tpu.memory_space<semaphore_mem>>) src(%dma_wait3A_16 : memref<10240xi32, #tpu.memory_space<hbm>>) dst(%arg9 : memref<10240xi32, #tpu.memory_space<vmem>>)
      tpu.yield
    }) : () -> ()
    %scan3A_10 = arith.constant 0 : i32
    %scan3A_11 = arith.constant 640 : i32
    %scan3A_12 = arith.addi %scan3A_10, %scan3A_11 : i32
    %scan3A_13 = arith.constant 1 : i32
    scf.for %scan3A_15 = %scan3A_10 to %scan3A_12 step %scan3A_13  : i32 {
      %mul3A_16 = arith.constant 1 : i32
      %mul3A_17 = arith.muli %scan3A_15, %mul3A_16 : i32
      %add3A_18 = arith.constant 0 : i32
      %add3A_19 = arith.addi %add3A_18, %mul3A_17 : i32
      %mul3A_20 = arith.constant 16 : i32
      %mul3A_21 = arith.muli %add3A_19, %mul3A_20 : i32
      %get3A = arith.index_cast %mul3A_21 : i32 to index
      %get3A_22 = tpu.vector_load %arg8[%get3A] {strides = array<i32>} : memref<10240xi32, #tpu.memory_space<vmem>>, vector<16xi32>,
      %mul3A_23 = arith.constant 16 : i32
      %mul3A_24 = arith.muli %add3A_19, %mul3A_23 : i32
      %get3A_25 = arith.index_cast %mul3A_24 : i32 to index
      %get3A_26 = tpu.vector_load %arg9[%get3A_25] {strides = array<i32>} : memref<10240xi32, #tpu.memory_space<vmem>>, vector<16xi32>,
      tpu.vector_store_idx %arg6[%get3A_22], %broadcast_in_dim3A_9 {add = true} : memref<10240xf32, #tpu.memory_space<vmem>>[vector<16xi32>], vector<16xf32>,
      tpu.vector_store_idx %arg7[%get3A_26], %broadcast_in_dim3A_9 {add = true} : memref<10240xf32, #tpu.memory_space<vmem>>[vector<16xi32>], vector<16xf32>,
    }
    %scan3A_14 = arith.constant 640 : i32
    "tpu.region"() ({
      %run_scoped3A = tpu.sem_alloc : memref<!tpu.dma_semaphore, #tpu.memory_space<semaphore_mem>>
      %dma_start3A = arith.constant 0 : i32
      %dma_start3A_15 = tpu.memref_slice %arg4[%add3A, %dma_start3A] : memref<32x10240xf32, #tpu.memory_space<hbm>> -> memref<1x10240xf32, #tpu.memory_space<hbm>>
      %dma_start3A_16 = tpu.memref_squeeze %dma_start3A_15 : memref<1x10240xf32, #tpu.memory_space<hbm>> -> memref<10240xf32, #tpu.memory_space<hbm>>
      %dma_start3A_17 = arith.constant 0 : i32
      %dma_start3A_18 = tpu.memref_slice %arg4[%add3A, %dma_start3A_17] : memref<32x10240xf32, #tpu.memory_space<hbm>> -> memref<1x10240xf32, #tpu.memory_space<hbm>>
      %dma_start3A_19 = tpu.memref_squeeze %dma_start3A_18 : memref<1x10240xf32, #tpu.memory_space<hbm>> -> memref<10240xf32, #tpu.memory_space<hbm>>
      tpu.enqueue_dma source(%arg6 : memref<10240xf32, #tpu.memory_space<vmem>>) target(%dma_start3A_19 : memref<10240xf32, #tpu.memory_space<hbm>>) target_semaphore(%run_scoped3A : memref<!tpu.dma_semaphore, #tpu.memory_space<semaphore_mem>>)
      %dma_wait3A = arith.constant 0 : i32
      %dma_wait3A_20 = tpu.memref_slice %arg4[%add3A, %dma_wait3A] : memref<32x10240xf32, #tpu.memory_space<hbm>> -> memref<1x10240xf32, #tpu.memory_space<hbm>>
      %dma_wait3A_21 = tpu.memref_squeeze %dma_wait3A_20 : memref<1x10240xf32, #tpu.memory_space<hbm>> -> memref<10240xf32, #tpu.memory_space<hbm>>
      %dma_wait3A_22 = arith.constant 0 : i32
      %dma_wait3A_23 = tpu.memref_slice %arg4[%add3A, %dma_wait3A_22] : memref<32x10240xf32, #tpu.memory_space<hbm>> -> memref<1x10240xf32, #tpu.memory_space<hbm>>
      %dma_wait3A_24 = tpu.memref_squeeze %dma_wait3A_23 : memref<1x10240xf32, #tpu.memory_space<hbm>> -> memref<10240xf32, #tpu.memory_space<hbm>>
      tpu.wait_dma2 semaphore(%run_scoped3A : memref<!tpu.dma_semaphore, #tpu.memory_space<semaphore_mem>>) src(%arg6 : memref<10240xf32, #tpu.memory_space<vmem>>) dst(%dma_wait3A_24 : memref<10240xf32, #tpu.memory_space<hbm>>)
      tpu.yield
    }) : () -> ()
    "tpu.region"() ({
      %run_scoped3A = tpu.sem_alloc : memref<!tpu.dma_semaphore, #tpu.memory_space<semaphore_mem>>
      %dma_start3A = arith.constant 0 : i32
      %dma_start3A_15 = tpu.memref_slice %arg5[%add3A, %dma_start3A] : memref<32x10240xf32, #tpu.memory_space<hbm>> -> memref<1x10240xf32, #tpu.memory_space<hbm>>
      %dma_start3A_16 = tpu.memref_squeeze %dma_start3A_15 : memref<1x10240xf32, #tpu.memory_space<hbm>> -> memref<10240xf32, #tpu.memory_space<hbm>>
      %dma_start3A_17 = arith.constant 0 : i32
      %dma_start3A_18 = tpu.memref_slice %arg5[%add3A, %dma_start3A_17] : memref<32x10240xf32, #tpu.memory_space<hbm>> -> memref<1x10240xf32, #tpu.memory_space<hbm>>
      %dma_start3A_19 = tpu.memref_squeeze %dma_start3A_18 : memref<1x10240xf32, #tpu.memory_space<hbm>> -> memref<10240xf32, #tpu.memory_space<hbm>>
      tpu.enqueue_dma source(%arg7 : memref<10240xf32, #tpu.memory_space<vmem>>) target(%dma_start3A_19 : memref<10240xf32, #tpu.memory_space<hbm>>) target_semaphore(%run_scoped3A : memref<!tpu.dma_semaphore, #tpu.memory_space<semaphore_mem>>)
      %dma_wait3A = arith.constant 0 : i32
      %dma_wait3A_20 = tpu.memref_slice %arg5[%add3A, %dma_wait3A] : memref<32x10240xf32, #tpu.memory_space<hbm>> -> memref<1x10240xf32, #tpu.memory_space<hbm>>
      %dma_wait3A_21 = tpu.memref_squeeze %dma_wait3A_20 : memref<1x10240xf32, #tpu.memory_space<hbm>> -> memref<10240xf32, #tpu.memory_space<hbm>>
      %dma_wait3A_22 = arith.constant 0 : i32
      %dma_wait3A_23 = tpu.memref_slice %arg5[%add3A, %dma_wait3A_22] : memref<32x10240xf32, #tpu.memory_space<hbm>> -> memref<1x10240xf32, #tpu.memory_space<hbm>>
      %dma_wait3A_24 = tpu.memref_squeeze %dma_wait3A_23 : memref<1x10240xf32, #tpu.memory_space<hbm>> -> memref<10240xf32, #tpu.memory_space<hbm>>
      tpu.wait_dma2 semaphore(%run_scoped3A : memref<!tpu.dma_semaphore, #tpu.memory_space<semaphore_mem>>) src(%arg7 : memref<10240xf32, #tpu.memory_space<vmem>>) dst(%dma_wait3A_24 : memref<10240xf32, #tpu.memory_space<hbm>>)
      tpu.yield
    }) : () -> ()
    return
  }
}

#map = affine_map<(d0, d1) -> (0, 0)>
module attributes {stable_mosaic.version = 14 : i64} {
  func.func @_agg_body(%arg0: i32, %arg1: i32, %arg2: memref<10240x128xf32, #tpu.memory_space<hbm>>, %arg3: memref<2560x128xi32, #tpu.memory_space<hbm>>, %arg4: memref<2560x128xi32, #tpu.memory_space<hbm>>, %arg5: memref<10240x128xf32, #tpu.memory_space<hbm>>, %arg6: memref<20480x128xf32, #tpu.memory_space<hbm>>, %arg7: memref<10240x128xf32, #tpu.memory_space<vmem_shared>>, %arg8: memref<40x128xi32, #tpu.memory_space<vmem>>, %arg9: memref<40x128xi32, #tpu.memory_space<vmem>>, %arg10: memref<2x128x128xf32, #tpu.memory_space<vmem>>, %arg11: memref<2x!tpu.dma_semaphore, #tpu.memory_space<semaphore_mem>>, %arg12: memref<2x!tpu.dma_semaphore, #tpu.memory_space<semaphore_mem>>) attributes {dimension_semantics = [#tpu.dimension_semantics<core_parallel>, #tpu.dimension_semantics<subcore_parallel>], iteration_bounds = array<i64: 2, 16>, scalar_prefetch = 0 : i64, scratch_operands = 6 : i64, tpu.core_type = #tpu.core_type<sc_vector_subcore>, window_params = [{transform_indices = #map}, {transform_indices = #map}, {transform_indices = #map}, {transform_indices = #map}, {transform_indices = #map}]} {
    %mul3A = arith.constant 2 : i32
    %mul3A_0 = arith.muli %arg1, %mul3A : i32
    %add3A = arith.addi %mul3A_0, %arg0 : i32
    %mul3A_1 = arith.constant 640 : i32
    %mul3A_2 = arith.muli %arg1, %mul3A_1 : i32
    %mul3A_3 = arith.constant 80 : i32
    %mul3A_4 = arith.muli %add3A, %mul3A_3 : i32
    "tpu.region"() ({
      %run_scoped3A = tpu.sem_alloc : memref<!tpu.dma_semaphore, #tpu.memory_space<semaphore_mem>>
      %dma_start3A_264 = arith.constant 0 : i32
      %dma_start3A_265 = tpu.memref_slice %arg7[%mul3A_2, %dma_start3A_264] : memref<10240x128xf32, #tpu.memory_space<vmem_shared>> -> memref<640x128xf32, #tpu.memory_space<vmem_shared>>
      %dma_start3A_266 = arith.constant 0 : i32
      %dma_start3A_267 = tpu.memref_slice %arg5[%mul3A_2, %dma_start3A_266] : memref<10240x128xf32, #tpu.memory_space<hbm>> -> memref<640x128xf32, #tpu.memory_space<hbm>>
      tpu.enqueue_dma source(%dma_start3A_267 : memref<640x128xf32, #tpu.memory_space<hbm>>) target(%dma_start3A_265 : memref<640x128xf32, #tpu.memory_space<vmem_shared>>) target_semaphore(%run_scoped3A : memref<!tpu.dma_semaphore, #tpu.memory_space<semaphore_mem>>)
      %dma_wait3A_268 = arith.constant 0 : i32
      %dma_wait3A_269 = tpu.memref_slice %arg7[%mul3A_2, %dma_wait3A_268] : memref<10240x128xf32, #tpu.memory_space<vmem_shared>> -> memref<640x128xf32, #tpu.memory_space<vmem_shared>>
      %dma_wait3A_270 = arith.constant 0 : i32
      %dma_wait3A_271 = tpu.memref_slice %arg5[%mul3A_2, %dma_wait3A_270] : memref<10240x128xf32, #tpu.memory_space<hbm>> -> memref<640x128xf32, #tpu.memory_space<hbm>>
      tpu.wait_dma2 semaphore(%run_scoped3A : memref<!tpu.dma_semaphore, #tpu.memory_space<semaphore_mem>>) src(%dma_wait3A_271 : memref<640x128xf32, #tpu.memory_space<hbm>>) dst(%dma_wait3A_269 : memref<640x128xf32, #tpu.memory_space<vmem_shared>>)
      tpu.yield
    }) : () -> ()
    %barrier3A = arith.constant 0 : index
    tpu.barrier barrier_id(%barrier3A)
    %add3A_5 = arith.constant 0 : i32
    %add3A_6 = arith.addi %mul3A_4, %add3A_5 : i32
    "tpu.region"() ({
      %run_scoped3A = tpu.sem_alloc : memref<!tpu.dma_semaphore, #tpu.memory_space<semaphore_mem>>
      %dma_start3A_264 = arith.constant 0 : i32
      %dma_start3A_265 = tpu.memref_slice %arg3[%add3A_6, %dma_start3A_264] : memref<2560x128xi32, #tpu.memory_space<hbm>> -> memref<40x128xi32, #tpu.memory_space<hbm>>
      %dma_start3A_266 = arith.constant 0 : i32
      %dma_start3A_267 = tpu.memref_slice %arg3[%add3A_6, %dma_start3A_266] : memref<2560x128xi32, #tpu.memory_space<hbm>> -> memref<40x128xi32, #tpu.memory_space<hbm>>
      tpu.enqueue_dma source(%dma_start3A_267 : memref<40x128xi32, #tpu.memory_space<hbm>>) target(%arg8 : memref<40x128xi32, #tpu.memory_space<vmem>>) target_semaphore(%run_scoped3A : memref<!tpu.dma_semaphore, #tpu.memory_space<semaphore_mem>>)
      %dma_wait3A_268 = arith.constant 0 : i32
      %dma_wait3A_269 = tpu.memref_slice %arg3[%add3A_6, %dma_wait3A_268] : memref<2560x128xi32, #tpu.memory_space<hbm>> -> memref<40x128xi32, #tpu.memory_space<hbm>>
      %dma_wait3A_270 = arith.constant 0 : i32
      %dma_wait3A_271 = tpu.memref_slice %arg3[%add3A_6, %dma_wait3A_270] : memref<2560x128xi32, #tpu.memory_space<hbm>> -> memref<40x128xi32, #tpu.memory_space<hbm>>
      tpu.wait_dma2 semaphore(%run_scoped3A : memref<!tpu.dma_semaphore, #tpu.memory_space<semaphore_mem>>) src(%dma_wait3A_271 : memref<40x128xi32, #tpu.memory_space<hbm>>) dst(%arg8 : memref<40x128xi32, #tpu.memory_space<vmem>>)
      tpu.yield
    }) : () -> ()
    %add3A_7 = arith.constant 0 : i32
    %add3A_8 = arith.addi %mul3A_4, %add3A_7 : i32
    "tpu.region"() ({
      %run_scoped3A = tpu.sem_alloc : memref<!tpu.dma_semaphore, #tpu.memory_space<semaphore_mem>>
      %dma_start3A_264 = arith.constant 0 : i32
      %dma_start3A_265 = tpu.memref_slice %arg4[%add3A_8, %dma_start3A_264] : memref<2560x128xi32, #tpu.memory_space<hbm>> -> memref<40x128xi32, #tpu.memory_space<hbm>>
      %dma_start3A_266 = arith.constant 0 : i32
      %dma_start3A_267 = tpu.memref_slice %arg4[%add3A_8, %dma_start3A_266] : memref<2560x128xi32, #tpu.memory_space<hbm>> -> memref<40x128xi32, #tpu.memory_space<hbm>>
      tpu.enqueue_dma source(%dma_start3A_267 : memref<40x128xi32, #tpu.memory_space<hbm>>) target(%arg9 : memref<40x128xi32, #tpu.memory_space<vmem>>) target_semaphore(%run_scoped3A : memref<!tpu.dma_semaphore, #tpu.memory_space<semaphore_mem>>)
      %dma_wait3A_268 = arith.constant 0 : i32
      %dma_wait3A_269 = tpu.memref_slice %arg4[%add3A_8, %dma_wait3A_268] : memref<2560x128xi32, #tpu.memory_space<hbm>> -> memref<40x128xi32, #tpu.memory_space<hbm>>
      %dma_wait3A_270 = arith.constant 0 : i32
      %dma_wait3A_271 = tpu.memref_slice %arg4[%add3A_8, %dma_wait3A_270] : memref<2560x128xi32, #tpu.memory_space<hbm>> -> memref<40x128xi32, #tpu.memory_space<hbm>>
      tpu.wait_dma2 semaphore(%run_scoped3A : memref<!tpu.dma_semaphore, #tpu.memory_space<semaphore_mem>>) src(%dma_wait3A_271 : memref<40x128xi32, #tpu.memory_space<hbm>>) dst(%arg9 : memref<40x128xi32, #tpu.memory_space<vmem>>)
      tpu.yield
    }) : () -> ()
    %dma_start3A = arith.constant 0 : i32
    %dma_start3A_9 = arith.constant 0 : i32
    %dma_start3A_10 = arith.constant 0 : i32
    %dma_start3A_11 = arith.constant 0 : i32
    %dma_start3A_12 = arith.constant 0 : i32
    %dma_start3A_13 = tpu.memref_slice %arg10[%dma_start3A_9, %dma_start3A_11, %dma_start3A_12] : memref<2x128x128xf32, #tpu.memory_space<vmem>> -> memref<1x128x128xf32, #tpu.memory_space<vmem>>
    %dma_start3A_14 = tpu.memref_squeeze %dma_start3A_13 : memref<1x128x128xf32, #tpu.memory_space<vmem>> -> memref<128x128xf32, #tpu.memory_space<vmem>>
    %dma_start3A_15 = arith.constant 0 : i32
    %dma_start3A_16 = tpu.memref_slice %arg8[%dma_start3A, %dma_start3A_15] : memref<40x128xi32, #tpu.memory_space<vmem>> -> memref<1x128xi32, #tpu.memory_space<vmem>>
    %dma_start3A_17 = tpu.memref_squeeze %dma_start3A_16 : memref<1x128xi32, #tpu.memory_space<vmem>> -> memref<128xi32, #tpu.memory_space<vmem>>
    %dma_start3A_18 = arith.constant 0 : i32
    %dma_start3A_19 = arith.constant 0 : i32
    %dma_start3A_20 = tpu.memref_slice %arg2[%dma_start3A_18, %dma_start3A_19] : memref<10240x128xf32, #tpu.memory_space<hbm>> -> memref<10240x128xf32, #tpu.memory_space<hbm>>
    %dma_start3A_21 = tpu.memref_slice %arg11[%dma_start3A_10] : memref<2x!tpu.dma_semaphore, #tpu.memory_space<semaphore_mem>> -> memref<1x!tpu.dma_semaphore, #tpu.memory_space<semaphore_mem>>
    %dma_start3A_22 = tpu.memref_squeeze %dma_start3A_21 : memref<1x!tpu.dma_semaphore, #tpu.memory_space<semaphore_mem>> -> memref<!tpu.dma_semaphore, #tpu.memory_space<semaphore_mem>>
    tpu.enqueue_indirect_dma source(%dma_start3A_20 : memref<10240x128xf32, #tpu.memory_space<hbm>>) target(%dma_start3A_14 : memref<128x128xf32, #tpu.memory_space<vmem>>) offsets(%dma_start3A_17 : memref<128xi32, #tpu.memory_space<vmem>>) semaphore(%dma_start3A_22 : memref<!tpu.dma_semaphore, #tpu.memory_space<semaphore_mem>>)
    %dma_start3A_23 = arith.constant 1 : i32
    %dma_start3A_24 = arith.constant 1 : i32
    %dma_start3A_25 = arith.constant 1 : i32
    %dma_start3A_26 = arith.constant 0 : i32
    %dma_start3A_27 = arith.constant 0 : i32
    %dma_start3A_28 = tpu.memref_slice %arg10[%dma_start3A_24, %dma_start3A_26, %dma_start3A_27] : memref<2x128x128xf32, #tpu.memory_space<vmem>> -> memref<1x128x128xf32, #tpu.memory_space<vmem>>
    %dma_start3A_29 = tpu.memref_squeeze %dma_start3A_28 : memref<1x128x128xf32, #tpu.memory_space<vmem>> -> memref<128x128xf32, #tpu.memory_space<vmem>>
    %dma_start3A_30 = arith.constant 0 : i32
    %dma_start3A_31 = tpu.memref_slice %arg8[%dma_start3A_23, %dma_start3A_30] : memref<40x128xi32, #tpu.memory_space<vmem>> -> memref<1x128xi32, #tpu.memory_space<vmem>>
    %dma_start3A_32 = tpu.memref_squeeze %dma_start3A_31 : memref<1x128xi32, #tpu.memory_space<vmem>> -> memref<128xi32, #tpu.memory_space<vmem>>
    %dma_start3A_33 = arith.constant 0 : i32
    %dma_start3A_34 = arith.constant 0 : i32
    %dma_start3A_35 = tpu.memref_slice %arg2[%dma_start3A_33, %dma_start3A_34] : memref<10240x128xf32, #tpu.memory_space<hbm>> -> memref<10240x128xf32, #tpu.memory_space<hbm>>
    %dma_start3A_36 = tpu.memref_slice %arg11[%dma_start3A_25] : memref<2x!tpu.dma_semaphore, #tpu.memory_space<semaphore_mem>> -> memref<1x!tpu.dma_semaphore, #tpu.memory_space<semaphore_mem>>
    %dma_start3A_37 = tpu.memref_squeeze %dma_start3A_36 : memref<1x!tpu.dma_semaphore, #tpu.memory_space<semaphore_mem>> -> memref<!tpu.dma_semaphore, #tpu.memory_space<semaphore_mem>>
    tpu.enqueue_indirect_dma source(%dma_start3A_35 : memref<10240x128xf32, #tpu.memory_space<hbm>>) target(%dma_start3A_29 : memref<128x128xf32, #tpu.memory_space<vmem>>) offsets(%dma_start3A_32 : memref<128xi32, #tpu.memory_space<vmem>>) semaphore(%dma_start3A_37 : memref<!tpu.dma_semaphore, #tpu.memory_space<semaphore_mem>>)
    %scan3A = arith.constant 0 : i32
    %scan3A_38 = arith.constant 19 : i32
    %scan3A_39 = arith.addi %scan3A, %scan3A_38 : i32
    %scan3A_40 = arith.constant 1 : i32
    scf.for %scan3A_264 = %scan3A to %scan3A_39 step %scan3A_40  : i32 {
      %mul3A_265 = arith.constant 2 : i32
      %mul3A_266 = arith.muli %scan3A_264, %mul3A_265 : i32
      %add3A_267 = arith.constant 0 : i32
      %add3A_268 = arith.addi %add3A_267, %mul3A_266 : i32
      %add3A_269 = arith.constant 0 : i32
      %add3A_270 = arith.addi %add3A_268, %add3A_269 : i32
      %dma_wait3A_271 = arith.constant 0 : i32
      %dma_wait3A_272 = arith.constant 0 : i32
      %dma_wait3A_273 = arith.constant 0 : i32
      %dma_wait3A_274 = arith.constant 0 : i32
      %dma_wait3A_275 = tpu.memref_slice %arg10[%dma_wait3A_271, %dma_wait3A_273, %dma_wait3A_274] : memref<2x128x128xf32, #tpu.memory_space<vmem>> -> memref<1x128x128xf32, #tpu.memory_space<vmem>>
      %dma_wait3A_276 = tpu.memref_squeeze %dma_wait3A_275 : memref<1x128x128xf32, #tpu.memory_space<vmem>> -> memref<128x128xf32, #tpu.memory_space<vmem>>
      %dma_wait3A_277 = arith.constant 0 : i32
      %dma_wait3A_278 = tpu.memref_slice %arg8[%add3A_270, %dma_wait3A_277] : memref<40x128xi32, #tpu.memory_space<vmem>> -> memref<1x128xi32, #tpu.memory_space<vmem>>
      %dma_wait3A_279 = tpu.memref_squeeze %dma_wait3A_278 : memref<1x128xi32, #tpu.memory_space<vmem>> -> memref<128xi32, #tpu.memory_space<vmem>>
      %dma_wait3A_280 = arith.constant 0 : i32
      %dma_wait3A_281 = arith.constant 0 : i32
      %dma_wait3A_282 = tpu.memref_slice %arg2[%dma_wait3A_280, %dma_wait3A_281] : memref<10240x128xf32, #tpu.memory_space<hbm>> -> memref<10240x128xf32, #tpu.memory_space<hbm>>
      %dma_wait3A_283 = tpu.memref_slice %arg11[%dma_wait3A_272] : memref<2x!tpu.dma_semaphore, #tpu.memory_space<semaphore_mem>> -> memref<1x!tpu.dma_semaphore, #tpu.memory_space<semaphore_mem>>
      %dma_wait3A_284 = tpu.memref_squeeze %dma_wait3A_283 : memref<1x!tpu.dma_semaphore, #tpu.memory_space<semaphore_mem>> -> memref<!tpu.dma_semaphore, #tpu.memory_space<semaphore_mem>>
      tpu.wait_indirect_dma semaphore(%dma_wait3A_284 : memref<!tpu.dma_semaphore, #tpu.memory_space<semaphore_mem>>) src(%dma_wait3A_282 : memref<10240x128xf32, #tpu.memory_space<hbm>>) dst(%dma_wait3A_276 : memref<128x128xf32, #tpu.memory_space<vmem>>)
      %dma_start3A_285 = arith.constant 0 : i32
      %dma_start3A_286 = arith.constant 0 : i32
      %dma_start3A_287 = arith.constant 0 : i32
      %dma_start3A_288 = arith.constant 0 : i32
      %dma_start3A_289 = tpu.memref_slice %arg10[%dma_start3A_285, %dma_start3A_287, %dma_start3A_288] : memref<2x128x128xf32, #tpu.memory_space<vmem>> -> memref<1x128x128xf32, #tpu.memory_space<vmem>>
      %dma_start3A_290 = tpu.memref_squeeze %dma_start3A_289 : memref<1x128x128xf32, #tpu.memory_space<vmem>> -> memref<128x128xf32, #tpu.memory_space<vmem>>
      %dma_start3A_291 = arith.constant 0 : i32
      %dma_start3A_292 = tpu.memref_slice %arg9[%add3A_270, %dma_start3A_291] : memref<40x128xi32, #tpu.memory_space<vmem>> -> memref<1x128xi32, #tpu.memory_space<vmem>>
      %dma_start3A_293 = tpu.memref_squeeze %dma_start3A_292 : memref<1x128xi32, #tpu.memory_space<vmem>> -> memref<128xi32, #tpu.memory_space<vmem>>
      %dma_start3A_294 = arith.constant 0 : i32
      %dma_start3A_295 = arith.constant 0 : i32
      %dma_start3A_296 = tpu.memref_slice %arg7[%dma_start3A_294, %dma_start3A_295] : memref<10240x128xf32, #tpu.memory_space<vmem_shared>> -> memref<10240x128xf32, #tpu.memory_space<vmem_shared>>
      %dma_start3A_297 = tpu.memref_slice %arg12[%dma_start3A_286] : memref<2x!tpu.dma_semaphore, #tpu.memory_space<semaphore_mem>> -> memref<1x!tpu.dma_semaphore, #tpu.memory_space<semaphore_mem>>
      %dma_start3A_298 = tpu.memref_squeeze %dma_start3A_297 : memref<1x!tpu.dma_semaphore, #tpu.memory_space<semaphore_mem>> -> memref<!tpu.dma_semaphore, #tpu.memory_space<semaphore_mem>>
      tpu.enqueue_indirect_dma source(%dma_start3A_290 : memref<128x128xf32, #tpu.memory_space<vmem>>) target(%dma_start3A_296 : memref<10240x128xf32, #tpu.memory_space<vmem_shared>>) offsets(%dma_start3A_293 : memref<128xi32, #tpu.memory_space<vmem>>) semaphore(%dma_start3A_298 : memref<!tpu.dma_semaphore, #tpu.memory_space<semaphore_mem>>) {add = true}
      %dma_wait3A_299 = arith.constant 0 : i32
      %dma_wait3A_300 = arith.constant 0 : i32
      %dma_wait3A_301 = arith.constant 0 : i32
      %dma_wait3A_302 = arith.constant 0 : i32
      %dma_wait3A_303 = tpu.memref_slice %arg10[%dma_wait3A_299, %dma_wait3A_301, %dma_wait3A_302] : memref<2x128x128xf32, #tpu.memory_space<vmem>> -> memref<1x128x128xf32, #tpu.memory_space<vmem>>
      %dma_wait3A_304 = tpu.memref_squeeze %dma_wait3A_303 : memref<1x128x128xf32, #tpu.memory_space<vmem>> -> memref<128x128xf32, #tpu.memory_space<vmem>>
      %dma_wait3A_305 = arith.constant 0 : i32
      %dma_wait3A_306 = tpu.memref_slice %arg9[%add3A_270, %dma_wait3A_305] : memref<40x128xi32, #tpu.memory_space<vmem>> -> memref<1x128xi32, #tpu.memory_space<vmem>>
      %dma_wait3A_307 = tpu.memref_squeeze %dma_wait3A_306 : memref<1x128xi32, #tpu.memory_space<vmem>> -> memref<128xi32, #tpu.memory_space<vmem>>
      %dma_wait3A_308 = arith.constant 0 : i32
      %dma_wait3A_309 = arith.constant 0 : i32
      %dma_wait3A_310 = tpu.memref_slice %arg7[%dma_wait3A_308, %dma_wait3A_309] : memref<10240x128xf32, #tpu.memory_space<vmem_shared>> -> memref<10240x128xf32, #tpu.memory_space<vmem_shared>>
      %dma_wait3A_311 = tpu.memref_slice %arg12[%dma_wait3A_300] : memref<2x!tpu.dma_semaphore, #tpu.memory_space<semaphore_mem>> -> memref<1x!tpu.dma_semaphore, #tpu.memory_space<semaphore_mem>>
      %dma_wait3A_312 = tpu.memref_squeeze %dma_wait3A_311 : memref<1x!tpu.dma_semaphore, #tpu.memory_space<semaphore_mem>> -> memref<!tpu.dma_semaphore, #tpu.memory_space<semaphore_mem>>
      tpu.wait_indirect_dma semaphore(%dma_wait3A_312 : memref<!tpu.dma_semaphore, #tpu.memory_space<semaphore_mem>>) src(%dma_wait3A_304 : memref<128x128xf32, #tpu.memory_space<vmem>>) dst(%dma_wait3A_310 : memref<10240x128xf32, #tpu.memory_space<vmem_shared>>)
      %add3A_313 = arith.constant 2 : i32
      %add3A_314 = arith.addi %add3A_270, %add3A_313 : i32
      %dma_start3A_315 = arith.constant 0 : i32
      %dma_start3A_316 = arith.constant 0 : i32
      %dma_start3A_317 = arith.constant 0 : i32
      %dma_start3A_318 = arith.constant 0 : i32
      %dma_start3A_319 = tpu.memref_slice %arg10[%dma_start3A_315, %dma_start3A_317, %dma_start3A_318] : memref<2x128x128xf32, #tpu.memory_space<vmem>> -> memref<1x128x128xf32, #tpu.memory_space<vmem>>
      %dma_start3A_320 = tpu.memref_squeeze %dma_start3A_319 : memref<1x128x128xf32, #tpu.memory_space<vmem>> -> memref<128x128xf32, #tpu.memory_space<vmem>>
      %dma_start3A_321 = arith.constant 0 : i32
      %dma_start3A_322 = tpu.memref_slice %arg8[%add3A_314, %dma_start3A_321] : memref<40x128xi32, #tpu.memory_space<vmem>> -> memref<1x128xi32, #tpu.memory_space<vmem>>
      %dma_start3A_323 = tpu.memref_squeeze %dma_start3A_322 : memref<1x128xi32, #tpu.memory_space<vmem>> -> memref<128xi32, #tpu.memory_space<vmem>>
      %dma_start3A_324 = arith.constant 0 : i32
      %dma_start3A_325 = arith.constant 0 : i32
      %dma_start3A_326 = tpu.memref_slice %arg2[%dma_start3A_324, %dma_start3A_325] : memref<10240x128xf32, #tpu.memory_space<hbm>> -> memref<10240x128xf32, #tpu.memory_space<hbm>>
      %dma_start3A_327 = tpu.memref_slice %arg11[%dma_start3A_316] : memref<2x!tpu.dma_semaphore, #tpu.memory_space<semaphore_mem>> -> memref<1x!tpu.dma_semaphore, #tpu.memory_space<semaphore_mem>>
      %dma_start3A_328 = tpu.memref_squeeze %dma_start3A_327 : memref<1x!tpu.dma_semaphore, #tpu.memory_space<semaphore_mem>> -> memref<!tpu.dma_semaphore, #tpu.memory_space<semaphore_mem>>
      tpu.enqueue_indirect_dma source(%dma_start3A_326 : memref<10240x128xf32, #tpu.memory_space<hbm>>) target(%dma_start3A_320 : memref<128x128xf32, #tpu.memory_space<vmem>>) offsets(%dma_start3A_323 : memref<128xi32, #tpu.memory_space<vmem>>) semaphore(%dma_start3A_328 : memref<!tpu.dma_semaphore, #tpu.memory_space<semaphore_mem>>)
      %add3A_329 = arith.constant 1 : i32
      %add3A_330 = arith.addi %add3A_268, %add3A_329 : i32
      %dma_wait3A_331 = arith.constant 1 : i32
      %dma_wait3A_332 = arith.constant 1 : i32
      %dma_wait3A_333 = arith.constant 0 : i32
      %dma_wait3A_334 = arith.constant 0 : i32
      %dma_wait3A_335 = tpu.memref_slice %arg10[%dma_wait3A_331, %dma_wait3A_333, %dma_wait3A_334] : memref<2x128x128xf32, #tpu.memory_space<vmem>> -> memref<1x128x128xf32, #tpu.memory_space<vmem>>
      %dma_wait3A_336 = tpu.memref_squeeze %dma_wait3A_335 : memref<1x128x128xf32, #tpu.memory_space<vmem>> -> memref<128x128xf32, #tpu.memory_space<vmem>>
      %dma_wait3A_337 = arith.constant 0 : i32
      %dma_wait3A_338 = tpu.memref_slice %arg8[%add3A_330, %dma_wait3A_337] : memref<40x128xi32, #tpu.memory_space<vmem>> -> memref<1x128xi32, #tpu.memory_space<vmem>>
      %dma_wait3A_339 = tpu.memref_squeeze %dma_wait3A_338 : memref<1x128xi32, #tpu.memory_space<vmem>> -> memref<128xi32, #tpu.memory_space<vmem>>
      %dma_wait3A_340 = arith.constant 0 : i32
      %dma_wait3A_341 = arith.constant 0 : i32
      %dma_wait3A_342 = tpu.memref_slice %arg2[%dma_wait3A_340, %dma_wait3A_341] : memref<10240x128xf32, #tpu.memory_space<hbm>> -> memref<10240x128xf32, #tpu.memory_space<hbm>>
      %dma_wait3A_343 = tpu.memref_slice %arg11[%dma_wait3A_332] : memref<2x!tpu.dma_semaphore, #tpu.memory_space<semaphore_mem>> -> memref<1x!tpu.dma_semaphore, #tpu.memory_space<semaphore_mem>>
      %dma_wait3A_344 = tpu.memref_squeeze %dma_wait3A_343 : memref<1x!tpu.dma_semaphore, #tpu.memory_space<semaphore_mem>> -> memref<!tpu.dma_semaphore, #tpu.memory_space<semaphore_mem>>
      tpu.wait_indirect_dma semaphore(%dma_wait3A_344 : memref<!tpu.dma_semaphore, #tpu.memory_space<semaphore_mem>>) src(%dma_wait3A_342 : memref<10240x128xf32, #tpu.memory_space<hbm>>) dst(%dma_wait3A_336 : memref<128x128xf32, #tpu.memory_space<vmem>>)
      %dma_start3A_345 = arith.constant 1 : i32
      %dma_start3A_346 = arith.constant 1 : i32
      %dma_start3A_347 = arith.constant 0 : i32
      %dma_start3A_348 = arith.constant 0 : i32
      %dma_start3A_349 = tpu.memref_slice %arg10[%dma_start3A_345, %dma_start3A_347, %dma_start3A_348] : memref<2x128x128xf32, #tpu.memory_space<vmem>> -> memref<1x128x128xf32, #tpu.memory_space<vmem>>
      %dma_start3A_350 = tpu.memref_squeeze %dma_start3A_349 : memref<1x128x128xf32, #tpu.memory_space<vmem>> -> memref<128x128xf32, #tpu.memory_space<vmem>>
      %dma_start3A_351 = arith.constant 0 : i32
      %dma_start3A_352 = tpu.memref_slice %arg9[%add3A_330, %dma_start3A_351] : memref<40x128xi32, #tpu.memory_space<vmem>> -> memref<1x128xi32, #tpu.memory_space<vmem>>
      %dma_start3A_353 = tpu.memref_squeeze %dma_start3A_352 : memref<1x128xi32, #tpu.memory_space<vmem>> -> memref<128xi32, #tpu.memory_space<vmem>>
      %dma_start3A_354 = arith.constant 0 : i32
      %dma_start3A_355 = arith.constant 0 : i32
      %dma_start3A_356 = tpu.memref_slice %arg7[%dma_start3A_354, %dma_start3A_355] : memref<10240x128xf32, #tpu.memory_space<vmem_shared>> -> memref<10240x128xf32, #tpu.memory_space<vmem_shared>>
      %dma_start3A_357 = tpu.memref_slice %arg12[%dma_start3A_346] : memref<2x!tpu.dma_semaphore, #tpu.memory_space<semaphore_mem>> -> memref<1x!tpu.dma_semaphore, #tpu.memory_space<semaphore_mem>>
      %dma_start3A_358 = tpu.memref_squeeze %dma_start3A_357 : memref<1x!tpu.dma_semaphore, #tpu.memory_space<semaphore_mem>> -> memref<!tpu.dma_semaphore, #tpu.memory_space<semaphore_mem>>
      tpu.enqueue_indirect_dma source(%dma_start3A_350 : memref<128x128xf32, #tpu.memory_space<vmem>>) target(%dma_start3A_356 : memref<10240x128xf32, #tpu.memory_space<vmem_shared>>) offsets(%dma_start3A_353 : memref<128xi32, #tpu.memory_space<vmem>>) semaphore(%dma_start3A_358 : memref<!tpu.dma_semaphore, #tpu.memory_space<semaphore_mem>>) {add = true}
      %dma_wait3A_359 = arith.constant 1 : i32
      %dma_wait3A_360 = arith.constant 1 : i32
      %dma_wait3A_361 = arith.constant 0 : i32
      %dma_wait3A_362 = arith.constant 0 : i32
      %dma_wait3A_363 = tpu.memref_slice %arg10[%dma_wait3A_359, %dma_wait3A_361, %dma_wait3A_362] : memref<2x128x128xf32, #tpu.memory_space<vmem>> -> memref<1x128x128xf32, #tpu.memory_space<vmem>>
      %dma_wait3A_364 = tpu.memref_squeeze %dma_wait3A_363 : memref<1x128x128xf32, #tpu.memory_space<vmem>> -> memref<128x128xf32, #tpu.memory_space<vmem>>
      %dma_wait3A_365 = arith.constant 0 : i32
      %dma_wait3A_366 = tpu.memref_slice %arg9[%add3A_330, %dma_wait3A_365] : memref<40x128xi32, #tpu.memory_space<vmem>> -> memref<1x128xi32, #tpu.memory_space<vmem>>
      %dma_wait3A_367 = tpu.memref_squeeze %dma_wait3A_366 : memref<1x128xi32, #tpu.memory_space<vmem>> -> memref<128xi32, #tpu.memory_space<vmem>>
      %dma_wait3A_368 = arith.constant 0 : i32
      %dma_wait3A_369 = arith.constant 0 : i32
      %dma_wait3A_370 = tpu.memref_slice %arg7[%dma_wait3A_368, %dma_wait3A_369] : memref<10240x128xf32, #tpu.memory_space<vmem_shared>> -> memref<10240x128xf32, #tpu.memory_space<vmem_shared>>
      %dma_wait3A_371 = tpu.memref_slice %arg12[%dma_wait3A_360] : memref<2x!tpu.dma_semaphore, #tpu.memory_space<semaphore_mem>> -> memref<1x!tpu.dma_semaphore, #tpu.memory_space<semaphore_mem>>
      %dma_wait3A_372 = tpu.memref_squeeze %dma_wait3A_371 : memref<1x!tpu.dma_semaphore, #tpu.memory_space<semaphore_mem>> -> memref<!tpu.dma_semaphore, #tpu.memory_space<semaphore_mem>>
      tpu.wait_indirect_dma semaphore(%dma_wait3A_372 : memref<!tpu.dma_semaphore, #tpu.memory_space<semaphore_mem>>) src(%dma_wait3A_364 : memref<128x128xf32, #tpu.memory_space<vmem>>) dst(%dma_wait3A_370 : memref<10240x128xf32, #tpu.memory_space<vmem_shared>>)
      %add3A_373 = arith.constant 2 : i32
      %add3A_374 = arith.addi %add3A_330, %add3A_373 : i32
      %dma_start3A_375 = arith.constant 1 : i32
      %dma_start3A_376 = arith.constant 1 : i32
      %dma_start3A_377 = arith.constant 0 : i32
      %dma_start3A_378 = arith.constant 0 : i32
      %dma_start3A_379 = tpu.memref_slice %arg10[%dma_start3A_375, %dma_start3A_377, %dma_start3A_378] : memref<2x128x128xf32, #tpu.memory_space<vmem>> -> memref<1x128x128xf32, #tpu.memory_space<vmem>>
      %dma_start3A_380 = tpu.memref_squeeze %dma_start3A_379 : memref<1x128x128xf32, #tpu.memory_space<vmem>> -> memref<128x128xf32, #tpu.memory_space<vmem>>
      %dma_start3A_381 = arith.constant 0 : i32
      %dma_start3A_382 = tpu.memref_slice %arg8[%add3A_374, %dma_start3A_381] : memref<40x128xi32, #tpu.memory_space<vmem>> -> memref<1x128xi32, #tpu.memory_space<vmem>>
      %dma_start3A_383 = tpu.memref_squeeze %dma_start3A_382 : memref<1x128xi32, #tpu.memory_space<vmem>> -> memref<128xi32, #tpu.memory_space<vmem>>
      %dma_start3A_384 = arith.constant 0 : i32
      %dma_start3A_385 = arith.constant 0 : i32
      %dma_start3A_386 = tpu.memref_slice %arg2[%dma_start3A_384, %dma_start3A_385] : memref<10240x128xf32, #tpu.memory_space<hbm>> -> memref<10240x128xf32, #tpu.memory_space<hbm>>
      %dma_start3A_387 = tpu.memref_slice %arg11[%dma_start3A_376] : memref<2x!tpu.dma_semaphore, #tpu.memory_space<semaphore_mem>> -> memref<1x!tpu.dma_semaphore, #tpu.memory_space<semaphore_mem>>
      %dma_start3A_388 = tpu.memref_squeeze %dma_start3A_387 : memref<1x!tpu.dma_semaphore, #tpu.memory_space<semaphore_mem>> -> memref<!tpu.dma_semaphore, #tpu.memory_space<semaphore_mem>>
      tpu.enqueue_indirect_dma source(%dma_start3A_386 : memref<10240x128xf32, #tpu.memory_space<hbm>>) target(%dma_start3A_380 : memref<128x128xf32, #tpu.memory_space<vmem>>) offsets(%dma_start3A_383 : memref<128xi32, #tpu.memory_space<vmem>>) semaphore(%dma_start3A_388 : memref<!tpu.dma_semaphore, #tpu.memory_space<semaphore_mem>>)
    }
    %scan3A_41 = arith.constant 19 : i32
    %dma_wait3A = arith.constant 38 : i32
    %dma_wait3A_42 = arith.constant 0 : i32
    %dma_wait3A_43 = arith.constant 0 : i32
    %dma_wait3A_44 = arith.constant 0 : i32
    %dma_wait3A_45 = arith.constant 0 : i32
    %dma_wait3A_46 = tpu.memref_slice %arg10[%dma_wait3A_42, %dma_wait3A_44, %dma_wait3A_45] : memref<2x128x128xf32, #tpu.memory_space<vmem>> -> memref<1x128x128xf32, #tpu.memory_space<vmem>>
    %dma_wait3A_47 = tpu.memref_squeeze %dma_wait3A_46 : memref<1x128x128xf32, #tpu.memory_space<vmem>> -> memref<128x128xf32, #tpu.memory_space<vmem>>
    %dma_wait3A_48 = arith.constant 0 : i32
    %dma_wait3A_49 = tpu.memref_slice %arg8[%dma_wait3A, %dma_wait3A_48] : memref<40x128xi32, #tpu.memory_space<vmem>> -> memref<1x128xi32, #tpu.memory_space<vmem>>
    %dma_wait3A_50 = tpu.memref_squeeze %dma_wait3A_49 : memref<1x128xi32, #tpu.memory_space<vmem>> -> memref<128xi32, #tpu.memory_space<vmem>>
    %dma_wait3A_51 = arith.constant 0 : i32
    %dma_wait3A_52 = arith.constant 0 : i32
    %dma_wait3A_53 = tpu.memref_slice %arg2[%dma_wait3A_51, %dma_wait3A_52] : memref<10240x128xf32, #tpu.memory_space<hbm>> -> memref<10240x128xf32, #tpu.memory_space<hbm>>
    %dma_wait3A_54 = tpu.memref_slice %arg11[%dma_wait3A_43] : memref<2x!tpu.dma_semaphore, #tpu.memory_space<semaphore_mem>> -> memref<1x!tpu.dma_semaphore, #tpu.memory_space<semaphore_mem>>
    %dma_wait3A_55 = tpu.memref_squeeze %dma_wait3A_54 : memref<1x!tpu.dma_semaphore, #tpu.memory_space<semaphore_mem>> -> memref<!tpu.dma_semaphore, #tpu.memory_space<semaphore_mem>>
    tpu.wait_indirect_dma semaphore(%dma_wait3A_55 : memref<!tpu.dma_semaphore, #tpu.memory_space<semaphore_mem>>) src(%dma_wait3A_53 : memref<10240x128xf32, #tpu.memory_space<hbm>>) dst(%dma_wait3A_47 : memref<128x128xf32, #tpu.memory_space<vmem>>)
    %dma_start3A_56 = arith.constant 0 : i32
    %dma_start3A_57 = arith.constant 38 : i32
    %dma_start3A_58 = arith.constant 0 : i32
    %dma_start3A_59 = arith.constant 0 : i32
    %dma_start3A_60 = arith.constant 0 : i32
    %dma_start3A_61 = tpu.memref_slice %arg10[%dma_start3A_56, %dma_start3A_59, %dma_start3A_60] : memref<2x128x128xf32, #tpu.memory_space<vmem>> -> memref<1x128x128xf32, #tpu.memory_space<vmem>>
    %dma_start3A_62 = tpu.memref_squeeze %dma_start3A_61 : memref<1x128x128xf32, #tpu.memory_space<vmem>> -> memref<128x128xf32, #tpu.memory_space<vmem>>
    %dma_start3A_63 = arith.constant 0 : i32
    %dma_start3A_64 = tpu.memref_slice %arg9[%dma_start3A_57, %dma_start3A_63] : memref<40x128xi32, #tpu.memory_space<vmem>> -> memref<1x128xi32, #tpu.memory_space<vmem>>
    %dma_start3A_65 = tpu.memref_squeeze %dma_start3A_64 : memref<1x128xi32, #tpu.memory_space<vmem>> -> memref<128xi32, #tpu.memory_space<vmem>>
    %dma_start3A_66 = arith.constant 0 : i32
    %dma_start3A_67 = arith.constant 0 : i32
    %dma_start3A_68 = tpu.memref_slice %arg7[%dma_start3A_66, %dma_start3A_67] : memref<10240x128xf32, #tpu.memory_space<vmem_shared>> -> memref<10240x128xf32, #tpu.memory_space<vmem_shared>>
    %dma_start3A_69 = tpu.memref_slice %arg12[%dma_start3A_58] : memref<2x!tpu.dma_semaphore, #tpu.memory_space<semaphore_mem>> -> memref<1x!tpu.dma_semaphore, #tpu.memory_space<semaphore_mem>>
    %dma_start3A_70 = tpu.memref_squeeze %dma_start3A_69 : memref<1x!tpu.dma_semaphore, #tpu.memory_space<semaphore_mem>> -> memref<!tpu.dma_semaphore, #tpu.memory_space<semaphore_mem>>
    tpu.enqueue_indirect_dma source(%dma_start3A_62 : memref<128x128xf32, #tpu.memory_space<vmem>>) target(%dma_start3A_68 : memref<10240x128xf32, #tpu.memory_space<vmem_shared>>) offsets(%dma_start3A_65 : memref<128xi32, #tpu.memory_space<vmem>>) semaphore(%dma_start3A_70 : memref<!tpu.dma_semaphore, #tpu.memory_space<semaphore_mem>>) {add = true}
    %dma_wait3A_71 = arith.constant 0 : i32
    %dma_wait3A_72 = arith.constant 38 : i32
    %dma_wait3A_73 = arith.constant 0 : i32
    %dma_wait3A_74 = arith.constant 0 : i32
    %dma_wait3A_75 = arith.constant 0 : i32
    %dma_wait3A_76 = tpu.memref_slice %arg10[%dma_wait3A_71, %dma_wait3A_74, %dma_wait3A_75] : memref<2x128x128xf32, #tpu.memory_space<vmem>> -> memref<1x128x128xf32, #tpu.memory_space<vmem>>
    %dma_wait3A_77 = tpu.memref_squeeze %dma_wait3A_76 : memref<1x128x128xf32, #tpu.memory_space<vmem>> -> memref<128x128xf32, #tpu.memory_space<vmem>>
    %dma_wait3A_78 = arith.constant 0 : i32
    %dma_wait3A_79 = tpu.memref_slice %arg9[%dma_wait3A_72, %dma_wait3A_78] : memref<40x128xi32, #tpu.memory_space<vmem>> -> memref<1x128xi32, #tpu.memory_space<vmem>>
    %dma_wait3A_80 = tpu.memref_squeeze %dma_wait3A_79 : memref<1x128xi32, #tpu.memory_space<vmem>> -> memref<128xi32, #tpu.memory_space<vmem>>
    %dma_wait3A_81 = arith.constant 0 : i32
    %dma_wait3A_82 = arith.constant 0 : i32
    %dma_wait3A_83 = tpu.memref_slice %arg7[%dma_wait3A_81, %dma_wait3A_82] : memref<10240x128xf32, #tpu.memory_space<vmem_shared>> -> memref<10240x128xf32, #tpu.memory_space<vmem_shared>>
    %dma_wait3A_84 = tpu.memref_slice %arg12[%dma_wait3A_73] : memref<2x!tpu.dma_semaphore, #tpu.memory_space<semaphore_mem>> -> memref<1x!tpu.dma_semaphore, #tpu.memory_space<semaphore_mem>>
    %dma_wait3A_85 = tpu.memref_squeeze %dma_wait3A_84 : memref<1x!tpu.dma_semaphore, #tpu.memory_space<semaphore_mem>> -> memref<!tpu.dma_semaphore, #tpu.memory_space<semaphore_mem>>
    tpu.wait_indirect_dma semaphore(%dma_wait3A_85 : memref<!tpu.dma_semaphore, #tpu.memory_space<semaphore_mem>>) src(%dma_wait3A_77 : memref<128x128xf32, #tpu.memory_space<vmem>>) dst(%dma_wait3A_83 : memref<10240x128xf32, #tpu.memory_space<vmem_shared>>)
    %dma_wait3A_86 = arith.constant 39 : i32
    %dma_wait3A_87 = arith.constant 1 : i32
    %dma_wait3A_88 = arith.constant 1 : i32
    %dma_wait3A_89 = arith.constant 0 : i32
    %dma_wait3A_90 = arith.constant 0 : i32
    %dma_wait3A_91 = tpu.memref_slice %arg10[%dma_wait3A_87, %dma_wait3A_89, %dma_wait3A_90] : memref<2x128x128xf32, #tpu.memory_space<vmem>> -> memref<1x128x128xf32, #tpu.memory_space<vmem>>
    %dma_wait3A_92 = tpu.memref_squeeze %dma_wait3A_91 : memref<1x128x128xf32, #tpu.memory_space<vmem>> -> memref<128x128xf32, #tpu.memory_space<vmem>>
    %dma_wait3A_93 = arith.constant 0 : i32
    %dma_wait3A_94 = tpu.memref_slice %arg8[%dma_wait3A_86, %dma_wait3A_93] : memref<40x128xi32, #tpu.memory_space<vmem>> -> memref<1x128xi32, #tpu.memory_space<vmem>>
    %dma_wait3A_95 = tpu.memref_squeeze %dma_wait3A_94 : memref<1x128xi32, #tpu.memory_space<vmem>> -> memref<128xi32, #tpu.memory_space<vmem>>
    %dma_wait3A_96 = arith.constant 0 : i32
    %dma_wait3A_97 = arith.constant 0 : i32
    %dma_wait3A_98 = tpu.memref_slice %arg2[%dma_wait3A_96, %dma_wait3A_97] : memref<10240x128xf32, #tpu.memory_space<hbm>> -> memref<10240x128xf32, #tpu.memory_space<hbm>>
    %dma_wait3A_99 = tpu.memref_slice %arg11[%dma_wait3A_88] : memref<2x!tpu.dma_semaphore, #tpu.memory_space<semaphore_mem>> -> memref<1x!tpu.dma_semaphore, #tpu.memory_space<semaphore_mem>>
    %dma_wait3A_100 = tpu.memref_squeeze %dma_wait3A_99 : memref<1x!tpu.dma_semaphore, #tpu.memory_space<semaphore_mem>> -> memref<!tpu.dma_semaphore, #tpu.memory_space<semaphore_mem>>
    tpu.wait_indirect_dma semaphore(%dma_wait3A_100 : memref<!tpu.dma_semaphore, #tpu.memory_space<semaphore_mem>>) src(%dma_wait3A_98 : memref<10240x128xf32, #tpu.memory_space<hbm>>) dst(%dma_wait3A_92 : memref<128x128xf32, #tpu.memory_space<vmem>>)
    %dma_start3A_101 = arith.constant 1 : i32
    %dma_start3A_102 = arith.constant 39 : i32
    %dma_start3A_103 = arith.constant 1 : i32
    %dma_start3A_104 = arith.constant 0 : i32
    %dma_start3A_105 = arith.constant 0 : i32
    %dma_start3A_106 = tpu.memref_slice %arg10[%dma_start3A_101, %dma_start3A_104, %dma_start3A_105] : memref<2x128x128xf32, #tpu.memory_space<vmem>> -> memref<1x128x128xf32, #tpu.memory_space<vmem>>
    %dma_start3A_107 = tpu.memref_squeeze %dma_start3A_106 : memref<1x128x128xf32, #tpu.memory_space<vmem>> -> memref<128x128xf32, #tpu.memory_space<vmem>>
    %dma_start3A_108 = arith.constant 0 : i32
    %dma_start3A_109 = tpu.memref_slice %arg9[%dma_start3A_102, %dma_start3A_108] : memref<40x128xi32, #tpu.memory_space<vmem>> -> memref<1x128xi32, #tpu.memory_space<vmem>>
    %dma_start3A_110 = tpu.memref_squeeze %dma_start3A_109 : memref<1x128xi32, #tpu.memory_space<vmem>> -> memref<128xi32, #tpu.memory_space<vmem>>
    %dma_start3A_111 = arith.constant 0 : i32
    %dma_start3A_112 = arith.constant 0 : i32
    %dma_start3A_113 = tpu.memref_slice %arg7[%dma_start3A_111, %dma_start3A_112] : memref<10240x128xf32, #tpu.memory_space<vmem_shared>> -> memref<10240x128xf32, #tpu.memory_space<vmem_shared>>
    %dma_start3A_114 = tpu.memref_slice %arg12[%dma_start3A_103] : memref<2x!tpu.dma_semaphore, #tpu.memory_space<semaphore_mem>> -> memref<1x!tpu.dma_semaphore, #tpu.memory_space<semaphore_mem>>
    %dma_start3A_115 = tpu.memref_squeeze %dma_start3A_114 : memref<1x!tpu.dma_semaphore, #tpu.memory_space<semaphore_mem>> -> memref<!tpu.dma_semaphore, #tpu.memory_space<semaphore_mem>>
    tpu.enqueue_indirect_dma source(%dma_start3A_107 : memref<128x128xf32, #tpu.memory_space<vmem>>) target(%dma_start3A_113 : memref<10240x128xf32, #tpu.memory_space<vmem_shared>>) offsets(%dma_start3A_110 : memref<128xi32, #tpu.memory_space<vmem>>) semaphore(%dma_start3A_115 : memref<!tpu.dma_semaphore, #tpu.memory_space<semaphore_mem>>) {add = true}
    %dma_wait3A_116 = arith.constant 1 : i32
    %dma_wait3A_117 = arith.constant 39 : i32
    %dma_wait3A_118 = arith.constant 1 : i32
    %dma_wait3A_119 = arith.constant 0 : i32
    %dma_wait3A_120 = arith.constant 0 : i32
    %dma_wait3A_121 = tpu.memref_slice %arg10[%dma_wait3A_116, %dma_wait3A_119, %dma_wait3A_120] : memref<2x128x128xf32, #tpu.memory_space<vmem>> -> memref<1x128x128xf32, #tpu.memory_space<vmem>>
    %dma_wait3A_122 = tpu.memref_squeeze %dma_wait3A_121 : memref<1x128x128xf32, #tpu.memory_space<vmem>> -> memref<128x128xf32, #tpu.memory_space<vmem>>
    %dma_wait3A_123 = arith.constant 0 : i32
    %dma_wait3A_124 = tpu.memref_slice %arg9[%dma_wait3A_117, %dma_wait3A_123] : memref<40x128xi32, #tpu.memory_space<vmem>> -> memref<1x128xi32, #tpu.memory_space<vmem>>
    %dma_wait3A_125 = tpu.memref_squeeze %dma_wait3A_124 : memref<1x128xi32, #tpu.memory_space<vmem>> -> memref<128xi32, #tpu.memory_space<vmem>>
    %dma_wait3A_126 = arith.constant 0 : i32
    %dma_wait3A_127 = arith.constant 0 : i32
    %dma_wait3A_128 = tpu.memref_slice %arg7[%dma_wait3A_126, %dma_wait3A_127] : memref<10240x128xf32, #tpu.memory_space<vmem_shared>> -> memref<10240x128xf32, #tpu.memory_space<vmem_shared>>
    %dma_wait3A_129 = tpu.memref_slice %arg12[%dma_wait3A_118] : memref<2x!tpu.dma_semaphore, #tpu.memory_space<semaphore_mem>> -> memref<1x!tpu.dma_semaphore, #tpu.memory_space<semaphore_mem>>
    %dma_wait3A_130 = tpu.memref_squeeze %dma_wait3A_129 : memref<1x!tpu.dma_semaphore, #tpu.memory_space<semaphore_mem>> -> memref<!tpu.dma_semaphore, #tpu.memory_space<semaphore_mem>>
    tpu.wait_indirect_dma semaphore(%dma_wait3A_130 : memref<!tpu.dma_semaphore, #tpu.memory_space<semaphore_mem>>) src(%dma_wait3A_122 : memref<128x128xf32, #tpu.memory_space<vmem>>) dst(%dma_wait3A_128 : memref<10240x128xf32, #tpu.memory_space<vmem_shared>>)
    %add3A_131 = arith.constant 40 : i32
    %add3A_132 = arith.addi %mul3A_4, %add3A_131 : i32
    "tpu.region"() ({
      %run_scoped3A = tpu.sem_alloc : memref<!tpu.dma_semaphore, #tpu.memory_space<semaphore_mem>>
      %dma_start3A_264 = arith.constant 0 : i32
      %dma_start3A_265 = tpu.memref_slice %arg3[%add3A_132, %dma_start3A_264] : memref<2560x128xi32, #tpu.memory_space<hbm>> -> memref<40x128xi32, #tpu.memory_space<hbm>>
      %dma_start3A_266 = arith.constant 0 : i32
      %dma_start3A_267 = tpu.memref_slice %arg3[%add3A_132, %dma_start3A_266] : memref<2560x128xi32, #tpu.memory_space<hbm>> -> memref<40x128xi32, #tpu.memory_space<hbm>>
      tpu.enqueue_dma source(%dma_start3A_267 : memref<40x128xi32, #tpu.memory_space<hbm>>) target(%arg8 : memref<40x128xi32, #tpu.memory_space<vmem>>) target_semaphore(%run_scoped3A : memref<!tpu.dma_semaphore, #tpu.memory_space<semaphore_mem>>)
      %dma_wait3A_268 = arith.constant 0 : i32
      %dma_wait3A_269 = tpu.memref_slice %arg3[%add3A_132, %dma_wait3A_268] : memref<2560x128xi32, #tpu.memory_space<hbm>> -> memref<40x128xi32, #tpu.memory_space<hbm>>
      %dma_wait3A_270 = arith.constant 0 : i32
      %dma_wait3A_271 = tpu.memref_slice %arg3[%add3A_132, %dma_wait3A_270] : memref<2560x128xi32, #tpu.memory_space<hbm>> -> memref<40x128xi32, #tpu.memory_space<hbm>>
      tpu.wait_dma2 semaphore(%run_scoped3A : memref<!tpu.dma_semaphore, #tpu.memory_space<semaphore_mem>>) src(%dma_wait3A_271 : memref<40x128xi32, #tpu.memory_space<hbm>>) dst(%arg8 : memref<40x128xi32, #tpu.memory_space<vmem>>)
      tpu.yield
    }) : () -> ()
    %add3A_133 = arith.constant 40 : i32
    %add3A_134 = arith.addi %mul3A_4, %add3A_133 : i32
    "tpu.region"() ({
      %run_scoped3A = tpu.sem_alloc : memref<!tpu.dma_semaphore, #tpu.memory_space<semaphore_mem>>
      %dma_start3A_264 = arith.constant 0 : i32
      %dma_start3A_265 = tpu.memref_slice %arg4[%add3A_134, %dma_start3A_264] : memref<2560x128xi32, #tpu.memory_space<hbm>> -> memref<40x128xi32, #tpu.memory_space<hbm>>
      %dma_start3A_266 = arith.constant 0 : i32
      %dma_start3A_267 = tpu.memref_slice %arg4[%add3A_134, %dma_start3A_266] : memref<2560x128xi32, #tpu.memory_space<hbm>> -> memref<40x128xi32, #tpu.memory_space<hbm>>
      tpu.enqueue_dma source(%dma_start3A_267 : memref<40x128xi32, #tpu.memory_space<hbm>>) target(%arg9 : memref<40x128xi32, #tpu.memory_space<vmem>>) target_semaphore(%run_scoped3A : memref<!tpu.dma_semaphore, #tpu.memory_space<semaphore_mem>>)
      %dma_wait3A_268 = arith.constant 0 : i32
      %dma_wait3A_269 = tpu.memref_slice %arg4[%add3A_134, %dma_wait3A_268] : memref<2560x128xi32, #tpu.memory_space<hbm>> -> memref<40x128xi32, #tpu.memory_space<hbm>>
      %dma_wait3A_270 = arith.constant 0 : i32
      %dma_wait3A_271 = tpu.memref_slice %arg4[%add3A_134, %dma_wait3A_270] : memref<2560x128xi32, #tpu.memory_space<hbm>> -> memref<40x128xi32, #tpu.memory_space<hbm>>
      tpu.wait_dma2 semaphore(%run_scoped3A : memref<!tpu.dma_semaphore, #tpu.memory_space<semaphore_mem>>) src(%dma_wait3A_271 : memref<40x128xi32, #tpu.memory_space<hbm>>) dst(%arg9 : memref<40x128xi32, #tpu.memory_space<vmem>>)
      tpu.yield
    }) : () -> ()
    %dma_start3A_135 = arith.constant 0 : i32
    %dma_start3A_136 = arith.constant 0 : i32
    %dma_start3A_137 = arith.constant 0 : i32
    %dma_start3A_138 = arith.constant 0 : i32
    %dma_start3A_139 = arith.constant 0 : i32
    %dma_start3A_140 = tpu.memref_slice %arg10[%dma_start3A_136, %dma_start3A_138, %dma_start3A_139] : memref<2x128x128xf32, #tpu.memory_space<vmem>> -> memref<1x128x128xf32, #tpu.memory_space<vmem>>
    %dma_start3A_141 = tpu.memref_squeeze %dma_start3A_140 : memref<1x128x128xf32, #tpu.memory_space<vmem>> -> memref<128x128xf32, #tpu.memory_space<vmem>>
    %dma_start3A_142 = arith.constant 0 : i32
    %dma_start3A_143 = tpu.memref_slice %arg8[%dma_start3A_135, %dma_start3A_142] : memref<40x128xi32, #tpu.memory_space<vmem>> -> memref<1x128xi32, #tpu.memory_space<vmem>>
    %dma_start3A_144 = tpu.memref_squeeze %dma_start3A_143 : memref<1x128xi32, #tpu.memory_space<vmem>> -> memref<128xi32, #tpu.memory_space<vmem>>
    %dma_start3A_145 = arith.constant 0 : i32
    %dma_start3A_146 = arith.constant 0 : i32
    %dma_start3A_147 = tpu.memref_slice %arg2[%dma_start3A_145, %dma_start3A_146] : memref<10240x128xf32, #tpu.memory_space<hbm>> -> memref<10240x128xf32, #tpu.memory_space<hbm>>
    %dma_start3A_148 = tpu.memref_slice %arg11[%dma_start3A_137] : memref<2x!tpu.dma_semaphore, #tpu.memory_space<semaphore_mem>> -> memref<1x!tpu.dma_semaphore, #tpu.memory_space<semaphore_mem>>
    %dma_start3A_149 = tpu.memref_squeeze %dma_start3A_148 : memref<1x!tpu.dma_semaphore, #tpu.memory_space<semaphore_mem>> -> memref<!tpu.dma_semaphore, #tpu.memory_space<semaphore_mem>>
    tpu.enqueue_indirect_dma source(%dma_start3A_147 : memref<10240x128xf32, #tpu.memory_space<hbm>>) target(%dma_start3A_141 : memref<128x128xf32, #tpu.memory_space<vmem>>) offsets(%dma_start3A_144 : memref<128xi32, #tpu.memory_space<vmem>>) semaphore(%dma_start3A_149 : memref<!tpu.dma_semaphore, #tpu.memory_space<semaphore_mem>>)
    %dma_start3A_150 = arith.constant 1 : i32
    %dma_start3A_151 = arith.constant 1 : i32
    %dma_start3A_152 = arith.constant 1 : i32
    %dma_start3A_153 = arith.constant 0 : i32
    %dma_start3A_154 = arith.constant 0 : i32
    %dma_start3A_155 = tpu.memref_slice %arg10[%dma_start3A_151, %dma_start3A_153, %dma_start3A_154] : memref<2x128x128xf32, #tpu.memory_space<vmem>> -> memref<1x128x128xf32, #tpu.memory_space<vmem>>
    %dma_start3A_156 = tpu.memref_squeeze %dma_start3A_155 : memref<1x128x128xf32, #tpu.memory_space<vmem>> -> memref<128x128xf32, #tpu.memory_space<vmem>>
    %dma_start3A_157 = arith.constant 0 : i32
    %dma_start3A_158 = tpu.memref_slice %arg8[%dma_start3A_150, %dma_start3A_157] : memref<40x128xi32, #tpu.memory_space<vmem>> -> memref<1x128xi32, #tpu.memory_space<vmem>>
    %dma_start3A_159 = tpu.memref_squeeze %dma_start3A_158 : memref<1x128xi32, #tpu.memory_space<vmem>> -> memref<128xi32, #tpu.memory_space<vmem>>
    %dma_start3A_160 = arith.constant 0 : i32
    %dma_start3A_161 = arith.constant 0 : i32
    %dma_start3A_162 = tpu.memref_slice %arg2[%dma_start3A_160, %dma_start3A_161] : memref<10240x128xf32, #tpu.memory_space<hbm>> -> memref<10240x128xf32, #tpu.memory_space<hbm>>
    %dma_start3A_163 = tpu.memref_slice %arg11[%dma_start3A_152] : memref<2x!tpu.dma_semaphore, #tpu.memory_space<semaphore_mem>> -> memref<1x!tpu.dma_semaphore, #tpu.memory_space<semaphore_mem>>
    %dma_start3A_164 = tpu.memref_squeeze %dma_start3A_163 : memref<1x!tpu.dma_semaphore, #tpu.memory_space<semaphore_mem>> -> memref<!tpu.dma_semaphore, #tpu.memory_space<semaphore_mem>>
    tpu.enqueue_indirect_dma source(%dma_start3A_162 : memref<10240x128xf32, #tpu.memory_space<hbm>>) target(%dma_start3A_156 : memref<128x128xf32, #tpu.memory_space<vmem>>) offsets(%dma_start3A_159 : memref<128xi32, #tpu.memory_space<vmem>>) semaphore(%dma_start3A_164 : memref<!tpu.dma_semaphore, #tpu.memory_space<semaphore_mem>>)
    %scan3A_165 = arith.constant 0 : i32
    %scan3A_166 = arith.constant 19 : i32
    %scan3A_167 = arith.addi %scan3A_165, %scan3A_166 : i32
    %scan3A_168 = arith.constant 1 : i32
    scf.for %scan3A_264 = %scan3A_165 to %scan3A_167 step %scan3A_168  : i32 {
      %mul3A_265 = arith.constant 2 : i32
      %mul3A_266 = arith.muli %scan3A_264, %mul3A_265 : i32
      %add3A_267 = arith.constant 0 : i32
      %add3A_268 = arith.addi %add3A_267, %mul3A_266 : i32
      %add3A_269 = arith.constant 0 : i32
      %add3A_270 = arith.addi %add3A_268, %add3A_269 : i32
      %dma_wait3A_271 = arith.constant 0 : i32
      %dma_wait3A_272 = arith.constant 0 : i32
      %dma_wait3A_273 = arith.constant 0 : i32
      %dma_wait3A_274 = arith.constant 0 : i32
      %dma_wait3A_275 = tpu.memref_slice %arg10[%dma_wait3A_271, %dma_wait3A_273, %dma_wait3A_274] : memref<2x128x128xf32, #tpu.memory_space<vmem>> -> memref<1x128x128xf32, #tpu.memory_space<vmem>>
      %dma_wait3A_276 = tpu.memref_squeeze %dma_wait3A_275 : memref<1x128x128xf32, #tpu.memory_space<vmem>> -> memref<128x128xf32, #tpu.memory_space<vmem>>
      %dma_wait3A_277 = arith.constant 0 : i32
      %dma_wait3A_278 = tpu.memref_slice %arg8[%add3A_270, %dma_wait3A_277] : memref<40x128xi32, #tpu.memory_space<vmem>> -> memref<1x128xi32, #tpu.memory_space<vmem>>
      %dma_wait3A_279 = tpu.memref_squeeze %dma_wait3A_278 : memref<1x128xi32, #tpu.memory_space<vmem>> -> memref<128xi32, #tpu.memory_space<vmem>>
      %dma_wait3A_280 = arith.constant 0 : i32
      %dma_wait3A_281 = arith.constant 0 : i32
      %dma_wait3A_282 = tpu.memref_slice %arg2[%dma_wait3A_280, %dma_wait3A_281] : memref<10240x128xf32, #tpu.memory_space<hbm>> -> memref<10240x128xf32, #tpu.memory_space<hbm>>
      %dma_wait3A_283 = tpu.memref_slice %arg11[%dma_wait3A_272] : memref<2x!tpu.dma_semaphore, #tpu.memory_space<semaphore_mem>> -> memref<1x!tpu.dma_semaphore, #tpu.memory_space<semaphore_mem>>
      %dma_wait3A_284 = tpu.memref_squeeze %dma_wait3A_283 : memref<1x!tpu.dma_semaphore, #tpu.memory_space<semaphore_mem>> -> memref<!tpu.dma_semaphore, #tpu.memory_space<semaphore_mem>>
      tpu.wait_indirect_dma semaphore(%dma_wait3A_284 : memref<!tpu.dma_semaphore, #tpu.memory_space<semaphore_mem>>) src(%dma_wait3A_282 : memref<10240x128xf32, #tpu.memory_space<hbm>>) dst(%dma_wait3A_276 : memref<128x128xf32, #tpu.memory_space<vmem>>)
      %dma_start3A_285 = arith.constant 0 : i32
      %dma_start3A_286 = arith.constant 0 : i32
      %dma_start3A_287 = arith.constant 0 : i32
      %dma_start3A_288 = arith.constant 0 : i32
      %dma_start3A_289 = tpu.memref_slice %arg10[%dma_start3A_285, %dma_start3A_287, %dma_start3A_288] : memref<2x128x128xf32, #tpu.memory_space<vmem>> -> memref<1x128x128xf32, #tpu.memory_space<vmem>>
      %dma_start3A_290 = tpu.memref_squeeze %dma_start3A_289 : memref<1x128x128xf32, #tpu.memory_space<vmem>> -> memref<128x128xf32, #tpu.memory_space<vmem>>
      %dma_start3A_291 = arith.constant 0 : i32
      %dma_start3A_292 = tpu.memref_slice %arg9[%add3A_270, %dma_start3A_291] : memref<40x128xi32, #tpu.memory_space<vmem>> -> memref<1x128xi32, #tpu.memory_space<vmem>>
      %dma_start3A_293 = tpu.memref_squeeze %dma_start3A_292 : memref<1x128xi32, #tpu.memory_space<vmem>> -> memref<128xi32, #tpu.memory_space<vmem>>
      %dma_start3A_294 = arith.constant 0 : i32
      %dma_start3A_295 = arith.constant 0 : i32
      %dma_start3A_296 = tpu.memref_slice %arg7[%dma_start3A_294, %dma_start3A_295] : memref<10240x128xf32, #tpu.memory_space<vmem_shared>> -> memref<10240x128xf32, #tpu.memory_space<vmem_shared>>
      %dma_start3A_297 = tpu.memref_slice %arg12[%dma_start3A_286] : memref<2x!tpu.dma_semaphore, #tpu.memory_space<semaphore_mem>> -> memref<1x!tpu.dma_semaphore, #tpu.memory_space<semaphore_mem>>
      %dma_start3A_298 = tpu.memref_squeeze %dma_start3A_297 : memref<1x!tpu.dma_semaphore, #tpu.memory_space<semaphore_mem>> -> memref<!tpu.dma_semaphore, #tpu.memory_space<semaphore_mem>>
      tpu.enqueue_indirect_dma source(%dma_start3A_290 : memref<128x128xf32, #tpu.memory_space<vmem>>) target(%dma_start3A_296 : memref<10240x128xf32, #tpu.memory_space<vmem_shared>>) offsets(%dma_start3A_293 : memref<128xi32, #tpu.memory_space<vmem>>) semaphore(%dma_start3A_298 : memref<!tpu.dma_semaphore, #tpu.memory_space<semaphore_mem>>) {add = true}
      %dma_wait3A_299 = arith.constant 0 : i32
      %dma_wait3A_300 = arith.constant 0 : i32
      %dma_wait3A_301 = arith.constant 0 : i32
      %dma_wait3A_302 = arith.constant 0 : i32
      %dma_wait3A_303 = tpu.memref_slice %arg10[%dma_wait3A_299, %dma_wait3A_301, %dma_wait3A_302] : memref<2x128x128xf32, #tpu.memory_space<vmem>> -> memref<1x128x128xf32, #tpu.memory_space<vmem>>
      %dma_wait3A_304 = tpu.memref_squeeze %dma_wait3A_303 : memref<1x128x128xf32, #tpu.memory_space<vmem>> -> memref<128x128xf32, #tpu.memory_space<vmem>>
      %dma_wait3A_305 = arith.constant 0 : i32
      %dma_wait3A_306 = tpu.memref_slice %arg9[%add3A_270, %dma_wait3A_305] : memref<40x128xi32, #tpu.memory_space<vmem>> -> memref<1x128xi32, #tpu.memory_space<vmem>>
      %dma_wait3A_307 = tpu.memref_squeeze %dma_wait3A_306 : memref<1x128xi32, #tpu.memory_space<vmem>> -> memref<128xi32, #tpu.memory_space<vmem>>
      %dma_wait3A_308 = arith.constant 0 : i32
      %dma_wait3A_309 = arith.constant 0 : i32
      %dma_wait3A_310 = tpu.memref_slice %arg7[%dma_wait3A_308, %dma_wait3A_309] : memref<10240x128xf32, #tpu.memory_space<vmem_shared>> -> memref<10240x128xf32, #tpu.memory_space<vmem_shared>>
      %dma_wait3A_311 = tpu.memref_slice %arg12[%dma_wait3A_300] : memref<2x!tpu.dma_semaphore, #tpu.memory_space<semaphore_mem>> -> memref<1x!tpu.dma_semaphore, #tpu.memory_space<semaphore_mem>>
      %dma_wait3A_312 = tpu.memref_squeeze %dma_wait3A_311 : memref<1x!tpu.dma_semaphore, #tpu.memory_space<semaphore_mem>> -> memref<!tpu.dma_semaphore, #tpu.memory_space<semaphore_mem>>
      tpu.wait_indirect_dma semaphore(%dma_wait3A_312 : memref<!tpu.dma_semaphore, #tpu.memory_space<semaphore_mem>>) src(%dma_wait3A_304 : memref<128x128xf32, #tpu.memory_space<vmem>>) dst(%dma_wait3A_310 : memref<10240x128xf32, #tpu.memory_space<vmem_shared>>)
      %add3A_313 = arith.constant 2 : i32
      %add3A_314 = arith.addi %add3A_270, %add3A_313 : i32
      %dma_start3A_315 = arith.constant 0 : i32
      %dma_start3A_316 = arith.constant 0 : i32
      %dma_start3A_317 = arith.constant 0 : i32
      %dma_start3A_318 = arith.constant 0 : i32
      %dma_start3A_319 = tpu.memref_slice %arg10[%dma_start3A_315, %dma_start3A_317, %dma_start3A_318] : memref<2x128x128xf32, #tpu.memory_space<vmem>> -> memref<1x128x128xf32, #tpu.memory_space<vmem>>
      %dma_start3A_320 = tpu.memref_squeeze %dma_start3A_319 : memref<1x128x128xf32, #tpu.memory_space<vmem>> -> memref<128x128xf32, #tpu.memory_space<vmem>>
      %dma_start3A_321 = arith.constant 0 : i32
      %dma_start3A_322 = tpu.memref_slice %arg8[%add3A_314, %dma_start3A_321] : memref<40x128xi32, #tpu.memory_space<vmem>> -> memref<1x128xi32, #tpu.memory_space<vmem>>
      %dma_start3A_323 = tpu.memref_squeeze %dma_start3A_322 : memref<1x128xi32, #tpu.memory_space<vmem>> -> memref<128xi32, #tpu.memory_space<vmem>>
      %dma_start3A_324 = arith.constant 0 : i32
      %dma_start3A_325 = arith.constant 0 : i32
      %dma_start3A_326 = tpu.memref_slice %arg2[%dma_start3A_324, %dma_start3A_325] : memref<10240x128xf32, #tpu.memory_space<hbm>> -> memref<10240x128xf32, #tpu.memory_space<hbm>>
      %dma_start3A_327 = tpu.memref_slice %arg11[%dma_start3A_316] : memref<2x!tpu.dma_semaphore, #tpu.memory_space<semaphore_mem>> -> memref<1x!tpu.dma_semaphore, #tpu.memory_space<semaphore_mem>>
      %dma_start3A_328 = tpu.memref_squeeze %dma_start3A_327 : memref<1x!tpu.dma_semaphore, #tpu.memory_space<semaphore_mem>> -> memref<!tpu.dma_semaphore, #tpu.memory_space<semaphore_mem>>
      tpu.enqueue_indirect_dma source(%dma_start3A_326 : memref<10240x128xf32, #tpu.memory_space<hbm>>) target(%dma_start3A_320 : memref<128x128xf32, #tpu.memory_space<vmem>>) offsets(%dma_start3A_323 : memref<128xi32, #tpu.memory_space<vmem>>) semaphore(%dma_start3A_328 : memref<!tpu.dma_semaphore, #tpu.memory_space<semaphore_mem>>)
      %add3A_329 = arith.constant 1 : i32
      %add3A_330 = arith.addi %add3A_268, %add3A_329 : i32
      %dma_wait3A_331 = arith.constant 1 : i32
      %dma_wait3A_332 = arith.constant 1 : i32
      %dma_wait3A_333 = arith.constant 0 : i32
      %dma_wait3A_334 = arith.constant 0 : i32
      %dma_wait3A_335 = tpu.memref_slice %arg10[%dma_wait3A_331, %dma_wait3A_333, %dma_wait3A_334] : memref<2x128x128xf32, #tpu.memory_space<vmem>> -> memref<1x128x128xf32, #tpu.memory_space<vmem>>
      %dma_wait3A_336 = tpu.memref_squeeze %dma_wait3A_335 : memref<1x128x128xf32, #tpu.memory_space<vmem>> -> memref<128x128xf32, #tpu.memory_space<vmem>>
      %dma_wait3A_337 = arith.constant 0 : i32
      %dma_wait3A_338 = tpu.memref_slice %arg8[%add3A_330, %dma_wait3A_337] : memref<40x128xi32, #tpu.memory_space<vmem>> -> memref<1x128xi32, #tpu.memory_space<vmem>>
      %dma_wait3A_339 = tpu.memref_squeeze %dma_wait3A_338 : memref<1x128xi32, #tpu.memory_space<vmem>> -> memref<128xi32, #tpu.memory_space<vmem>>
      %dma_wait3A_340 = arith.constant 0 : i32
      %dma_wait3A_341 = arith.constant 0 : i32
      %dma_wait3A_342 = tpu.memref_slice %arg2[%dma_wait3A_340, %dma_wait3A_341] : memref<10240x128xf32, #tpu.memory_space<hbm>> -> memref<10240x128xf32, #tpu.memory_space<hbm>>
      %dma_wait3A_343 = tpu.memref_slice %arg11[%dma_wait3A_332] : memref<2x!tpu.dma_semaphore, #tpu.memory_space<semaphore_mem>> -> memref<1x!tpu.dma_semaphore, #tpu.memory_space<semaphore_mem>>
      %dma_wait3A_344 = tpu.memref_squeeze %dma_wait3A_343 : memref<1x!tpu.dma_semaphore, #tpu.memory_space<semaphore_mem>> -> memref<!tpu.dma_semaphore, #tpu.memory_space<semaphore_mem>>
      tpu.wait_indirect_dma semaphore(%dma_wait3A_344 : memref<!tpu.dma_semaphore, #tpu.memory_space<semaphore_mem>>) src(%dma_wait3A_342 : memref<10240x128xf32, #tpu.memory_space<hbm>>) dst(%dma_wait3A_336 : memref<128x128xf32, #tpu.memory_space<vmem>>)
      %dma_start3A_345 = arith.constant 1 : i32
      %dma_start3A_346 = arith.constant 1 : i32
      %dma_start3A_347 = arith.constant 0 : i32
      %dma_start3A_348 = arith.constant 0 : i32
      %dma_start3A_349 = tpu.memref_slice %arg10[%dma_start3A_345, %dma_start3A_347, %dma_start3A_348] : memref<2x128x128xf32, #tpu.memory_space<vmem>> -> memref<1x128x128xf32, #tpu.memory_space<vmem>>
      %dma_start3A_350 = tpu.memref_squeeze %dma_start3A_349 : memref<1x128x128xf32, #tpu.memory_space<vmem>> -> memref<128x128xf32, #tpu.memory_space<vmem>>
      %dma_start3A_351 = arith.constant 0 : i32
      %dma_start3A_352 = tpu.memref_slice %arg9[%add3A_330, %dma_start3A_351] : memref<40x128xi32, #tpu.memory_space<vmem>> -> memref<1x128xi32, #tpu.memory_space<vmem>>
      %dma_start3A_353 = tpu.memref_squeeze %dma_start3A_352 : memref<1x128xi32, #tpu.memory_space<vmem>> -> memref<128xi32, #tpu.memory_space<vmem>>
      %dma_start3A_354 = arith.constant 0 : i32
      %dma_start3A_355 = arith.constant 0 : i32
      %dma_start3A_356 = tpu.memref_slice %arg7[%dma_start3A_354, %dma_start3A_355] : memref<10240x128xf32, #tpu.memory_space<vmem_shared>> -> memref<10240x128xf32, #tpu.memory_space<vmem_shared>>
      %dma_start3A_357 = tpu.memref_slice %arg12[%dma_start3A_346] : memref<2x!tpu.dma_semaphore, #tpu.memory_space<semaphore_mem>> -> memref<1x!tpu.dma_semaphore, #tpu.memory_space<semaphore_mem>>
      %dma_start3A_358 = tpu.memref_squeeze %dma_start3A_357 : memref<1x!tpu.dma_semaphore, #tpu.memory_space<semaphore_mem>> -> memref<!tpu.dma_semaphore, #tpu.memory_space<semaphore_mem>>
      tpu.enqueue_indirect_dma source(%dma_start3A_350 : memref<128x128xf32, #tpu.memory_space<vmem>>) target(%dma_start3A_356 : memref<10240x128xf32, #tpu.memory_space<vmem_shared>>) offsets(%dma_start3A_353 : memref<128xi32, #tpu.memory_space<vmem>>) semaphore(%dma_start3A_358 : memref<!tpu.dma_semaphore, #tpu.memory_space<semaphore_mem>>) {add = true}
      %dma_wait3A_359 = arith.constant 1 : i32
      %dma_wait3A_360 = arith.constant 1 : i32
      %dma_wait3A_361 = arith.constant 0 : i32
      %dma_wait3A_362 = arith.constant 0 : i32
      %dma_wait3A_363 = tpu.memref_slice %arg10[%dma_wait3A_359, %dma_wait3A_361, %dma_wait3A_362] : memref<2x128x128xf32, #tpu.memory_space<vmem>> -> memref<1x128x128xf32, #tpu.memory_space<vmem>>
      %dma_wait3A_364 = tpu.memref_squeeze %dma_wait3A_363 : memref<1x128x128xf32, #tpu.memory_space<vmem>> -> memref<128x128xf32, #tpu.memory_space<vmem>>
      %dma_wait3A_365 = arith.constant 0 : i32
      %dma_wait3A_366 = tpu.memref_slice %arg9[%add3A_330, %dma_wait3A_365] : memref<40x128xi32, #tpu.memory_space<vmem>> -> memref<1x128xi32, #tpu.memory_space<vmem>>
      %dma_wait3A_367 = tpu.memref_squeeze %dma_wait3A_366 : memref<1x128xi32, #tpu.memory_space<vmem>> -> memref<128xi32, #tpu.memory_space<vmem>>
      %dma_wait3A_368 = arith.constant 0 : i32
      %dma_wait3A_369 = arith.constant 0 : i32
      %dma_wait3A_370 = tpu.memref_slice %arg7[%dma_wait3A_368, %dma_wait3A_369] : memref<10240x128xf32, #tpu.memory_space<vmem_shared>> -> memref<10240x128xf32, #tpu.memory_space<vmem_shared>>
      %dma_wait3A_371 = tpu.memref_slice %arg12[%dma_wait3A_360] : memref<2x!tpu.dma_semaphore, #tpu.memory_space<semaphore_mem>> -> memref<1x!tpu.dma_semaphore, #tpu.memory_space<semaphore_mem>>
      %dma_wait3A_372 = tpu.memref_squeeze %dma_wait3A_371 : memref<1x!tpu.dma_semaphore, #tpu.memory_space<semaphore_mem>> -> memref<!tpu.dma_semaphore, #tpu.memory_space<semaphore_mem>>
      tpu.wait_indirect_dma semaphore(%dma_wait3A_372 : memref<!tpu.dma_semaphore, #tpu.memory_space<semaphore_mem>>) src(%dma_wait3A_364 : memref<128x128xf32, #tpu.memory_space<vmem>>) dst(%dma_wait3A_370 : memref<10240x128xf32, #tpu.memory_space<vmem_shared>>)
      %add3A_373 = arith.constant 2 : i32
      %add3A_374 = arith.addi %add3A_330, %add3A_373 : i32
      %dma_start3A_375 = arith.constant 1 : i32
      %dma_start3A_376 = arith.constant 1 : i32
      %dma_start3A_377 = arith.constant 0 : i32
      %dma_start3A_378 = arith.constant 0 : i32
      %dma_start3A_379 = tpu.memref_slice %arg10[%dma_start3A_375, %dma_start3A_377, %dma_start3A_378] : memref<2x128x128xf32, #tpu.memory_space<vmem>> -> memref<1x128x128xf32, #tpu.memory_space<vmem>>
      %dma_start3A_380 = tpu.memref_squeeze %dma_start3A_379 : memref<1x128x128xf32, #tpu.memory_space<vmem>> -> memref<128x128xf32, #tpu.memory_space<vmem>>
      %dma_start3A_381 = arith.constant 0 : i32
      %dma_start3A_382 = tpu.memref_slice %arg8[%add3A_374, %dma_start3A_381] : memref<40x128xi32, #tpu.memory_space<vmem>> -> memref<1x128xi32, #tpu.memory_space<vmem>>
      %dma_start3A_383 = tpu.memref_squeeze %dma_start3A_382 : memref<1x128xi32, #tpu.memory_space<vmem>> -> memref<128xi32, #tpu.memory_space<vmem>>
      %dma_start3A_384 = arith.constant 0 : i32
      %dma_start3A_385 = arith.constant 0 : i32
      %dma_start3A_386 = tpu.memref_slice %arg2[%dma_start3A_384, %dma_start3A_385] : memref<10240x128xf32, #tpu.memory_space<hbm>> -> memref<10240x128xf32, #tpu.memory_space<hbm>>
      %dma_start3A_387 = tpu.memref_slice %arg11[%dma_start3A_376] : memref<2x!tpu.dma_semaphore, #tpu.memory_space<semaphore_mem>> -> memref<1x!tpu.dma_semaphore, #tpu.memory_space<semaphore_mem>>
      %dma_start3A_388 = tpu.memref_squeeze %dma_start3A_387 : memref<1x!tpu.dma_semaphore, #tpu.memory_space<semaphore_mem>> -> memref<!tpu.dma_semaphore, #tpu.memory_space<semaphore_mem>>
      tpu.enqueue_indirect_dma source(%dma_start3A_386 : memref<10240x128xf32, #tpu.memory_space<hbm>>) target(%dma_start3A_380 : memref<128x128xf32, #tpu.memory_space<vmem>>) offsets(%dma_start3A_383 : memref<128xi32, #tpu.memory_space<vmem>>) semaphore(%dma_start3A_388 : memref<!tpu.dma_semaphore, #tpu.memory_space<semaphore_mem>>)
    }
    %scan3A_169 = arith.constant 19 : i32
    %dma_wait3A_170 = arith.constant 38 : i32
    %dma_wait3A_171 = arith.constant 0 : i32
    %dma_wait3A_172 = arith.constant 0 : i32
    %dma_wait3A_173 = arith.constant 0 : i32
    %dma_wait3A_174 = arith.constant 0 : i32
    %dma_wait3A_175 = tpu.memref_slice %arg10[%dma_wait3A_171, %dma_wait3A_173, %dma_wait3A_174] : memref<2x128x128xf32, #tpu.memory_space<vmem>> -> memref<1x128x128xf32, #tpu.memory_space<vmem>>
    %dma_wait3A_176 = tpu.memref_squeeze %dma_wait3A_175 : memref<1x128x128xf32, #tpu.memory_space<vmem>> -> memref<128x128xf32, #tpu.memory_space<vmem>>
    %dma_wait3A_177 = arith.constant 0 : i32
    %dma_wait3A_178 = tpu.memref_slice %arg8[%dma_wait3A_170, %dma_wait3A_177] : memref<40x128xi32, #tpu.memory_space<vmem>> -> memref<1x128xi32, #tpu.memory_space<vmem>>
    %dma_wait3A_179 = tpu.memref_squeeze %dma_wait3A_178 : memref<1x128xi32, #tpu.memory_space<vmem>> -> memref<128xi32, #tpu.memory_space<vmem>>
    %dma_wait3A_180 = arith.constant 0 : i32
    %dma_wait3A_181 = arith.constant 0 : i32
    %dma_wait3A_182 = tpu.memref_slice %arg2[%dma_wait3A_180, %dma_wait3A_181] : memref<10240x128xf32, #tpu.memory_space<hbm>> -> memref<10240x128xf32, #tpu.memory_space<hbm>>
    %dma_wait3A_183 = tpu.memref_slice %arg11[%dma_wait3A_172] : memref<2x!tpu.dma_semaphore, #tpu.memory_space<semaphore_mem>> -> memref<1x!tpu.dma_semaphore, #tpu.memory_space<semaphore_mem>>
    %dma_wait3A_184 = tpu.memref_squeeze %dma_wait3A_183 : memref<1x!tpu.dma_semaphore, #tpu.memory_space<semaphore_mem>> -> memref<!tpu.dma_semaphore, #tpu.memory_space<semaphore_mem>>
    tpu.wait_indirect_dma semaphore(%dma_wait3A_184 : memref<!tpu.dma_semaphore, #tpu.memory_space<semaphore_mem>>) src(%dma_wait3A_182 : memref<10240x128xf32, #tpu.memory_space<hbm>>) dst(%dma_wait3A_176 : memref<128x128xf32, #tpu.memory_space<vmem>>)
    %dma_start3A_185 = arith.constant 0 : i32
    %dma_start3A_186 = arith.constant 38 : i32
    %dma_start3A_187 = arith.constant 0 : i32
    %dma_start3A_188 = arith.constant 0 : i32
    %dma_start3A_189 = arith.constant 0 : i32
    %dma_start3A_190 = tpu.memref_slice %arg10[%dma_start3A_185, %dma_start3A_188, %dma_start3A_189] : memref<2x128x128xf32, #tpu.memory_space<vmem>> -> memref<1x128x128xf32, #tpu.memory_space<vmem>>
    %dma_start3A_191 = tpu.memref_squeeze %dma_start3A_190 : memref<1x128x128xf32, #tpu.memory_space<vmem>> -> memref<128x128xf32, #tpu.memory_space<vmem>>
    %dma_start3A_192 = arith.constant 0 : i32
    %dma_start3A_193 = tpu.memref_slice %arg9[%dma_start3A_186, %dma_start3A_192] : memref<40x128xi32, #tpu.memory_space<vmem>> -> memref<1x128xi32, #tpu.memory_space<vmem>>
    %dma_start3A_194 = tpu.memref_squeeze %dma_start3A_193 : memref<1x128xi32, #tpu.memory_space<vmem>> -> memref<128xi32, #tpu.memory_space<vmem>>
    %dma_start3A_195 = arith.constant 0 : i32
    %dma_start3A_196 = arith.constant 0 : i32
    %dma_start3A_197 = tpu.memref_slice %arg7[%dma_start3A_195, %dma_start3A_196] : memref<10240x128xf32, #tpu.memory_space<vmem_shared>> -> memref<10240x128xf32, #tpu.memory_space<vmem_shared>>
    %dma_start3A_198 = tpu.memref_slice %arg12[%dma_start3A_187] : memref<2x!tpu.dma_semaphore, #tpu.memory_space<semaphore_mem>> -> memref<1x!tpu.dma_semaphore, #tpu.memory_space<semaphore_mem>>
    %dma_start3A_199 = tpu.memref_squeeze %dma_start3A_198 : memref<1x!tpu.dma_semaphore, #tpu.memory_space<semaphore_mem>> -> memref<!tpu.dma_semaphore, #tpu.memory_space<semaphore_mem>>
    tpu.enqueue_indirect_dma source(%dma_start3A_191 : memref<128x128xf32, #tpu.memory_space<vmem>>) target(%dma_start3A_197 : memref<10240x128xf32, #tpu.memory_space<vmem_shared>>) offsets(%dma_start3A_194 : memref<128xi32, #tpu.memory_space<vmem>>) semaphore(%dma_start3A_199 : memref<!tpu.dma_semaphore, #tpu.memory_space<semaphore_mem>>) {add = true}
    %dma_wait3A_200 = arith.constant 0 : i32
    %dma_wait3A_201 = arith.constant 38 : i32
    %dma_wait3A_202 = arith.constant 0 : i32
    %dma_wait3A_203 = arith.constant 0 : i32
    %dma_wait3A_204 = arith.constant 0 : i32
    %dma_wait3A_205 = tpu.memref_slice %arg10[%dma_wait3A_200, %dma_wait3A_203, %dma_wait3A_204] : memref<2x128x128xf32, #tpu.memory_space<vmem>> -> memref<1x128x128xf32, #tpu.memory_space<vmem>>
    %dma_wait3A_206 = tpu.memref_squeeze %dma_wait3A_205 : memref<1x128x128xf32, #tpu.memory_space<vmem>> -> memref<128x128xf32, #tpu.memory_space<vmem>>
    %dma_wait3A_207 = arith.constant 0 : i32
    %dma_wait3A_208 = tpu.memref_slice %arg9[%dma_wait3A_201, %dma_wait3A_207] : memref<40x128xi32, #tpu.memory_space<vmem>> -> memref<1x128xi32, #tpu.memory_space<vmem>>
    %dma_wait3A_209 = tpu.memref_squeeze %dma_wait3A_208 : memref<1x128xi32, #tpu.memory_space<vmem>> -> memref<128xi32, #tpu.memory_space<vmem>>
    %dma_wait3A_210 = arith.constant 0 : i32
    %dma_wait3A_211 = arith.constant 0 : i32
    %dma_wait3A_212 = tpu.memref_slice %arg7[%dma_wait3A_210, %dma_wait3A_211] : memref<10240x128xf32, #tpu.memory_space<vmem_shared>> -> memref<10240x128xf32, #tpu.memory_space<vmem_shared>>
    %dma_wait3A_213 = tpu.memref_slice %arg12[%dma_wait3A_202] : memref<2x!tpu.dma_semaphore, #tpu.memory_space<semaphore_mem>> -> memref<1x!tpu.dma_semaphore, #tpu.memory_space<semaphore_mem>>
    %dma_wait3A_214 = tpu.memref_squeeze %dma_wait3A_213 : memref<1x!tpu.dma_semaphore, #tpu.memory_space<semaphore_mem>> -> memref<!tpu.dma_semaphore, #tpu.memory_space<semaphore_mem>>
    tpu.wait_indirect_dma semaphore(%dma_wait3A_214 : memref<!tpu.dma_semaphore, #tpu.memory_space<semaphore_mem>>) src(%dma_wait3A_206 : memref<128x128xf32, #tpu.memory_space<vmem>>) dst(%dma_wait3A_212 : memref<10240x128xf32, #tpu.memory_space<vmem_shared>>)
    %dma_wait3A_215 = arith.constant 39 : i32
    %dma_wait3A_216 = arith.constant 1 : i32
    %dma_wait3A_217 = arith.constant 1 : i32
    %dma_wait3A_218 = arith.constant 0 : i32
    %dma_wait3A_219 = arith.constant 0 : i32
    %dma_wait3A_220 = tpu.memref_slice %arg10[%dma_wait3A_216, %dma_wait3A_218, %dma_wait3A_219] : memref<2x128x128xf32, #tpu.memory_space<vmem>> -> memref<1x128x128xf32, #tpu.memory_space<vmem>>
    %dma_wait3A_221 = tpu.memref_squeeze %dma_wait3A_220 : memref<1x128x128xf32, #tpu.memory_space<vmem>> -> memref<128x128xf32, #tpu.memory_space<vmem>>
    %dma_wait3A_222 = arith.constant 0 : i32
    %dma_wait3A_223 = tpu.memref_slice %arg8[%dma_wait3A_215, %dma_wait3A_222] : memref<40x128xi32, #tpu.memory_space<vmem>> -> memref<1x128xi32, #tpu.memory_space<vmem>>
    %dma_wait3A_224 = tpu.memref_squeeze %dma_wait3A_223 : memref<1x128xi32, #tpu.memory_space<vmem>> -> memref<128xi32, #tpu.memory_space<vmem>>
    %dma_wait3A_225 = arith.constant 0 : i32
    %dma_wait3A_226 = arith.constant 0 : i32
    %dma_wait3A_227 = tpu.memref_slice %arg2[%dma_wait3A_225, %dma_wait3A_226] : memref<10240x128xf32, #tpu.memory_space<hbm>> -> memref<10240x128xf32, #tpu.memory_space<hbm>>
    %dma_wait3A_228 = tpu.memref_slice %arg11[%dma_wait3A_217] : memref<2x!tpu.dma_semaphore, #tpu.memory_space<semaphore_mem>> -> memref<1x!tpu.dma_semaphore, #tpu.memory_space<semaphore_mem>>
    %dma_wait3A_229 = tpu.memref_squeeze %dma_wait3A_228 : memref<1x!tpu.dma_semaphore, #tpu.memory_space<semaphore_mem>> -> memref<!tpu.dma_semaphore, #tpu.memory_space<semaphore_mem>>
    tpu.wait_indirect_dma semaphore(%dma_wait3A_229 : memref<!tpu.dma_semaphore, #tpu.memory_space<semaphore_mem>>) src(%dma_wait3A_227 : memref<10240x128xf32, #tpu.memory_space<hbm>>) dst(%dma_wait3A_221 : memref<128x128xf32, #tpu.memory_space<vmem>>)
    %dma_start3A_230 = arith.constant 1 : i32
    %dma_start3A_231 = arith.constant 39 : i32
    %dma_start3A_232 = arith.constant 1 : i32
    %dma_start3A_233 = arith.constant 0 : i32
    %dma_start3A_234 = arith.constant 0 : i32
    %dma_start3A_235 = tpu.memref_slice %arg10[%dma_start3A_230, %dma_start3A_233, %dma_start3A_234] : memref<2x128x128xf32, #tpu.memory_space<vmem>> -> memref<1x128x128xf32, #tpu.memory_space<vmem>>
    %dma_start3A_236 = tpu.memref_squeeze %dma_start3A_235 : memref<1x128x128xf32, #tpu.memory_space<vmem>> -> memref<128x128xf32, #tpu.memory_space<vmem>>
    %dma_start3A_237 = arith.constant 0 : i32
    %dma_start3A_238 = tpu.memref_slice %arg9[%dma_start3A_231, %dma_start3A_237] : memref<40x128xi32, #tpu.memory_space<vmem>> -> memref<1x128xi32, #tpu.memory_space<vmem>>
    %dma_start3A_239 = tpu.memref_squeeze %dma_start3A_238 : memref<1x128xi32, #tpu.memory_space<vmem>> -> memref<128xi32, #tpu.memory_space<vmem>>
    %dma_start3A_240 = arith.constant 0 : i32
    %dma_start3A_241 = arith.constant 0 : i32
    %dma_start3A_242 = tpu.memref_slice %arg7[%dma_start3A_240, %dma_start3A_241] : memref<10240x128xf32, #tpu.memory_space<vmem_shared>> -> memref<10240x128xf32, #tpu.memory_space<vmem_shared>>
    %dma_start3A_243 = tpu.memref_slice %arg12[%dma_start3A_232] : memref<2x!tpu.dma_semaphore, #tpu.memory_space<semaphore_mem>> -> memref<1x!tpu.dma_semaphore, #tpu.memory_space<semaphore_mem>>
    %dma_start3A_244 = tpu.memref_squeeze %dma_start3A_243 : memref<1x!tpu.dma_semaphore, #tpu.memory_space<semaphore_mem>> -> memref<!tpu.dma_semaphore, #tpu.memory_space<semaphore_mem>>
    tpu.enqueue_indirect_dma source(%dma_start3A_236 : memref<128x128xf32, #tpu.memory_space<vmem>>) target(%dma_start3A_242 : memref<10240x128xf32, #tpu.memory_space<vmem_shared>>) offsets(%dma_start3A_239 : memref<128xi32, #tpu.memory_space<vmem>>) semaphore(%dma_start3A_244 : memref<!tpu.dma_semaphore, #tpu.memory_space<semaphore_mem>>) {add = true}
    %dma_wait3A_245 = arith.constant 1 : i32
    %dma_wait3A_246 = arith.constant 39 : i32
    %dma_wait3A_247 = arith.constant 1 : i32
    %dma_wait3A_248 = arith.constant 0 : i32
    %dma_wait3A_249 = arith.constant 0 : i32
    %dma_wait3A_250 = tpu.memref_slice %arg10[%dma_wait3A_245, %dma_wait3A_248, %dma_wait3A_249] : memref<2x128x128xf32, #tpu.memory_space<vmem>> -> memref<1x128x128xf32, #tpu.memory_space<vmem>>
    %dma_wait3A_251 = tpu.memref_squeeze %dma_wait3A_250 : memref<1x128x128xf32, #tpu.memory_space<vmem>> -> memref<128x128xf32, #tpu.memory_space<vmem>>
    %dma_wait3A_252 = arith.constant 0 : i32
    %dma_wait3A_253 = tpu.memref_slice %arg9[%dma_wait3A_246, %dma_wait3A_252] : memref<40x128xi32, #tpu.memory_space<vmem>> -> memref<1x128xi32, #tpu.memory_space<vmem>>
    %dma_wait3A_254 = tpu.memref_squeeze %dma_wait3A_253 : memref<1x128xi32, #tpu.memory_space<vmem>> -> memref<128xi32, #tpu.memory_space<vmem>>
    %dma_wait3A_255 = arith.constant 0 : i32
    %dma_wait3A_256 = arith.constant 0 : i32
    %dma_wait3A_257 = tpu.memref_slice %arg7[%dma_wait3A_255, %dma_wait3A_256] : memref<10240x128xf32, #tpu.memory_space<vmem_shared>> -> memref<10240x128xf32, #tpu.memory_space<vmem_shared>>
    %dma_wait3A_258 = tpu.memref_slice %arg12[%dma_wait3A_247] : memref<2x!tpu.dma_semaphore, #tpu.memory_space<semaphore_mem>> -> memref<1x!tpu.dma_semaphore, #tpu.memory_space<semaphore_mem>>
    %dma_wait3A_259 = tpu.memref_squeeze %dma_wait3A_258 : memref<1x!tpu.dma_semaphore, #tpu.memory_space<semaphore_mem>> -> memref<!tpu.dma_semaphore, #tpu.memory_space<semaphore_mem>>
    tpu.wait_indirect_dma semaphore(%dma_wait3A_259 : memref<!tpu.dma_semaphore, #tpu.memory_space<semaphore_mem>>) src(%dma_wait3A_251 : memref<128x128xf32, #tpu.memory_space<vmem>>) dst(%dma_wait3A_257 : memref<10240x128xf32, #tpu.memory_space<vmem_shared>>)
    %barrier3A_260 = arith.constant 0 : index
    tpu.barrier barrier_id(%barrier3A_260)
    %mul3A_261 = arith.constant 10240 : i32
    %mul3A_262 = arith.muli %arg0, %mul3A_261 : i32
    %add3A_263 = arith.addi %mul3A_262, %mul3A_2 : i32
    "tpu.region"() ({
      %run_scoped3A = tpu.sem_alloc : memref<!tpu.dma_semaphore, #tpu.memory_space<semaphore_mem>>
      %dma_start3A_264 = arith.constant 0 : i32
      %dma_start3A_265 = tpu.memref_slice %arg6[%add3A_263, %dma_start3A_264] : memref<20480x128xf32, #tpu.memory_space<hbm>> -> memref<640x128xf32, #tpu.memory_space<hbm>>
      %dma_start3A_266 = arith.constant 0 : i32
      %dma_start3A_267 = tpu.memref_slice %arg7[%mul3A_2, %dma_start3A_266] : memref<10240x128xf32, #tpu.memory_space<vmem_shared>> -> memref<640x128xf32, #tpu.memory_space<vmem_shared>>
      tpu.enqueue_dma source(%dma_start3A_267 : memref<640x128xf32, #tpu.memory_space<vmem_shared>>) target(%dma_start3A_265 : memref<640x128xf32, #tpu.memory_space<hbm>>) target_semaphore(%run_scoped3A : memref<!tpu.dma_semaphore, #tpu.memory_space<semaphore_mem>>)
      %dma_wait3A_268 = arith.constant 0 : i32
      %dma_wait3A_269 = tpu.memref_slice %arg6[%add3A_263, %dma_wait3A_268] : memref<20480x128xf32, #tpu.memory_space<hbm>> -> memref<640x128xf32, #tpu.memory_space<hbm>>
      %dma_wait3A_270 = arith.constant 0 : i32
      %dma_wait3A_271 = tpu.memref_slice %arg7[%mul3A_2, %dma_wait3A_270] : memref<10240x128xf32, #tpu.memory_space<vmem_shared>> -> memref<640x128xf32, #tpu.memory_space<vmem_shared>>
      tpu.wait_dma2 semaphore(%run_scoped3A : memref<!tpu.dma_semaphore, #tpu.memory_space<semaphore_mem>>) src(%dma_wait3A_271 : memref<640x128xf32, #tpu.memory_space<vmem_shared>>) dst(%dma_wait3A_269 : memref<640x128xf32, #tpu.memory_space<hbm>>)
      tpu.yield
    }) : () -> ()
    return
  }
}

module attributes {stable_mosaic.version = 14 : i64} {
  func.func @_mm_body(%arg0: i32, %arg1: memref<2048x128xf32, #tpu.memory_space<vmem>>, %arg2: memref<128x128xf32, #tpu.memory_space<vmem>>, %arg3: memref<2048x128xf32, #tpu.memory_space<vmem>>) attributes {dimension_semantics = [#tpu.dimension_semantics<arbitrary>], iteration_bounds = array<i64: 5>, scalar_prefetch = 0 : i64, scratch_operands = 0 : i64, tpu.core_type = #tpu.core_type<tc>, window_params = [{transform_indices = @transform_0, window_bounds = array<i64: 2048, 128>}, {pipeline_mode = #tpu.pipeline_mode<synchronous>, transform_indices = @transform_1, window_bounds = array<i64: 128, 128>}, {transform_indices = @transform_2, window_bounds = array<i64: 2048, 128>}]} {
    %get3A = arith.constant 0 : index
    %get3A_0 = arith.constant 0 : index
    %get3A_1 = vector.load %arg1[%get3A, %get3A_0] : memref<2048x128xf32, #tpu.memory_space<vmem>>, vector<2048x128xf32>
    %get3A_2 = arith.constant 0 : index
    %get3A_3 = arith.constant 0 : index
    %get3A_4 = vector.load %arg2[%get3A_2, %get3A_3] : memref<128x128xf32, #tpu.memory_space<vmem>>, vector<128x128xf32>
    %dot_general3A = arith.constant dense<0.000000e+00> : vector<2048x128xf32>
    %dot_general3A_5 = tpu.matmul %get3A_1, %get3A_4, %dot_general3A {dimension_numbers = #tpu.dot_dimension_numbers<[1], [0], [0], [1], [0, 0, 1, 1], [], []>, precision = #tpu.contract_precision<fp32>, transpose_lhs_hint = false} : vector<2048x128xf32>, vector<128x128xf32>, vector<2048x128xf32> -> vector<2048x128xf32>
    %swap3A = arith.constant 0 : index
    %swap3A_6 = arith.constant 0 : index
    %swap3A_7 = vector.load %arg3[%swap3A, %swap3A_6] : memref<2048x128xf32, #tpu.memory_space<vmem>>, vector<2048x128xf32>
    tpu.vector_store %arg3[%swap3A, %swap3A_6], %dot_general3A_5 {strides = array<i32>} : memref<2048x128xf32, #tpu.memory_space<vmem>>, vector<2048x128xf32>,
    return
  }
  func.func @transform_0(%arg0: i32) -> (i32, i32) {
    %c0_i32 = arith.constant 0 : i32
    %c0_i32_0 = arith.constant 0 : i32
    return %arg0, %c0_i32 : i32, i32
  }
  func.func @transform_1(%arg0: i32) -> (i32, i32) {
    %c0_i32 = arith.constant 0 : i32
    %c0_i32_0 = arith.constant 0 : i32
    %c0_i32_1 = arith.constant 0 : i32
    return %c0_i32, %c0_i32_0 : i32, i32
  }
  func.func @transform_2(%arg0: i32) -> (i32, i32) {
    %c0_i32 = arith.constant 0 : i32
    %c0_i32_0 = arith.constant 0 : i32
    return %arg0, %c0_i32 : i32, i32
  }
}

module attributes {stable_mosaic.version = 14 : i64} {
  func.func @_scale_body(%arg0: i32, %arg1: memref<2048x128xf32, #tpu.memory_space<vmem>>, %arg2: memref<32x2048xf32, #tpu.memory_space<vmem>>, %arg3: memref<2048x128xf32, #tpu.memory_space<vmem>>) attributes {dimension_semantics = [#tpu.dimension_semantics<arbitrary>], iteration_bounds = array<i64: 5>, scalar_prefetch = 0 : i64, scratch_operands = 0 : i64, tpu.core_type = #tpu.core_type<tc>, window_params = [{transform_indices = @transform_0, window_bounds = array<i64: 2048, 128>}, {transform_indices = @transform_1, window_bounds = array<i64: 32, 2048>}, {transform_indices = @transform_2, window_bounds = array<i64: 2048, 128>}]} {
    %get3A = arith.constant 0 : index
    %get3A_0 = arith.constant 0 : index
    %get3A_1 = vector.load %arg2[%get3A, %get3A_0] : memref<32x2048xf32, #tpu.memory_space<vmem>>, vector<32x2048xf32>
    %reduce_sum3A = arith.constant dense<0.000000e+00> : vector<2048xf32>
    %reduce_sum3A_2 = vector.multi_reduction <add>, %get3A_1, %reduce_sum3A [0] : vector<32x2048xf32> to vector<2048xf32>
    %max3A = arith.constant 1.000000e+00 : f32
    %max3A_3 = vector.broadcast %max3A : f32 to vector<2048xf32>
    %max3A_4 = arith.maximumf %reduce_sum3A_2, %max3A_3 : vector<2048xf32>
    %rsqrt3A = math.rsqrt %max3A_4 : vector<2048xf32>
    %get3A_5 = arith.constant 0 : index
    %get3A_6 = arith.constant 0 : index
    %get3A_7 = vector.load %arg1[%get3A_5, %get3A_6] : memref<2048x128xf32, #tpu.memory_space<vmem>>, vector<2048x128xf32>
    %broadcast_in_dim3A = vector.shape_cast %rsqrt3A : vector<2048xf32> to vector<2048x1xf32>
    %mul3A = vector.broadcast %broadcast_in_dim3A : vector<2048x1xf32> to vector<2048x128xf32>
    %mul3A_8 = arith.mulf %get3A_7, %mul3A : vector<2048x128xf32>
    %swap3A = arith.constant 0 : index
    %swap3A_9 = arith.constant 0 : index
    %swap3A_10 = vector.load %arg3[%swap3A, %swap3A_9] : memref<2048x128xf32, #tpu.memory_space<vmem>>, vector<2048x128xf32>
    tpu.vector_store %arg3[%swap3A, %swap3A_9], %mul3A_8 {strides = array<i32>} : memref<2048x128xf32, #tpu.memory_space<vmem>>, vector<2048x128xf32>,
    return
  }
  func.func @transform_0(%arg0: i32) -> (i32, i32) {
    %c0_i32 = arith.constant 0 : i32
    %c0_i32_0 = arith.constant 0 : i32
    return %arg0, %c0_i32 : i32, i32
  }
  func.func @transform_1(%arg0: i32) -> (i32, i32) {
    %c0_i32 = arith.constant 0 : i32
    %c0_i32_0 = arith.constant 0 : i32
    return %c0_i32, %arg0 : i32, i32
  }
  func.func @transform_2(%arg0: i32) -> (i32, i32) {
    %c0_i32 = arith.constant 0 : i32
    %c0_i32_0 = arith.constant 0 : i32
    return %arg0, %c0_i32 : i32, i32
  }
}

module attributes {stable_mosaic.version = 14 : i64} {
  func.func @_mid_body(%arg0: i32, %arg1: memref<2x2048x128xf32, #tpu.memory_space<vmem>>, %arg2: memref<32x2048xf32, #tpu.memory_space<vmem>>, %arg3: memref<32x2048xf32, #tpu.memory_space<vmem>>, %arg4: memref<1x128xf32, #tpu.memory_space<vmem>>, %arg5: memref<2048x128xf32, #tpu.memory_space<vmem>>, %arg6: memref<128x128xf32, #tpu.memory_space<vmem>>, %arg7: memref<2048x128xf32, #tpu.memory_space<vmem>>, %arg8: memref<2048x128xf32, #tpu.memory_space<vmem>>) attributes {dimension_semantics = [#tpu.dimension_semantics<arbitrary>], iteration_bounds = array<i64: 5>, scalar_prefetch = 0 : i64, scratch_operands = 0 : i64, tpu.core_type = #tpu.core_type<tc>, window_params = [{transform_indices = @transform_0, window_bounds = array<i64: 2, 2048, 128>}, {transform_indices = @transform_1, window_bounds = array<i64: 32, 2048>}, {transform_indices = @transform_2, window_bounds = array<i64: 32, 2048>}, {pipeline_mode = #tpu.pipeline_mode<synchronous>, transform_indices = @transform_3, window_bounds = array<i64: 1, 128>}, {transform_indices = @transform_4, window_bounds = array<i64: 2048, 128>}, {pipeline_mode = #tpu.pipeline_mode<synchronous>, transform_indices = @transform_5, window_bounds = array<i64: 128, 128>}, {transform_indices = @transform_6, window_bounds = array<i64: 2048, 128>}, {transform_indices = @transform_7, window_bounds = array<i64: 2048, 128>}]} {
    %get3A = arith.constant 0 : index
    %get3A_0 = arith.constant 0 : index
    %get3A_1 = vector.load %arg2[%get3A, %get3A_0] : memref<32x2048xf32, #tpu.memory_space<vmem>>, vector<32x2048xf32>
    %reduce_sum3A = arith.constant dense<0.000000e+00> : vector<2048xf32>
    %reduce_sum3A_2 = vector.multi_reduction <add>, %get3A_1, %reduce_sum3A [0] : vector<32x2048xf32> to vector<2048xf32>
    %max3A = arith.constant 1.000000e+00 : f32
    %max3A_3 = vector.broadcast %max3A : f32 to vector<2048xf32>
    %max3A_4 = arith.maximumf %reduce_sum3A_2, %max3A_3 : vector<2048xf32>
    %rsqrt3A = math.rsqrt %max3A_4 : vector<2048xf32>
    %get3A_5 = arith.constant 0 : index
    %get3A_6 = arith.constant 0 : index
    %get3A_7 = arith.constant 0 : index
    %get3A_8 = vector.load %arg1[%get3A_5, %get3A_6, %get3A_7] : memref<2x2048x128xf32, #tpu.memory_space<vmem>>, vector<1x2048x128xf32>
    %get3A_9 = vector.shape_cast %get3A_8 : vector<1x2048x128xf32> to vector<2048x128xf32>
    %get3A_10 = arith.constant 1 : index
    %get3A_11 = arith.constant 0 : index
    %get3A_12 = arith.constant 0 : index
    %get3A_13 = vector.load %arg1[%get3A_10, %get3A_11, %get3A_12] : memref<2x2048x128xf32, #tpu.memory_space<vmem>>, vector<1x2048x128xf32>
    %get3A_14 = vector.shape_cast %get3A_13 : vector<1x2048x128xf32> to vector<2048x128xf32>
    %add3A = arith.addf %get3A_9, %get3A_14 : vector<2048x128xf32>
    %broadcast_in_dim3A = vector.shape_cast %rsqrt3A : vector<2048xf32> to vector<2048x1xf32>
    %mul3A = vector.broadcast %broadcast_in_dim3A : vector<2048x1xf32> to vector<2048x128xf32>
    %mul3A_15 = arith.mulf %add3A, %mul3A : vector<2048x128xf32>
    %get3A_16 = arith.constant 0 : index
    %get3A_17 = arith.constant 0 : index
    %get3A_18 = vector.load %arg4[%get3A_16, %get3A_17] : memref<1x128xf32, #tpu.memory_space<vmem>>, vector<1x128xf32>
    %add3A_19 = vector.broadcast %get3A_18 : vector<1x128xf32> to vector<2048x128xf32>
    %add3A_20 = arith.addf %mul3A_15, %add3A_19 : vector<2048x128xf32>
    %max3A_21 = arith.constant 0.000000e+00 : f32
    %max3A_22 = vector.broadcast %max3A_21 : f32 to vector<2048x128xf32>
    %max3A_23 = arith.maximumf %add3A_20, %max3A_22 : vector<2048x128xf32>
    %get3A_24 = arith.constant 0 : index
    %get3A_25 = arith.constant 0 : index
    %get3A_26 = vector.load %arg5[%get3A_24, %get3A_25] : memref<2048x128xf32, #tpu.memory_space<vmem>>, vector<2048x128xf32>
    %add3A_27 = arith.addf %max3A_23, %get3A_26 : vector<2048x128xf32>
    %swap3A = arith.constant 0 : index
    %swap3A_28 = arith.constant 0 : index
    %swap3A_29 = vector.load %arg7[%swap3A, %swap3A_28] : memref<2048x128xf32, #tpu.memory_space<vmem>>, vector<2048x128xf32>
    tpu.vector_store %arg7[%swap3A, %swap3A_28], %add3A_27 {strides = array<i32>} : memref<2048x128xf32, #tpu.memory_space<vmem>>, vector<2048x128xf32>,
    %get3A_30 = arith.constant 0 : index
    %get3A_31 = arith.constant 0 : index
    %get3A_32 = vector.load %arg3[%get3A_30, %get3A_31] : memref<32x2048xf32, #tpu.memory_space<vmem>>, vector<32x2048xf32>
    %reduce_sum3A_33 = arith.constant dense<0.000000e+00> : vector<2048xf32>
    %reduce_sum3A_34 = vector.multi_reduction <add>, %get3A_32, %reduce_sum3A_33 [0] : vector<32x2048xf32> to vector<2048xf32>
    %max3A_35 = arith.constant 1.000000e+00 : f32
    %max3A_36 = vector.broadcast %max3A_35 : f32 to vector<2048xf32>
    %max3A_37 = arith.maximumf %reduce_sum3A_34, %max3A_36 : vector<2048xf32>
    %rsqrt3A_38 = math.rsqrt %max3A_37 : vector<2048xf32>
    %get3A_39 = arith.constant 0 : index
    %get3A_40 = arith.constant 0 : index
    %get3A_41 = vector.load %arg6[%get3A_39, %get3A_40] : memref<128x128xf32, #tpu.memory_space<vmem>>, vector<128x128xf32>
    %dot_general3A = arith.constant dense<0.000000e+00> : vector<2048x128xf32>
    %dot_general3A_42 = tpu.matmul %add3A_27, %get3A_41, %dot_general3A {dimension_numbers = #tpu.dot_dimension_numbers<[1], [0], [0], [1], [0, 0, 1, 1], [], []>, precision = #tpu.contract_precision<fp32>, transpose_lhs_hint = false} : vector<2048x128xf32>, vector<128x128xf32>, vector<2048x128xf32> -> vector<2048x128xf32>
    %broadcast_in_dim3A_43 = vector.shape_cast %rsqrt3A_38 : vector<2048xf32> to vector<2048x1xf32>
    %mul3A_44 = vector.broadcast %broadcast_in_dim3A_43 : vector<2048x1xf32> to vector<2048x128xf32>
    %mul3A_45 = arith.mulf %dot_general3A_42, %mul3A_44 : vector<2048x128xf32>
    %swap3A_46 = arith.constant 0 : index
    %swap3A_47 = arith.constant 0 : index
    %swap3A_48 = vector.load %arg8[%swap3A_46, %swap3A_47] : memref<2048x128xf32, #tpu.memory_space<vmem>>, vector<2048x128xf32>
    tpu.vector_store %arg8[%swap3A_46, %swap3A_47], %mul3A_45 {strides = array<i32>} : memref<2048x128xf32, #tpu.memory_space<vmem>>, vector<2048x128xf32>,
    return
  }
  func.func @transform_0(%arg0: i32) -> (i32, i32, i32) {
    %c0_i32 = arith.constant 0 : i32
    %c0_i32_0 = arith.constant 0 : i32
    %c0_i32_1 = arith.constant 0 : i32
    return %c0_i32, %arg0, %c0_i32_0 : i32, i32, i32
  }
  func.func @transform_1(%arg0: i32) -> (i32, i32) {
    %c0_i32 = arith.constant 0 : i32
    %c0_i32_0 = arith.constant 0 : i32
    return %c0_i32, %arg0 : i32, i32
  }
  func.func @transform_2(%arg0: i32) -> (i32, i32) {
    %c0_i32 = arith.constant 0 : i32
    %c0_i32_0 = arith.constant 0 : i32
    return %c0_i32, %arg0 : i32, i32
  }
  func.func @transform_3(%arg0: i32) -> (i32, i32) {
    %c0_i32 = arith.constant 0 : i32
    %c0_i32_0 = arith.constant 0 : i32
    %c0_i32_1 = arith.constant 0 : i32
    return %c0_i32, %c0_i32_0 : i32, i32
  }
  func.func @transform_4(%arg0: i32) -> (i32, i32) {
    %c0_i32 = arith.constant 0 : i32
    %c0_i32_0 = arith.constant 0 : i32
    return %arg0, %c0_i32 : i32, i32
  }
  func.func @transform_5(%arg0: i32) -> (i32, i32) {
    %c0_i32 = arith.constant 0 : i32
    %c0_i32_0 = arith.constant 0 : i32
    %c0_i32_1 = arith.constant 0 : i32
    return %c0_i32, %c0_i32_0 : i32, i32
  }
  func.func @transform_6(%arg0: i32) -> (i32, i32) {
    %c0_i32 = arith.constant 0 : i32
    %c0_i32_0 = arith.constant 0 : i32
    return %arg0, %c0_i32 : i32, i32
  }
  func.func @transform_7(%arg0: i32) -> (i32, i32) {
    %c0_i32 = arith.constant 0 : i32
    %c0_i32_0 = arith.constant 0 : i32
    return %arg0, %c0_i32 : i32, i32
  }
}

module attributes {stable_mosaic.version = 14 : i64} {
  func.func @_final_body(%arg0: i32, %arg1: memref<2x2048x128xf32, #tpu.memory_space<vmem>>, %arg2: memref<32x2048xf32, #tpu.memory_space<vmem>>, %arg3: memref<1x128xf32, #tpu.memory_space<vmem>>, %arg4: memref<2048x128xf32, #tpu.memory_space<vmem>>, %arg5: memref<2048x128xf32, #tpu.memory_space<vmem>>) attributes {dimension_semantics = [#tpu.dimension_semantics<arbitrary>], iteration_bounds = array<i64: 5>, scalar_prefetch = 0 : i64, scratch_operands = 0 : i64, tpu.core_type = #tpu.core_type<tc>, window_params = [{transform_indices = @transform_0, window_bounds = array<i64: 2, 2048, 128>}, {transform_indices = @transform_1, window_bounds = array<i64: 32, 2048>}, {pipeline_mode = #tpu.pipeline_mode<synchronous>, transform_indices = @transform_2, window_bounds = array<i64: 1, 128>}, {transform_indices = @transform_3, window_bounds = array<i64: 2048, 128>}, {transform_indices = @transform_4, window_bounds = array<i64: 2048, 128>}]} {
    %get3A = arith.constant 0 : index
    %get3A_0 = arith.constant 0 : index
    %get3A_1 = vector.load %arg2[%get3A, %get3A_0] : memref<32x2048xf32, #tpu.memory_space<vmem>>, vector<32x2048xf32>
    %reduce_sum3A = arith.constant dense<0.000000e+00> : vector<2048xf32>
    %reduce_sum3A_2 = vector.multi_reduction <add>, %get3A_1, %reduce_sum3A [0] : vector<32x2048xf32> to vector<2048xf32>
    %max3A = arith.constant 1.000000e+00 : f32
    %max3A_3 = vector.broadcast %max3A : f32 to vector<2048xf32>
    %max3A_4 = arith.maximumf %reduce_sum3A_2, %max3A_3 : vector<2048xf32>
    %rsqrt3A = math.rsqrt %max3A_4 : vector<2048xf32>
    %get3A_5 = arith.constant 0 : index
    %get3A_6 = arith.constant 0 : index
    %get3A_7 = arith.constant 0 : index
    %get3A_8 = vector.load %arg1[%get3A_5, %get3A_6, %get3A_7] : memref<2x2048x128xf32, #tpu.memory_space<vmem>>, vector<1x2048x128xf32>
    %get3A_9 = vector.shape_cast %get3A_8 : vector<1x2048x128xf32> to vector<2048x128xf32>
    %get3A_10 = arith.constant 1 : index
    %get3A_11 = arith.constant 0 : index
    %get3A_12 = arith.constant 0 : index
    %get3A_13 = vector.load %arg1[%get3A_10, %get3A_11, %get3A_12] : memref<2x2048x128xf32, #tpu.memory_space<vmem>>, vector<1x2048x128xf32>
    %get3A_14 = vector.shape_cast %get3A_13 : vector<1x2048x128xf32> to vector<2048x128xf32>
    %add3A = arith.addf %get3A_9, %get3A_14 : vector<2048x128xf32>
    %broadcast_in_dim3A = vector.shape_cast %rsqrt3A : vector<2048xf32> to vector<2048x1xf32>
    %mul3A = vector.broadcast %broadcast_in_dim3A : vector<2048x1xf32> to vector<2048x128xf32>
    %mul3A_15 = arith.mulf %add3A, %mul3A : vector<2048x128xf32>
    %get3A_16 = arith.constant 0 : index
    %get3A_17 = arith.constant 0 : index
    %get3A_18 = vector.load %arg3[%get3A_16, %get3A_17] : memref<1x128xf32, #tpu.memory_space<vmem>>, vector<1x128xf32>
    %add3A_19 = vector.broadcast %get3A_18 : vector<1x128xf32> to vector<2048x128xf32>
    %add3A_20 = arith.addf %mul3A_15, %add3A_19 : vector<2048x128xf32>
    %max3A_21 = arith.constant 0.000000e+00 : f32
    %max3A_22 = vector.broadcast %max3A_21 : f32 to vector<2048x128xf32>
    %max3A_23 = arith.maximumf %add3A_20, %max3A_22 : vector<2048x128xf32>
    %get3A_24 = arith.constant 0 : index
    %get3A_25 = arith.constant 0 : index
    %get3A_26 = vector.load %arg4[%get3A_24, %get3A_25] : memref<2048x128xf32, #tpu.memory_space<vmem>>, vector<2048x128xf32>
    %add3A_27 = arith.addf %max3A_23, %get3A_26 : vector<2048x128xf32>
    %swap3A = arith.constant 0 : index
    %swap3A_28 = arith.constant 0 : index
    %swap3A_29 = vector.load %arg5[%swap3A, %swap3A_28] : memref<2048x128xf32, #tpu.memory_space<vmem>>, vector<2048x128xf32>
    tpu.vector_store %arg5[%swap3A, %swap3A_28], %add3A_27 {strides = array<i32>} : memref<2048x128xf32, #tpu.memory_space<vmem>>, vector<2048x128xf32>,
    return
  }
  func.func @transform_0(%arg0: i32) -> (i32, i32, i32) {
    %c0_i32 = arith.constant 0 : i32
    %c0_i32_0 = arith.constant 0 : i32
    %c0_i32_1 = arith.constant 0 : i32
    return %c0_i32, %arg0, %c0_i32_0 : i32, i32, i32
  }
  func.func @transform_1(%arg0: i32) -> (i32, i32) {
    %c0_i32 = arith.constant 0 : i32
    %c0_i32_0 = arith.constant 0 : i32
    return %c0_i32, %arg0 : i32, i32
  }
  func.func @transform_2(%arg0: i32) -> (i32, i32) {
    %c0_i32 = arith.constant 0 : i32
    %c0_i32_0 = arith.constant 0 : i32
    %c0_i32_1 = arith.constant 0 : i32
    return %c0_i32, %c0_i32_0 : i32, i32
  }
  func.func @transform_3(%arg0: i32) -> (i32, i32) {
    %c0_i32 = arith.constant 0 : i32
    %c0_i32_0 = arith.constant 0 : i32
    return %arg0, %c0_i32 : i32, i32
  }
  func.func @transform_4(%arg0: i32) -> (i32, i32) {
    %c0_i32 = arith.constant 0 : i32
    %c0_i32_0 = arith.constant 0 : i32
    return %arg0, %c0_i32 : i32, i32
  }
}

</mosaic_0001>

<sc_bundles>
// kernel: kernel.12.cloned.1.call-start
scs
__scs_entry_jumppad:
0x0: {  	(pc) =	sbr.rel $0x88, $3  }
0x1: {  	(tag) =	ssettag $0x0;
	lr =	simm.s32 $0x1  }
0x2: {  	[smem:$0x3F9B] =	sst lr;
	_ =	strace $0xD0000000  }
0x3: {  	_ = 	snop  }
0x4: {  	_ = 	snop  }
0x5: {  	_ = 	snop  }
0x6: {  	_ = 	snop  }
0x7: {  	_ = 	snop  }
__scs_overlays_trampoline_lowered:
0x8: {  	[smem:$0x3FAA] =	sst s0  }
0x9: {  	[smem:$0x3FAB] =	sst s1  }
0xa: {  	[smem:$0x3FAC] =	sst s2  }
0xb: {  	[smem:$0x3FAD] =	sst s3  }
0xc: {  	[smem:$0x3FAE] =	sst s4  }
0xd: {  	[smem:$0x3FAF] =	sst s5  }
0xe: {  	[smem:$0x3FB0] =	sst s6  }
0xf: {  	[smem:$0x3FB1] =	sst s7  }
0x10: {  	[smem:$0x3FB2] =	sst s8  }
0x11: {  	[smem:$0x3FB3] =	sst s9;
	s0 =	simm.s32 @!p0 $0x0  }
0x12: {  	s1 =	sld [smem:$0x3F99];
	s0 =	simm.s32 @p0 $0x1  }
0x13: {  	[smem:$0x3FB4] =	sst s0;
	s0 =	simm.s32 @!p1 $0x0  }
0x14: {  	s2 =	sld [smem:$0x3F98];
	s0 =	simm.s32 @p1 $0x1  }
0x15: {  	[smem:$0x3FB5] =	sst s0;
	s0 =	simm.s32 @!p2 $0x0  }
0x16: {  	s3 =	sld [smem:$0x3FDB];
	s0 =	simm.s32 @p2 $0x1  }
0x17: {  	s4 =	simm.s32 $0x1BF5;
	[smem:$0x3FB7] =	sst s0  }
0x18: {  	s0 =	sld [smem:$0x3F9A];
	_ =	swait.ge [sflag:s4], $0x0  }
0x19: {  	s7 =	sld [smem:$0x3F9B]  }
0x1a: {  	s8 =	sadd.s32 $0xFFFFE003, lr  }
0x1b: {  	s9 =	sadd.s32 $0xFFFFFEF7, lr;
	s5 =	simm.s32 $0xFFFFFFFF;
	p2 =	slt.u32 s8, $0xFFFFF086  }
0x1c: {  	p1 =	slt.u32 s9, $0xF7A;
	s5 =	simm.s32 @!p2 $0x0  }
0x1d: {  	s5 =	simm.s32 @p1 $0x1;
	p0 =	seq.s32 s7, s2  }
0x1e: {  	s7 =	smul.u32 @!p0 $0xF7A, s2;
	p2 =	seq.s32 @!p0 s5, $0x0  }
0x1f: {  	s9 =	smul.u32 $0xF7A, s1;
	s8 =	simm.s32 @!p0 $0x1BF5;
	p2 =	por !p2, p0  }
0x20: {  	[sflag:s8] =	ssyncset.s32 @!p0 $0xFFFFF086;
	s6 =	sadd.s32 @!p0 s3, s7;
	s7 =	simm.s32 @!p0 $0x108  }
0x21: {  	s3 =	sadd.s32 s3, s9;
	s6 =	sadd.s32 @!p0 $0x88, s6;
	s7 =	simm.s32 @p2 $0x1082  }
0x22: {  	[simem:s7], [sflag:s8] =	dma.local @!p0 [hbm:s6], $0xF7A  }
0x23: {  	s9 =	sor.u32 $0xD0000000, s2;
	s6 =	simm.s32 $0x108;
	_ =	swait.ge @!p0 [sflag:s8], $0x0  }
0x24: {  	s3 =	sadd.s32 $0x88, s3;
	s6 =	simm.s32 @!p1 $0x1082;
	[sflag:s4] =	ssyncset.s32 $0xFFFFF086  }
0x25: {  	[simem:s6], [sflag:s4] =	dma.local [hbm:s3], $0xF7A  }
0x26: {  	[smem:$0x3F9B] =	sst s1;
	(tag) =	ssettag s2;
	_ =	strace s9  }
0x27: {  	s1 =	sld [smem:$0x3FAB]  }
0x28: {  	s2 =	sld [smem:$0x3FAC]  }
0x29: {  	s4 =	sld [smem:$0x3FAE]  }
0x2a: {  	p0 =	seq.s32 s5, $0x0;
	s5 =	sld [smem:$0x3FAF]  }
0x2b: {  	s6 =	sld [smem:$0x3FB0]  }
0x2c: {  	s7 =	sld [smem:$0x3FB1]  }
0x2d: {  	s3 =	simm.s32 $0x108;
	s8 =	sld [smem:$0x3FB2]  }
0x2e: {  	s3 =	simm.s32 @!p0 $0x1082;
	s9 =	sld [smem:$0x3FB3]  }
0x2f: {  	lr =	sadd.s32 s0, s3;
	s0 =	sld [smem:$0x3FAA]  }
0x30: {  	s3 =	sld [smem:$0x3FAD]  }
0x31: {  	[smem:$0x3FB6] =	sst s10  }
0x32: {  	s10 =	sld [smem:$0x3FB4];
	_ =	sdelay $0x3  }
0x33: {  	p0 =	seq.s32 s10, $0x1;
	s10 =	sld [smem:$0x3FB6];
	_ =	sdelay $0x3  }
0x34: {  	[smem:$0x3FB6] =	sst s10  }
0x35: {  	s10 =	sld [smem:$0x3FB5];
	_ =	sdelay $0x3  }
0x36: {  	p1 =	seq.s32 s10, $0x1;
	s10 =	sld [smem:$0x3FB6];
	_ =	sdelay $0x3  }
0x37: {  	[smem:$0x3FB6] =	sst s10  }
0x38: {  	s10 =	sld [smem:$0x3FB7]  }
0x39: {  	_ = 	snop;
	(pc) =	sbr.ind lr, $3  }
0x3a: {  	_ = 	snop  }
0x3b: {  	_ = 	snop  }
0x3c: {  	p2 =	seq.s32 s10, $0x1;
	s10 =	sld [smem:$0x3FB6]  }
0x3d: {  	_ =	shalt  }
0x3e: {  	_ =	shalt  }
0x3f: {  	_ =	shalt  }
0x40: {  	_ =	shalt  }
0x41: {  	_ =	shalt  }
0x42: {  	_ =	shalt  }
0x43: {  	_ =	shalt  }
0x44: {  	_ =	shalt  }
0x45: {  	_ =	shalt  }
0x46: {  	_ =	shalt  }
0x47: {  	_ =	shalt  }
0x48: {  	_ =	shalt  }
0x49: {  	_ =	shalt  }
0x4a: {  	_ =	shalt  }
0x4b: {  	_ =	shalt  }
0x4c: {  	_ =	shalt  }
0x4d: {  	_ =	shalt  }
0x4e: {  	_ =	shalt  }
0x4f: {  	_ =	shalt  }
0x50: {  	_ =	shalt  }
0x51: {  	_ =	shalt  }
0x52: {  	_ =	shalt  }
0x53: {  	_ =	shalt  }
0x54: {  	_ =	shalt  }
0x55: {  	_ =	shalt  }
0x56: {  	_ =	shalt  }
0x57: {  	_ =	shalt  }
0x58: {  	_ =	shalt  }
0x59: {  	_ =	shalt  }
0x5a: {  	_ =	shalt  }
0x5b: {  	_ =	shalt  }
0x5c: {  	_ =	shalt  }
0x5d: {  	_ =	shalt  }
0x5e: {  	_ =	shalt  }
0x5f: {  	_ =	shalt  }
0x60: {  	_ =	shalt  }
0x61: {  	_ =	shalt  }
0x62: {  	_ =	shalt  }
0x63: {  	_ =	shalt  }
0x64: {  	_ =	shalt  }
0x65: {  	_ =	shalt  }
0x66: {  	_ =	shalt  }
0x67: {  	_ =	shalt  }
0x68: {  	_ =	shalt  }
0x69: {  	_ =	shalt  }
0x6a: {  	_ =	shalt  }
0x6b: {  	_ =	shalt  }
0x6c: {  	_ =	shalt  }
0x6d: {  	_ =	shalt  }
0x6e: {  	_ =	shalt  }
0x6f: {  	_ =	shalt  }
0x70: {  	_ =	shalt  }
0x71: {  	_ =	shalt  }
0x72: {  	_ =	shalt  }
0x73: {  	_ =	shalt  }
0x74: {  	_ =	shalt  }
0x75: {  	_ =	shalt  }
0x76: {  	_ =	shalt  }
0x77: {  	_ =	shalt  }
0x78: {  	_ =	shalt  }
0x79: {  	_ =	shalt  }
0x7a: {  	_ =	shalt  }
0x7b: {  	_ =	shalt  }
0x7c: {  	_ =	shalt  }
0x7d: {  	_ =	shalt  }
0x7e: {  	_ =	shalt  }
0x7f: {  	_ =	shalt  }
0x80: {  	_ =	shalt  }
0x81: {  	_ =	shalt  }
0x82: {  	_ =	shalt  }
0x83: {  	_ =	shalt  }
0x84: {  	_ =	shalt  }
0x85: {  	_ =	shalt  }
0x86: {  	_ =	shalt  }
0x87: {  	_ =	shalt  }
.Lfunc_end0:
.L_simem_size_0:
called_computation.1_lowered:
.L_overlay_start_0:
0x88: {  	s2 =	sld [smem:$0x3FD9]  }
0x89: {  	s3 =	sld [smem:$0x3FFE];
	_ =	sdelay $0x1  }
0x8a: {  	s1 =	srdreg.scid  }
0x8b: {  	s0 =	sand.u32 $0x1, s1  }
0x8c: {  	s17 =	sshll.u32 s0, $0xA;
	s2 =	sadd.s32 s3, s2  }
0x8d: {  	s2 =	sadd.s32 s2, s17  }
0x8e: {  	[smem:$0x3FC2] =	sst s2  }
0x8f: {  	_ = 	snop  }
0x90: {  	s2 =	sld [smem:$0x3FD0];
	(tm) =	ssettm $0x1  }
0x91: {  	s18 =	sld [smem:$0x3FFB];
	_ =	sdelay $0x3  }
0x92: {  	_ =	strace s18  }
0x93: {  	s3 =	sld [smem:$0x3FFC];
	_ =	sdelay $0x3  }
0x94: {  	_ =	strace s3  }
0x95: {  	s3 =	sld [smem:$0x3FFD];
	_ =	sdelay $0x3  }
0x96: {  	_ =	strace s3  }
0x97: {  	_ =	strace $0x8FFFFFFF  }
0x98: {  	s19 =	sld [smem:$0x3FDB];
	_ =	sdelay $0x1  }
0x99: {  	s4 =	simm.s32 $_scs_section_size  }
0x9a: {  	s5 =	simm.s32 $_size__tile_overlayer_lowered;
	s6 =	simm.s32 $_tile_overlayer_lowered  }
0x9b: {  	s22 =	simm.s32 $0x1BFF;
	s21 =	sshll.u32 s6, $0x1;
	s3 =	sadd.s32 s4, s19  }
0x9c: {  	s7 =	simm.s32 $0x0;
	s20 =	sshll.u32 s5, $0x1;
	s5 =	sadd.s32 s21, s3  }
0x9d: {  	[timem:s7], [sflag:s22] =	dma.local [hbm:s5], s20  }
0x9e: {  	_ =	swait.ge [sflag:s22], s20  }
0x9f: {  	s4 =	ssub.s32 $0x0, s20;
	[sflag:s22] =	ssyncset.done $0x0  }
0xa0: {  	[sflag:s22] =	ssyncadd.s32 s4;
	_ =	sdelay $0x1  }
0xa1: {  	s23 =	simm.s32 $0x1B8B  }
0xa2: {  	_ =	swait.ge [sflag:s23], $0x1  }
0xa3: {  	[sflag:s23] =	ssyncset.done $0x0  }
0xa4: {  	s25 =	simm.s32 $0x1B8E;
	s24 =	sld [smem:$0x3FFE];
	[sflag:s23] =	ssyncadd.s32 $0xFFFFFFFF  }
0xa5: {  	s26 =	simm.s32 $execute0_lowered;
	[smem:$0x3FD2] =	sst s25  }
0xa6: {  	s5 =	sshll.u32 s26, $0x1;
	_ =	strace $0x80000049;
	[dreg:$0x1] =	wrdreg $0xFFFFFFFF  }
0xa7: {  	s28 =	simm.s32 $_size_execute0_lowered;
	s3 =	sadd.s32 s3, s5;
	[dreg:$0x0] =	wrdreg $0x0  }
0xa8: {  	s5 =	sshll.u32 s28, $0x1;
	[dreg:$0x2] =	wrdreg s3  }
0xa9: {  	[dreg:$0x3] =	wrdreg s5  }
0xaa: {  	[dreg:$0x4] =	wrdreg $0xC0  }
0xab: {  	_ =	task [dreg:s7], $0x5FFFF  }
0xac: {  	[dreg:$0x1] =	wrdreg $0xFFFFFFFF  }
0xad: {  	[dreg:$0x0] =	wrdreg $0x60  }
0xae: {  	[dreg:$0x2] =	wrdreg s24  }
0xaf: {  	[dreg:$0x3] =	wrdreg s2  }
0xb0: {  	[dreg:$0x4] =	wrdreg $0x0  }
0xb1: {  	[dreg:$0x5] =	wrdreg $0x9  }
0xb2: {  	_ =	task.clear_ibuf [dreg:s7], $0x6FFFF;
	_ =	strace $0x90000049  }
0xb3: {  	s29 =	simm.s32 $0x9;
	_ =	strace $0x8000004B  }
0xb4: {  	_ =	swait.ge [sflag:s29], $0x1  }
0xb5: {  	[sflag:s29] =	ssyncadd.s32 $0xFFFFFFFF  }
0xb6: {  	_ =	strace $0x9000004B  }
0xb7: {  	_ =	sfence  }
0xb8: {  	s30 =	sld [smem:$0x0];
	_ =	sdelay $0x2  }
0xb9: {  	s31 =	sshll.u32 s1, $0xD;
	s1 =	sshrl.u32 s1, $0x2  }
0xba: {  	s3 =	sand.u32 $0x4000, s31;
	s1 =	sadd.s32 s1, s30  }
0xbb: {  	s0 =	sor.u32 s3, s0;
	s1 =	sshll.u32 s1, $0x11  }
0xbc: {  	s0 =	sor.u32 s1, s0  }
0xbd: {  	s0 =	sadd.s32 $0x8F2B, s0  }
0xbe: {  	[sflag:s0] =	ssyncadd.remote.s32 $0x1  }
0xbf: {  	_ =	sfence.sel $0xFFFF  }
0xc0: {  	[dreg:$0x0] =	wrdreg $0xFFFFFFFF;
	(pc) =	sbr.abs _section_cstart, $3  }
0xc1: {  	[dreg:$0x1] =	wrdreg $0xFFFFFFFF  }
0xc2: {  	_ =	task.clear_ibuf [dreg:s7], $0x2FFFF;
	_ =	strace $0x9FFFFFFF  }
0xc3: {  	(tm) =	ssettm $0x7FFFFFFF  }
tec
execute0_lowered:
.L_overlay_start_1:
0x0: {  	(tag) =	ssettag $0x1  }
0x1: {  	s5 =	rddreg [dreg:$0x0]  }
0x2: {  	s10 =	rddreg [dreg:$0x1]  }
0x3: {  	s2 =	rddreg [dreg:$0x2]  }
0x4: {  	s0 =	rddreg [dreg:$0x3];
	s3 =	simm.s32 $0x0  }
0x5: {  	s1 =	stileid.u32;
	s4 =	srdreg.scid;
	s16 =	simm.s32 $0x15400  }
0x6: {  	s17 =	simm.s32 $0x80;
	s18 =	simm.s32 $0x16800;
	s19 =	simm.s32 $0x14080  }
0x7: {  	s20 =	simm.s32 $0x1A800;
	s21 =	simm.s32 $0x1;
	s22 =	simm.s32 $0x3  }
0x8: {  	s23 =	simm.s32 $0x2;
	s28 =	simm.s32 $0x0;
	[smem:$0x7FF] =	sst s3  }
0x9: {  	s6 =	smul.u32 $0x2800, s1;
	s7 =	sand.u32 $0x1, s4;
	s4 =	sadd.s32 $0x20600, s5  }
0xa: {  	s9 =	sadd.s32 $0x2600, s5;
	s12 =	sshll.u32 s1, $0x1;
	s13 =	smul.u32 $0x50000, s1  }
0xb: {  	s26 =	sshll.u32 s1, $0x6;
	_ =	strace $0x8000004A;
	s8 =	smul.u32 $0x28000, s7  }
0xc: {  	s24 =	ssub.s32 $0x2, s7;
	s7 =	sor.u32 s7, s12;
	s11 =	sadd.s32 s6, s5  }
0xd: {  	s25 =	sshrl.u32 s24, $0x1;
	s13 =	sshrl.u32 s13, $0x2;
	s14 =	smul.u32 $0x2800, s7  }
0xe: {  	s29 =	smul.u32 $0x500, s7;
	s6 =	sadd.s32 s6, s8;
	s12 =	ssub.s32 s24, s25  }
0xf: {  	s13 =	sadd.s32 s13, s2;
	s24 =	simm.s32 $0x4;
	s25 =	simm.s32 $0x16700  }
0x10: {  	s15 =	sadd.s32 s6, s5;
	s30 =	sshrl.u32 s14, $0x3;
	s5 =	sadd.s32 $0x48600, s11  }
0x11: {  	s6 =	sor.u32 $0x1C05, s26;
	s7 =	sadd.s32 s9, s29;
	s8 =	sadd.s32 s10, s29  }
0x12: {  	s12 =	smax.u32 s12, $0x1;
	s13 =	sshrl.u32 s13, $0x3;
	s14 =	simm.s32 $0x5  }
0x13: {  	s26 =	simm.s32 $0x16780;
	s31 =	sadd.s32 $0x280, s30;
	s11 =	sadd.s32 $0x70600, s15  }
0x14: {  	s15 =	simm.s32 $0x14000;
	s9 =	sadd.s32 s9, s31;
	s10 =	sadd.s32 s10, s31  }
.LBB2_1:
0x15: {  	[spmem:s13], [sflag:s6] =	dma.local [hbm:s5], $0x2800  }
0x16: {  	_ =	swait.ge [sflag:s14], $0x2800  }
0x17: {  	[sflag:s14] =	ssyncset.done $0x0  }
0x18: {  	[sflag:s14] =	ssyncadd.s32 $0xFFFFD800  }
0x19: {  	[bflag:$0x0] =	sbarrier.arrive $0xFFFF  }
0x1a: {  	[tilespmem:s15], [sflag:$0x5] =	stream.linear.gather [hbm4b:s7+s3], $0x1400, $0x38;
	[tilespmem:$0x1E800] =	vst v63  }
0x1b: {  	_ =	swait.ge [sflag:s14], $0x1400  }
0x1c: {  	[sflag:s14] =	ssyncset.done $0x0  }
0x1d: {  	[sflag:s14] =	ssyncadd.s32 $0xFFFFEC00  }
0x1e: {  	[tilespmem:s16], [sflag:$0x5] =	stream.linear.gather [hbm4b:s8+s3], $0x1400, $0x38;
	[tilespmem:$0x1E800] =	vst v63  }
0x1f: {  	_ =	swait.ge [sflag:s14], $0x1400  }
0x20: {  	[sflag:s14] =	ssyncset.done $0x0  }
0x21: {  	[sflag:s14] =	ssyncadd.s32 $0xFFFFEC00  }
0x22: {  	[tilespmem:s18], [sflag:$0x1] =	stream.indirect.gather [hbm4b:s4+s17], $0x80, s15, s17, $0xb8;
	[tilespmem:$0x1E800] =	vst v63  }
0x23: {  	_ = 	snop  }
0x24: {  	[tilespmem:s20], [sflag:$0x2] =	stream.indirect.gather [hbm4b:s4+s17], $0x80, s19, s17, $0xb8;
	[tilespmem:$0x1E800] =	vst v63  }
0x25: {  	_ =	swait.ge [sflag:s21], $0x4000  }
0x26: {  	[sflag:s21] =	ssyncset.done $0x0  }
0x27: {  	s29 =	simm.s32 $0x15400;
	[sflag:s21] =	ssyncadd.s32 $0xFFFFC000  }
0x28: {  	[spmem:s2] =	stream.indirect.scatter.add.f32 [tilespmem:s18], [sflag:$0x3], $0x80, s29, s17, $0xb8;
	[tilespmem:$0x1E800] =	vst v63  }
0x29: {  	_ =	swait.ge [sflag:s22], $0x4000  }
0x2a: {  	[sflag:s22] =	ssyncset.done $0x0  }
0x2b: {  	s29 =	simm.s32 $0x14100;
	[sflag:s22] =	ssyncadd.s32 $0xFFFFC000  }
0x2c: {  	[tilespmem:s18], [sflag:$0x1] =	stream.indirect.gather [hbm4b:s4+s17], $0x80, s29, s17, $0xb8;
	[tilespmem:$0x1E800] =	vst v63  }
0x2d: {  	_ =	swait.ge [sflag:s23], $0x4000  }
0x2e: {  	[sflag:s23] =	ssyncset.done $0x0  }
0x2f: {  	s29 =	simm.s32 $0x15480;
	[sflag:s23] =	ssyncadd.s32 $0xFFFFC000  }
0x30: {  	[spmem:s2] =	stream.indirect.scatter.add.f32 [tilespmem:s20], [sflag:$0x4], $0x80, s29, s17, $0xb8;
	[tilespmem:$0x1E800] =	vst v63  }
0x31: {  	_ =	swait.ge [sflag:s24], $0x4000  }
0x32: {  	[sflag:s24] =	ssyncset.done $0x0  }
0x33: {  	s30 =	simm.s32 $0x14180;
	s29 =	simm.s32 $0x400;
	[sflag:s24] =	ssyncadd.s32 $0xFFFFC000  }
.LBB2_2:
0x34: {  	[tilespmem:s20], [sflag:$0x2] =	stream.indirect.gather [hbm4b:s4+s17], $0x80, s30, s17, $0xb8;
	[tilespmem:$0x1E800] =	vst v63  }
0x35: {  	s30 =	smov.u32 s29  }
0x36: {  	p0 =	sne.s32 s29, $0x4800;
	s29 =	sadd.s32 $0x400, s29;
	_ =	swait.ge [sflag:s21], $0x4000  }
0x37: {  	s30 =	sshra.s32 s30, $0x2;
	[sflag:s21] =	ssyncset.done $0x0  }
0x38: {  	s31 =	sadd.s32 $0x15400, s30;
	[sflag:s21] =	ssyncadd.s32 $0xFFFFC000  }
0x39: {  	[spmem:s2] =	stream.indirect.scatter.add.f32 [tilespmem:s18], [sflag:$0x3], $0x80, s31, s17, $0xb8;
	[tilespmem:$0x1E800] =	vst v63  }
0x3a: {  	_ =	swait.ge [sflag:s22], $0x4000  }
0x3b: {  	[sflag:s22] =	ssyncset.done $0x0  }
0x3c: {  	s31 =	sadd.s32 $0x14100, s30;
	[sflag:s22] =	ssyncadd.s32 $0xFFFFC000  }
0x3d: {  	[tilespmem:s18], [sflag:$0x1] =	stream.indirect.gather [hbm4b:s4+s17], $0x80, s31, s17, $0xb8;
	[tilespmem:$0x1E800] =	vst v63  }
0x3e: {  	_ =	swait.ge [sflag:s23], $0x4000  }
0x3f: {  	[sflag:s23] =	ssyncset.done $0x0  }
.Ltmp0:
0x40: {  	s31 =	sadd.s32 $0x15480, s30;
	[sflag:s23] =	ssyncadd.s32 $0xFFFFC000;
	(pc) =	sbr.rel @p0 .LBB2_2-.Ltmp0, $4  }
0x41: {  	[spmem:s2] =	stream.indirect.scatter.add.f32 [tilespmem:s20], [sflag:$0x4], $0x80, s31, s17, $0xb8;
	[tilespmem:$0x1E800] =	vst v63  }
0x42: {  	_ =	swait.ge [sflag:s24], $0x4000  }
0x43: {  	[sflag:s24] =	ssyncset.done $0x0  }
0x44: {  	s30 =	sadd.s32 $0x14180, s30;
	[sflag:s24] =	ssyncadd.s32 $0xFFFFC000  }
0x45: {  	[tilespmem:s20], [sflag:$0x2] =	stream.indirect.gather [hbm4b:s4+s17], $0x80, s30, s17, $0xb8;
	[tilespmem:$0x1E800] =	vst v63  }
0x46: {  	_ =	swait.ge [sflag:s21], $0x4000  }
0x47: {  	[sflag:s21] =	ssyncset.done $0x0  }
0x48: {  	[sflag:s21] =	ssyncadd.s32 $0xFFFFC000  }
0x49: {  	[spmem:s2] =	stream.indirect.scatter.add.f32 [tilespmem:s18], [sflag:$0x3], $0x80, s25, s17, $0xb8;
	[tilespmem:$0x1E800] =	vst v63  }
0x4a: {  	_ =	swait.ge [sflag:s22], $0x4000  }
0x4b: {  	[sflag:s22] =	ssyncset.done $0x0  }
0x4c: {  	[sflag:s22] =	ssyncadd.s32 $0xFFFFC000  }
0x4d: {  	_ =	swait.ge [sflag:s23], $0x4000  }
0x4e: {  	[sflag:s23] =	ssyncset.done $0x0  }
0x4f: {  	[sflag:s23] =	ssyncadd.s32 $0xFFFFC000  }
0x50: {  	[spmem:s2] =	stream.indirect.scatter.add.f32 [tilespmem:s20], [sflag:$0x4], $0x80, s26, s17, $0xb8;
	[tilespmem:$0x1E800] =	vst v63  }
0x51: {  	_ =	swait.ge [sflag:s24], $0x4000  }
0x52: {  	[sflag:s24] =	ssyncset.done $0x0  }
0x53: {  	s29 =	simm.s32 $0x0;
	[sflag:s24] =	ssyncadd.s32 $0xFFFFC000  }
0x54: {  	[tilespmem:s15], [sflag:$0x5] =	stream.linear.gather [hbm4b:s9+s29], $0x1400, $0x38;
	[tilespmem:$0x1E800] =	vst v63  }
0x55: {  	_ =	swait.ge [sflag:s14], $0x1400  }
0x56: {  	[sflag:s14] =	ssyncset.done $0x0  }
0x57: {  	[sflag:s14] =	ssyncadd.s32 $0xFFFFEC00  }
0x58: {  	[tilespmem:s16], [sflag:$0x5] =	stream.linear.gather [hbm4b:s10+s29], $0x1400, $0x38;
	[tilespmem:$0x1E800] =	vst v63  }
0x59: {  	_ =	swait.ge [sflag:s14], $0x1400  }
0x5a: {  	[sflag:s14] =	ssyncset.done $0x0  }
0x5b: {  	[sflag:s14] =	ssyncadd.s32 $0xFFFFEC00  }
0x5c: {  	[tilespmem:s18], [sflag:$0x1] =	stream.indirect.gather [hbm4b:s4+s17], $0x80, s15, s17, $0xb8;
	[tilespmem:$0x1E800] =	vst v63  }
0x5d: {  	_ = 	snop  }
0x5e: {  	[tilespmem:s20], [sflag:$0x2] =	stream.indirect.gather [hbm4b:s4+s17], $0x80, s19, s17, $0xb8;
	[tilespmem:$0x1E800] =	vst v63  }
0x5f: {  	_ =	swait.ge [sflag:s21], $0x4000  }
0x60: {  	[sflag:s21] =	ssyncset.done $0x0  }
0x61: {  	s29 =	simm.s32 $0x15400;
	[sflag:s21] =	ssyncadd.s32 $0xFFFFC000  }
0x62: {  	[spmem:s2] =	stream.indirect.scatter.add.f32 [tilespmem:s18], [sflag:$0x3], $0x80, s29, s17, $0xb8;
	[tilespmem:$0x1E800] =	vst v63  }
0x63: {  	_ =	swait.ge [sflag:s22], $0x4000  }
0x64: {  	[sflag:s22] =	ssyncset.done $0x0  }
0x65: {  	s29 =	simm.s32 $0x14100;
	[sflag:s22] =	ssyncadd.s32 $0xFFFFC000  }
0x66: {  	[tilespmem:s18], [sflag:$0x1] =	stream.indirect.gather [hbm4b:s4+s17], $0x80, s29, s17, $0xb8;
	[tilespmem:$0x1E800] =	vst v63  }
0x67: {  	_ =	swait.ge [sflag:s23], $0x4000  }
0x68: {  	[sflag:s23] =	ssyncset.done $0x0  }
0x69: {  	s29 =	simm.s32 $0x15480;
	[sflag:s23] =	ssyncadd.s32 $0xFFFFC000  }
0x6a: {  	[spmem:s2] =	stream.indirect.scatter.add.f32 [tilespmem:s20], [sflag:$0x4], $0x80, s29, s17, $0xb8;
	[tilespmem:$0x1E800] =	vst v63  }
0x6b: {  	_ =	swait.ge [sflag:s24], $0x4000  }
0x6c: {  	[sflag:s24] =	ssyncset.done $0x0  }
0x6d: {  	s30 =	simm.s32 $0x14180;
	s29 =	simm.s32 $0x400;
	[sflag:s24] =	ssyncadd.s32 $0xFFFFC000  }
.LBB2_4:
0x6e: {  	[tilespmem:s20], [sflag:$0x2] =	stream.indirect.gather [hbm4b:s4+s17], $0x80, s30, s17, $0xb8;
	[tilespmem:$0x1E800] =	vst v63  }
0x6f: {  	s30 =	smov.u32 s29  }
0x70: {  	p0 =	sne.s32 s29, $0x4800;
	s29 =	sadd.s32 $0x400, s29;
	_ =	swait.ge [sflag:s21], $0x4000  }
0x71: {  	s30 =	sshra.s32 s30, $0x2;
	[sflag:s21] =	ssyncset.done $0x0  }
0x72: {  	s31 =	sadd.s32 $0x15400, s30;
	[sflag:s21] =	ssyncadd.s32 $0xFFFFC000  }
0x73: {  	[spmem:s2] =	stream.indirect.scatter.add.f32 [tilespmem:s18], [sflag:$0x3], $0x80, s31, s17, $0xb8;
	[tilespmem:$0x1E800] =	vst v63  }
0x74: {  	_ =	swait.ge [sflag:s22], $0x4000  }
0x75: {  	[sflag:s22] =	ssyncset.done $0x0  }
0x76: {  	s31 =	sadd.s32 $0x14100, s30;
	[sflag:s22] =	ssyncadd.s32 $0xFFFFC000  }
0x77: {  	[tilespmem:s18], [sflag:$0x1] =	stream.indirect.gather [hbm4b:s4+s17], $0x80, s31, s17, $0xb8;
	[tilespmem:$0x1E800] =	vst v63  }
0x78: {  	_ =	swait.ge [sflag:s23], $0x4000  }
0x79: {  	[sflag:s23] =	ssyncset.done $0x0  }
.Ltmp1:
0x7a: {  	s31 =	sadd.s32 $0x15480, s30;
	[sflag:s23] =	ssyncadd.s32 $0xFFFFC000;
	(pc) =	sbr.rel @p0 .LBB2_4-.Ltmp1, $4  }
0x7b: {  	[spmem:s2] =	stream.indirect.scatter.add.f32 [tilespmem:s20], [sflag:$0x4], $0x80, s31, s17, $0xb8;
	[tilespmem:$0x1E800] =	vst v63  }
0x7c: {  	_ =	swait.ge [sflag:s24], $0x4000  }
0x7d: {  	[sflag:s24] =	ssyncset.done $0x0  }
0x7e: {  	s30 =	sadd.s32 $0x14180, s30;
	[sflag:s24] =	ssyncadd.s32 $0xFFFFC000  }
0x7f: {  	[tilespmem:s20], [sflag:$0x2] =	stream.indirect.gather [hbm4b:s4+s17], $0x80, s30, s17, $0xb8;
	[tilespmem:$0x1E800] =	vst v63  }
0x80: {  	_ =	swait.ge [sflag:s21], $0x4000  }
0x81: {  	[sflag:s21] =	ssyncset.done $0x0  }
0x82: {  	[sflag:s21] =	ssyncadd.s32 $0xFFFFC000  }
0x83: {  	[spmem:s2] =	stream.indirect.scatter.add.f32 [tilespmem:s18], [sflag:$0x3], $0x80, s25, s17, $0xb8;
	[tilespmem:$0x1E800] =	vst v63  }
0x84: {  	_ =	swait.ge [sflag:s22], $0x4000  }
0x85: {  	[sflag:s22] =	ssyncset.done $0x0  }
0x86: {  	[sflag:s22] =	ssyncadd.s32 $0xFFFFC000  }
0x87: {  	_ =	swait.ge [sflag:s23], $0x4000  }
0x88: {  	[sflag:s23] =	ssyncset.done $0x0  }
0x89: {  	[sflag:s23] =	ssyncadd.s32 $0xFFFFC000  }
0x8a: {  	[spmem:s2] =	stream.indirect.scatter.add.f32 [tilespmem:s20], [sflag:$0x4], $0x80, s26, s17, $0xb8;
	[tilespmem:$0x1E800] =	vst v63  }
0x8b: {  	_ =	swait.ge [sflag:s24], $0x4000  }
0x8c: {  	s28 =	sadd.s32 $0x1, s28;
	[sflag:s24] =	ssyncset.done $0x0  }
0x8d: {  	p0 =	sne.s32 s28, s12;
	[sflag:s24] =	ssyncadd.s32 $0xFFFFC000  }
.Ltmp2:
0x8e: {  	[bflag:$0x0] =	sbarrier.arrive $0xFFFF;
	(pc) =	sbr.rel @p0 .LBB2_1-.Ltmp2, $4  }
0x8f: {  	[hbm:s11], [sflag:s6] =	dma.local [spmem:s13], $0x2800  }
0x90: {  	_ =	swait.ge [sflag:s14], $0x2800  }
0x91: {  	[sflag:s14] =	ssyncset.done $0x0  }
0x92: {  	[sflag:s14] =	ssyncadd.s32 $0xFFFFD800  }
0x93: {  	_ =	sfence.sel $0x180000  }
0x94: {  	[bflag:$0x0] =	sbarrier.arrive $0xFFFF  }
0x95: {  	p0 =	sne.s32 s1, $0x0;
	_ =	strace $0x9000004A  }
0x96: {  	s0 =	sadd.s32 @!p0 $0x100000, s0;
	[bflag:$0x2] =	sbarrier.arrive $0xFFFF  }
0x97: {  	[sflag:s0] =	ssyncadd.tile.s32 @!p0 $0x1;
	_ =	shalt  }
.Lfunc_end2:
_tile_overlayer_lowered:
.L_overlay_start_2:
0x98: {  	(tag) =	ssettag $0x2  }
0x99: {  	s0 =	rddreg [dreg:$0x0];
	s2 =	stileid.u32  }
0x9a: {  	s1 =	rddreg [dreg:$0x1];
	p0 =	sne.s32 s2, $0x0  }
0x9b: {  	s3 =	rddreg [dreg:$0x2];
	[bflag:$0x3] =	sbarrier.arrive $0xFFFF;
	s2 =	simm.s32 @!p0 $0x1C05  }
0x9c: {  	[timem:s3], [sflag:s2] =	dma.local @!p0 [hbm:s0], s1  }
0x9d: {  	s0 =	simm.s32 @!p0 $0x5  }
0x9e: {  	_ =	swait.ge @!p0 [sflag:s0], s1  }
0x9f: {  	s1 =	ssub.s32 @!p0 $0x0, s1;
	[sflag:s0] =	ssyncset.done @!p0 $0x0  }
0xa0: {  	[sflag:s0] =	ssyncadd.s32 @!p0 s1  }
0xa1: {  	[bflag:$0x3] =	sbarrier.arrive $0xFFFF  }
0xa2: {  	_ =	shalt  }

// kernel: kernel.15.cloned.1.call-start
scs
__scs_entry_jumppad:
0x0: {  	(pc) =	sbr.rel $0x88, $3  }
0x1: {  	(tag) =	ssettag $0x0;
	lr =	simm.s32 $0x1  }
0x2: {  	[smem:$0x3F9B] =	sst lr;
	_ =	strace $0xD0000000  }
0x3: {  	_ = 	snop  }
0x4: {  	_ = 	snop  }
0x5: {  	_ = 	snop  }
0x6: {  	_ = 	snop  }
0x7: {  	_ = 	snop  }
__scs_overlays_trampoline_lowered:
0x8: {  	[smem:$0x3FAA] =	sst s0  }
0x9: {  	[smem:$0x3FAB] =	sst s1  }
0xa: {  	[smem:$0x3FAC] =	sst s2  }
0xb: {  	[smem:$0x3FAD] =	sst s3  }
0xc: {  	[smem:$0x3FAE] =	sst s4  }
0xd: {  	[smem:$0x3FAF] =	sst s5  }
0xe: {  	[smem:$0x3FB0] =	sst s6  }
0xf: {  	[smem:$0x3FB1] =	sst s7  }
0x10: {  	[smem:$0x3FB2] =	sst s8  }
0x11: {  	[smem:$0x3FB3] =	sst s9;
	s0 =	simm.s32 @!p0 $0x0  }
0x12: {  	s1 =	sld [smem:$0x3F99];
	s0 =	simm.s32 @p0 $0x1  }
0x13: {  	[smem:$0x3FB4] =	sst s0;
	s0 =	simm.s32 @!p1 $0x0  }
0x14: {  	s2 =	sld [smem:$0x3F98];
	s0 =	simm.s32 @p1 $0x1  }
0x15: {  	[smem:$0x3FB5] =	sst s0;
	s0 =	simm.s32 @!p2 $0x0  }
0x16: {  	s3 =	sld [smem:$0x3FDB];
	s0 =	simm.s32 @p2 $0x1  }
0x17: {  	s4 =	simm.s32 $0x1BF5;
	[smem:$0x3FB7] =	sst s0  }
0x18: {  	s0 =	sld [smem:$0x3F9A];
	_ =	swait.ge [sflag:s4], $0x0  }
0x19: {  	s7 =	sld [smem:$0x3F9B]  }
0x1a: {  	s8 =	sadd.s32 $0xFFFFE003, lr  }
0x1b: {  	s9 =	sadd.s32 $0xFFFFFEF7, lr;
	s5 =	simm.s32 $0xFFFFFFFF;
	p2 =	slt.u32 s8, $0xFFFFF086  }
0x1c: {  	p1 =	slt.u32 s9, $0xF7A;
	s5 =	simm.s32 @!p2 $0x0  }
0x1d: {  	s5 =	simm.s32 @p1 $0x1;
	p0 =	seq.s32 s7, s2  }
0x1e: {  	s7 =	smul.u32 @!p0 $0xF7A, s2;
	p2 =	seq.s32 @!p0 s5, $0x0  }
0x1f: {  	s9 =	smul.u32 $0xF7A, s1;
	s8 =	simm.s32 @!p0 $0x1BF5;
	p2 =	por !p2, p0  }
0x20: {  	[sflag:s8] =	ssyncset.s32 @!p0 $0xFFFFF086;
	s6 =	sadd.s32 @!p0 s3, s7;
	s7 =	simm.s32 @!p0 $0x108  }
0x21: {  	s3 =	sadd.s32 s3, s9;
	s6 =	sadd.s32 @!p0 $0x88, s6;
	s7 =	simm.s32 @p2 $0x1082  }
0x22: {  	[simem:s7], [sflag:s8] =	dma.local @!p0 [hbm:s6], $0xF7A  }
0x23: {  	s9 =	sor.u32 $0xD0000000, s2;
	s6 =	simm.s32 $0x108;
	_ =	swait.ge @!p0 [sflag:s8], $0x0  }
0x24: {  	s3 =	sadd.s32 $0x88, s3;
	s6 =	simm.s32 @!p1 $0x1082;
	[sflag:s4] =	ssyncset.s32 $0xFFFFF086  }
0x25: {  	[simem:s6], [sflag:s4] =	dma.local [hbm:s3], $0xF7A  }
0x26: {  	[smem:$0x3F9B] =	sst s1;
	(tag) =	ssettag s2;
	_ =	strace s9  }
0x27: {  	s1 =	sld [smem:$0x3FAB]  }
0x28: {  	s2 =	sld [smem:$0x3FAC]  }
0x29: {  	s4 =	sld [smem:$0x3FAE]  }
0x2a: {  	p0 =	seq.s32 s5, $0x0;
	s5 =	sld [smem:$0x3FAF]  }
0x2b: {  	s6 =	sld [smem:$0x3FB0]  }
0x2c: {  	s7 =	sld [smem:$0x3FB1]  }
0x2d: {  	s3 =	simm.s32 $0x108;
	s8 =	sld [smem:$0x3FB2]  }
0x2e: {  	s3 =	simm.s32 @!p0 $0x1082;
	s9 =	sld [smem:$0x3FB3]  }
0x2f: {  	lr =	sadd.s32 s0, s3;
	s0 =	sld [smem:$0x3FAA]  }
0x30: {  	s3 =	sld [smem:$0x3FAD]  }
0x31: {  	[smem:$0x3FB6] =	sst s10  }
0x32: {  	s10 =	sld [smem:$0x3FB4];
	_ =	sdelay $0x3  }
0x33: {  	p0 =	seq.s32 s10, $0x1;
	s10 =	sld [smem:$0x3FB6];
	_ =	sdelay $0x3  }
0x34: {  	[smem:$0x3FB6] =	sst s10  }
0x35: {  	s10 =	sld [smem:$0x3FB5];
	_ =	sdelay $0x3  }
0x36: {  	p1 =	seq.s32 s10, $0x1;
	s10 =	sld [smem:$0x3FB6];
	_ =	sdelay $0x3  }
0x37: {  	[smem:$0x3FB6] =	sst s10  }
0x38: {  	s10 =	sld [smem:$0x3FB7]  }
0x39: {  	_ = 	snop;
	(pc) =	sbr.ind lr, $3  }
0x3a: {  	_ = 	snop  }
0x3b: {  	_ = 	snop  }
0x3c: {  	p2 =	seq.s32 s10, $0x1;
	s10 =	sld [smem:$0x3FB6]  }
0x3d: {  	_ =	shalt  }
0x3e: {  	_ =	shalt  }
0x3f: {  	_ =	shalt  }
0x40: {  	_ =	shalt  }
0x41: {  	_ =	shalt  }
0x42: {  	_ =	shalt  }
0x43: {  	_ =	shalt  }
0x44: {  	_ =	shalt  }
0x45: {  	_ =	shalt  }
0x46: {  	_ =	shalt  }
0x47: {  	_ =	shalt  }
0x48: {  	_ =	shalt  }
0x49: {  	_ =	shalt  }
0x4a: {  	_ =	shalt  }
0x4b: {  	_ =	shalt  }
0x4c: {  	_ =	shalt  }
0x4d: {  	_ =	shalt  }
0x4e: {  	_ =	shalt  }
0x4f: {  	_ =	shalt  }
0x50: {  	_ =	shalt  }
0x51: {  	_ =	shalt  }
0x52: {  	_ =	shalt  }
0x53: {  	_ =	shalt  }
0x54: {  	_ =	shalt  }
0x55: {  	_ =	shalt  }
0x56: {  	_ =	shalt  }
0x57: {  	_ =	shalt  }
0x58: {  	_ =	shalt  }
0x59: {  	_ =	shalt  }
0x5a: {  	_ =	shalt  }
0x5b: {  	_ =	shalt  }
0x5c: {  	_ =	shalt  }
0x5d: {  	_ =	shalt  }
0x5e: {  	_ =	shalt  }
0x5f: {  	_ =	shalt  }
0x60: {  	_ =	shalt  }
0x61: {  	_ =	shalt  }
0x62: {  	_ =	shalt  }
0x63: {  	_ =	shalt  }
0x64: {  	_ =	shalt  }
0x65: {  	_ =	shalt  }
0x66: {  	_ =	shalt  }
0x67: {  	_ =	shalt  }
0x68: {  	_ =	shalt  }
0x69: {  	_ =	shalt  }
0x6a: {  	_ =	shalt  }
0x6b: {  	_ =	shalt  }
0x6c: {  	_ =	shalt  }
0x6d: {  	_ =	shalt  }
0x6e: {  	_ =	shalt  }
0x6f: {  	_ =	shalt  }
0x70: {  	_ =	shalt  }
0x71: {  	_ =	shalt  }
0x72: {  	_ =	shalt  }
0x73: {  	_ =	shalt  }
0x74: {  	_ =	shalt  }
0x75: {  	_ =	shalt  }
0x76: {  	_ =	shalt  }
0x77: {  	_ =	shalt  }
0x78: {  	_ =	shalt  }
0x79: {  	_ =	shalt  }
0x7a: {  	_ =	shalt  }
0x7b: {  	_ =	shalt  }
0x7c: {  	_ =	shalt  }
0x7d: {  	_ =	shalt  }
0x7e: {  	_ =	shalt  }
0x7f: {  	_ =	shalt  }
0x80: {  	_ =	shalt  }
0x81: {  	_ =	shalt  }
0x82: {  	_ =	shalt  }
0x83: {  	_ =	shalt  }
0x84: {  	_ =	shalt  }
0x85: {  	_ =	shalt  }
0x86: {  	_ =	shalt  }
0x87: {  	_ =	shalt  }
.Lfunc_end0:
.L_simem_size_0:
called_computation.2_lowered:
.L_overlay_start_0:
0x88: {  	s2 =	sld [smem:$0x3FD9]  }
0x89: {  	s3 =	sld [smem:$0x3FFE];
	_ =	sdelay $0x1  }
0x8a: {  	s1 =	srdreg.scid  }
0x8b: {  	s0 =	sand.u32 $0x1, s1  }
0x8c: {  	s17 =	sshll.u32 s0, $0xA;
	s2 =	sadd.s32 s3, s2  }
0x8d: {  	s2 =	sadd.s32 s2, s17  }
0x8e: {  	[smem:$0x3FC2] =	sst s2  }
0x8f: {  	_ = 	snop  }
0x90: {  	s2 =	sld [smem:$0x3FD0];
	(tm) =	ssettm $0x1  }
0x91: {  	s18 =	sld [smem:$0x3FFB];
	_ =	sdelay $0x3  }
0x92: {  	_ =	strace s18  }
0x93: {  	s3 =	sld [smem:$0x3FFC];
	_ =	sdelay $0x3  }
0x94: {  	_ =	strace s3  }
0x95: {  	s3 =	sld [smem:$0x3FFD];
	_ =	sdelay $0x3  }
0x96: {  	_ =	strace s3  }
0x97: {  	_ =	strace $0x8FFFFFFF  }
0x98: {  	s19 =	sld [smem:$0x3FDB];
	_ =	sdelay $0x1  }
0x99: {  	s4 =	simm.s32 $_scs_section_size  }
0x9a: {  	s5 =	simm.s32 $_size__tile_overlayer_lowered;
	s6 =	simm.s32 $_tile_overlayer_lowered  }
0x9b: {  	s22 =	simm.s32 $0x1BFF;
	s21 =	sshll.u32 s6, $0x1;
	s3 =	sadd.s32 s4, s19  }
0x9c: {  	s7 =	simm.s32 $0x0;
	s20 =	sshll.u32 s5, $0x1;
	s5 =	sadd.s32 s21, s3  }
0x9d: {  	[timem:s7], [sflag:s22] =	dma.local [hbm:s5], s20  }
0x9e: {  	_ =	swait.ge [sflag:s22], s20  }
0x9f: {  	s4 =	ssub.s32 $0x0, s20;
	[sflag:s22] =	ssyncset.done $0x0  }
0xa0: {  	[sflag:s22] =	ssyncadd.s32 s4;
	_ =	sdelay $0x1  }
0xa1: {  	s23 =	simm.s32 $0x1B8B  }
0xa2: {  	_ =	swait.ge [sflag:s23], $0x1  }
0xa3: {  	[sflag:s23] =	ssyncset.done $0x0  }
0xa4: {  	s25 =	simm.s32 $0x1B8E;
	s24 =	sld [smem:$0x3FFE];
	[sflag:s23] =	ssyncadd.s32 $0xFFFFFFFF  }
0xa5: {  	s26 =	simm.s32 $execute0_lowered;
	[smem:$0x3FD2] =	sst s25  }
0xa6: {  	s5 =	sshll.u32 s26, $0x1;
	_ =	strace $0x8000004C;
	[dreg:$0x1] =	wrdreg $0xFFFFFFFF  }
0xa7: {  	s28 =	simm.s32 $_size_execute0_lowered;
	s3 =	sadd.s32 s3, s5;
	[dreg:$0x0] =	wrdreg $0x0  }
0xa8: {  	s5 =	sshll.u32 s28, $0x1;
	[dreg:$0x2] =	wrdreg s3  }
0xa9: {  	[dreg:$0x3] =	wrdreg s5  }
0xaa: {  	[dreg:$0x4] =	wrdreg $0xC0  }
0xab: {  	_ =	task [dreg:s7], $0x5FFFF  }
0xac: {  	[dreg:$0x1] =	wrdreg $0xFFFFFFFF  }
0xad: {  	[dreg:$0x0] =	wrdreg $0x60  }
0xae: {  	[dreg:$0x2] =	wrdreg s24  }
0xaf: {  	[dreg:$0x3] =	wrdreg s2  }
0xb0: {  	[dreg:$0x4] =	wrdreg $0x0  }
0xb1: {  	[dreg:$0x5] =	wrdreg $0x9  }
0xb2: {  	_ =	task.clear_ibuf [dreg:s7], $0x6FFFF;
	_ =	strace $0x9000004C  }
0xb3: {  	s29 =	simm.s32 $0x9;
	_ =	strace $0x8000004E  }
0xb4: {  	_ =	swait.ge [sflag:s29], $0x1  }
0xb5: {  	[sflag:s29] =	ssyncadd.s32 $0xFFFFFFFF  }
0xb6: {  	_ =	strace $0x9000004E  }
0xb7: {  	_ =	sfence  }
0xb8: {  	s30 =	sld [smem:$0x0];
	_ =	sdelay $0x2  }
0xb9: {  	s31 =	sshll.u32 s1, $0xD;
	s1 =	sshrl.u32 s1, $0x2  }
0xba: {  	s3 =	sand.u32 $0x4000, s31;
	s1 =	sadd.s32 s1, s30  }
0xbb: {  	s0 =	sor.u32 s3, s0;
	s1 =	sshll.u32 s1, $0x11  }
0xbc: {  	s0 =	sor.u32 s1, s0  }
0xbd: {  	s0 =	sadd.s32 $0x8F2B, s0  }
0xbe: {  	[sflag:s0] =	ssyncadd.remote.s32 $0x1  }
0xbf: {  	_ =	sfence.sel $0xFFFF  }
0xc0: {  	[dreg:$0x0] =	wrdreg $0xFFFFFFFF;
	(pc) =	sbr.abs _section_cstart, $3  }
0xc1: {  	[dreg:$0x1] =	wrdreg $0xFFFFFFFF  }
0xc2: {  	_ =	task.clear_ibuf [dreg:s7], $0x2FFFF;
	_ =	strace $0x9FFFFFFF  }
0xc3: {  	(tm) =	ssettm $0x7FFFFFFF  }
tec
execute0_lowered:
.L_overlay_start_1:
0x0: {  	(tag) =	ssettag $0x1  }
0x1: {  	s5 =	rddreg [dreg:$0x0]  }
0x2: {  	s10 =	rddreg [dreg:$0x1]  }
0x3: {  	s2 =	rddreg [dreg:$0x2]  }
0x4: {  	s0 =	rddreg [dreg:$0x3];
	s3 =	simm.s32 $0x0  }
0x5: {  	s1 =	stileid.u32;
	s4 =	srdreg.scid;
	s16 =	simm.s32 $0x15400  }
0x6: {  	s17 =	simm.s32 $0x80;
	s18 =	simm.s32 $0x16800;
	s19 =	simm.s32 $0x14080  }
0x7: {  	s20 =	simm.s32 $0x1A800;
	s21 =	simm.s32 $0x1;
	s22 =	simm.s32 $0x3  }
0x8: {  	s23 =	simm.s32 $0x2;
	s28 =	simm.s32 $0x0;
	[smem:$0x7FF] =	sst s3  }
0x9: {  	s6 =	smul.u32 $0x2800, s1;
	s7 =	sand.u32 $0x1, s4;
	s4 =	sadd.s32 $0xC600, s5  }
0xa: {  	s9 =	sadd.s32 $0x2600, s5;
	s12 =	sshll.u32 s1, $0x1;
	s13 =	smul.u32 $0x50000, s1  }
0xb: {  	s26 =	sshll.u32 s1, $0x6;
	_ =	strace $0x8000004D;
	s8 =	smul.u32 $0x28000, s7  }
0xc: {  	s24 =	ssub.s32 $0x2, s7;
	s7 =	sor.u32 s7, s12;
	s11 =	sadd.s32 s6, s5  }
0xd: {  	s25 =	sshrl.u32 s24, $0x1;
	s13 =	sshrl.u32 s13, $0x2;
	s14 =	smul.u32 $0x2800, s7  }
0xe: {  	s29 =	smul.u32 $0x500, s7;
	s6 =	sadd.s32 s6, s8;
	s12 =	ssub.s32 s24, s25  }
0xf: {  	s13 =	sadd.s32 s13, s2;
	s24 =	simm.s32 $0x4;
	s25 =	simm.s32 $0x16700  }
0x10: {  	s15 =	sadd.s32 s6, s5;
	s30 =	sshrl.u32 s14, $0x3;
	s5 =	sadd.s32 $0x48600, s11  }
0x11: {  	s6 =	sor.u32 $0x1C05, s26;
	s7 =	sadd.s32 s9, s29;
	s8 =	sadd.s32 s10, s29  }
0x12: {  	s12 =	smax.u32 s12, $0x1;
	s13 =	sshrl.u32 s13, $0x3;
	s14 =	simm.s32 $0x5  }
0x13: {  	s26 =	simm.s32 $0x16780;
	s31 =	sadd.s32 $0x280, s30;
	s11 =	sadd.s32 $0x70600, s15  }
0x14: {  	s15 =	simm.s32 $0x14000;
	s9 =	sadd.s32 s9, s31;
	s10 =	sadd.s32 s10, s31  }
.LBB2_1:
0x15: {  	[spmem:s13], [sflag:s6] =	dma.local [hbm:s5], $0x2800  }
0x16: {  	_ =	swait.ge [sflag:s14], $0x2800  }
0x17: {  	[sflag:s14] =	ssyncset.done $0x0  }
0x18: {  	[sflag:s14] =	ssyncadd.s32 $0xFFFFD800  }
0x19: {  	[bflag:$0x0] =	sbarrier.arrive $0xFFFF  }
0x1a: {  	[tilespmem:s15], [sflag:$0x5] =	stream.linear.gather [hbm4b:s7+s3], $0x1400, $0x38;
	[tilespmem:$0x1E800] =	vst v63  }
0x1b: {  	_ =	swait.ge [sflag:s14], $0x1400  }
0x1c: {  	[sflag:s14] =	ssyncset.done $0x0  }
0x1d: {  	[sflag:s14] =	ssyncadd.s32 $0xFFFFEC00  }
0x1e: {  	[tilespmem:s16], [sflag:$0x5] =	stream.linear.gather [hbm4b:s8+s3], $0x1400, $0x38;
	[tilespmem:$0x1E800] =	vst v63  }
0x1f: {  	_ =	swait.ge [sflag:s14], $0x1400  }
0x20: {  	[sflag:s14] =	ssyncset.done $0x0  }
0x21: {  	[sflag:s14] =	ssyncadd.s32 $0xFFFFEC00  }
0x22: {  	[tilespmem:s18], [sflag:$0x1] =	stream.indirect.gather [hbm4b:s4+s17], $0x80, s15, s17, $0xb8;
	[tilespmem:$0x1E800] =	vst v63  }
0x23: {  	_ = 	snop  }
0x24: {  	[tilespmem:s20], [sflag:$0x2] =	stream.indirect.gather [hbm4b:s4+s17], $0x80, s19, s17, $0xb8;
	[tilespmem:$0x1E800] =	vst v63  }
0x25: {  	_ =	swait.ge [sflag:s21], $0x4000  }
0x26: {  	[sflag:s21] =	ssyncset.done $0x0  }
0x27: {  	s29 =	simm.s32 $0x15400;
	[sflag:s21] =	ssyncadd.s32 $0xFFFFC000  }
0x28: {  	[spmem:s2] =	stream.indirect.scatter.add.f32 [tilespmem:s18], [sflag:$0x3], $0x80, s29, s17, $0xb8;
	[tilespmem:$0x1E800] =	vst v63  }
0x29: {  	_ =	swait.ge [sflag:s22], $0x4000  }
0x2a: {  	[sflag:s22] =	ssyncset.done $0x0  }
0x2b: {  	s29 =	simm.s32 $0x14100;
	[sflag:s22] =	ssyncadd.s32 $0xFFFFC000  }
0x2c: {  	[tilespmem:s18], [sflag:$0x1] =	stream.indirect.gather [hbm4b:s4+s17], $0x80, s29, s17, $0xb8;
	[tilespmem:$0x1E800] =	vst v63  }
0x2d: {  	_ =	swait.ge [sflag:s23], $0x4000  }
0x2e: {  	[sflag:s23] =	ssyncset.done $0x0  }
0x2f: {  	s29 =	simm.s32 $0x15480;
	[sflag:s23] =	ssyncadd.s32 $0xFFFFC000  }
0x30: {  	[spmem:s2] =	stream.indirect.scatter.add.f32 [tilespmem:s20], [sflag:$0x4], $0x80, s29, s17, $0xb8;
	[tilespmem:$0x1E800] =	vst v63  }
0x31: {  	_ =	swait.ge [sflag:s24], $0x4000  }
0x32: {  	[sflag:s24] =	ssyncset.done $0x0  }
0x33: {  	s30 =	simm.s32 $0x14180;
	s29 =	simm.s32 $0x400;
	[sflag:s24] =	ssyncadd.s32 $0xFFFFC000  }
.LBB2_2:
0x34: {  	[tilespmem:s20], [sflag:$0x2] =	stream.indirect.gather [hbm4b:s4+s17], $0x80, s30, s17, $0xb8;
	[tilespmem:$0x1E800] =	vst v63  }
0x35: {  	s30 =	smov.u32 s29  }
0x36: {  	p0 =	sne.s32 s29, $0x4800;
	s29 =	sadd.s32 $0x400, s29;
	_ =	swait.ge [sflag:s21], $0x4000  }
0x37: {  	s30 =	sshra.s32 s30, $0x2;
	[sflag:s21] =	ssyncset.done $0x0  }
0x38: {  	s31 =	sadd.s32 $0x15400, s30;
	[sflag:s21] =	ssyncadd.s32 $0xFFFFC000  }
0x39: {  	[spmem:s2] =	stream.indirect.scatter.add.f32 [tilespmem:s18], [sflag:$0x3], $0x80, s31, s17, $0xb8;
	[tilespmem:$0x1E800] =	vst v63  }
0x3a: {  	_ =	swait.ge [sflag:s22], $0x4000  }
0x3b: {  	[sflag:s22] =	ssyncset.done $0x0  }
0x3c: {  	s31 =	sadd.s32 $0x14100, s30;
	[sflag:s22] =	ssyncadd.s32 $0xFFFFC000  }
0x3d: {  	[tilespmem:s18], [sflag:$0x1] =	stream.indirect.gather [hbm4b:s4+s17], $0x80, s31, s17, $0xb8;
	[tilespmem:$0x1E800] =	vst v63  }
0x3e: {  	_ =	swait.ge [sflag:s23], $0x4000  }
0x3f: {  	[sflag:s23] =	ssyncset.done $0x0  }
.Ltmp0:
0x40: {  	s31 =	sadd.s32 $0x15480, s30;
	[sflag:s23] =	ssyncadd.s32 $0xFFFFC000;
	(pc) =	sbr.rel @p0 .LBB2_2-.Ltmp0, $4  }
0x41: {  	[spmem:s2] =	stream.indirect.scatter.add.f32 [tilespmem:s20], [sflag:$0x4], $0x80, s31, s17, $0xb8;
	[tilespmem:$0x1E800] =	vst v63  }
0x42: {  	_ =	swait.ge [sflag:s24], $0x4000  }
0x43: {  	[sflag:s24] =	ssyncset.done $0x0  }
0x44: {  	s30 =	sadd.s32 $0x14180, s30;
	[sflag:s24] =	ssyncadd.s32 $0xFFFFC000  }
0x45: {  	[tilespmem:s20], [sflag:$0x2] =	stream.indirect.gather [hbm4b:s4+s17], $0x80, s30, s17, $0xb8;
	[tilespmem:$0x1E800] =	vst v63  }
0x46: {  	_ =	swait.ge [sflag:s21], $0x4000  }
0x47: {  	[sflag:s21] =	ssyncset.done $0x0  }
0x48: {  	[sflag:s21] =	ssyncadd.s32 $0xFFFFC000  }
0x49: {  	[spmem:s2] =	stream.indirect.scatter.add.f32 [tilespmem:s18], [sflag:$0x3], $0x80, s25, s17, $0xb8;
	[tilespmem:$0x1E800] =	vst v63  }
0x4a: {  	_ =	swait.ge [sflag:s22], $0x4000  }
0x4b: {  	[sflag:s22] =	ssyncset.done $0x0  }
0x4c: {  	[sflag:s22] =	ssyncadd.s32 $0xFFFFC000  }
0x4d: {  	_ =	swait.ge [sflag:s23], $0x4000  }
0x4e: {  	[sflag:s23] =	ssyncset.done $0x0  }
0x4f: {  	[sflag:s23] =	ssyncadd.s32 $0xFFFFC000  }
0x50: {  	[spmem:s2] =	stream.indirect.scatter.add.f32 [tilespmem:s20], [sflag:$0x4], $0x80, s26, s17, $0xb8;
	[tilespmem:$0x1E800] =	vst v63  }
0x51: {  	_ =	swait.ge [sflag:s24], $0x4000  }
0x52: {  	[sflag:s24] =	ssyncset.done $0x0  }
0x53: {  	s29 =	simm.s32 $0x0;
	[sflag:s24] =	ssyncadd.s32 $0xFFFFC000  }
0x54: {  	[tilespmem:s15], [sflag:$0x5] =	stream.linear.gather [hbm4b:s9+s29], $0x1400, $0x38;
	[tilespmem:$0x1E800] =	vst v63  }
0x55: {  	_ =	swait.ge [sflag:s14], $0x1400  }
0x56: {  	[sflag:s14] =	ssyncset.done $0x0  }
0x57: {  	[sflag:s14] =	ssyncadd.s32 $0xFFFFEC00  }
0x58: {  	[tilespmem:s16], [sflag:$0x5] =	stream.linear.gather [hbm4b:s10+s29], $0x1400, $0x38;
	[tilespmem:$0x1E800] =	vst v63  }
0x59: {  	_ =	swait.ge [sflag:s14], $0x1400  }
0x5a: {  	[sflag:s14] =	ssyncset.done $0x0  }
0x5b: {  	[sflag:s14] =	ssyncadd.s32 $0xFFFFEC00  }
0x5c: {  	[tilespmem:s18], [sflag:$0x1] =	stream.indirect.gather [hbm4b:s4+s17], $0x80, s15, s17, $0xb8;
	[tilespmem:$0x1E800] =	vst v63  }
0x5d: {  	_ = 	snop  }
0x5e: {  	[tilespmem:s20], [sflag:$0x2] =	stream.indirect.gather [hbm4b:s4+s17], $0x80, s19, s17, $0xb8;
	[tilespmem:$0x1E800] =	vst v63  }
0x5f: {  	_ =	swait.ge [sflag:s21], $0x4000  }
0x60: {  	[sflag:s21] =	ssyncset.done $0x0  }
0x61: {  	s29 =	simm.s32 $0x15400;
	[sflag:s21] =	ssyncadd.s32 $0xFFFFC000  }
0x62: {  	[spmem:s2] =	stream.indirect.scatter.add.f32 [tilespmem:s18], [sflag:$0x3], $0x80, s29, s17, $0xb8;
	[tilespmem:$0x1E800] =	vst v63  }
0x63: {  	_ =	swait.ge [sflag:s22], $0x4000  }
0x64: {  	[sflag:s22] =	ssyncset.done $0x0  }
0x65: {  	s29 =	simm.s32 $0x14100;
	[sflag:s22] =	ssyncadd.s32 $0xFFFFC000  }
0x66: {  	[tilespmem:s18], [sflag:$0x1] =	stream.indirect.gather [hbm4b:s4+s17], $0x80, s29, s17, $0xb8;
	[tilespmem:$0x1E800] =	vst v63  }
0x67: {  	_ =	swait.ge [sflag:s23], $0x4000  }
0x68: {  	[sflag:s23] =	ssyncset.done $0x0  }
0x69: {  	s29 =	simm.s32 $0x15480;
	[sflag:s23] =	ssyncadd.s32 $0xFFFFC000  }
0x6a: {  	[spmem:s2] =	stream.indirect.scatter.add.f32 [tilespmem:s20], [sflag:$0x4], $0x80, s29, s17, $0xb8;
	[tilespmem:$0x1E800] =	vst v63  }
0x6b: {  	_ =	swait.ge [sflag:s24], $0x4000  }
0x6c: {  	[sflag:s24] =	ssyncset.done $0x0  }
0x6d: {  	s30 =	simm.s32 $0x14180;
	s29 =	simm.s32 $0x400;
	[sflag:s24] =	ssyncadd.s32 $0xFFFFC000  }
.LBB2_4:
0x6e: {  	[tilespmem:s20], [sflag:$0x2] =	stream.indirect.gather [hbm4b:s4+s17], $0x80, s30, s17, $0xb8;
	[tilespmem:$0x1E800] =	vst v63  }
0x6f: {  	s30 =	smov.u32 s29  }
0x70: {  	p0 =	sne.s32 s29, $0x4800;
	s29 =	sadd.s32 $0x400, s29;
	_ =	swait.ge [sflag:s21], $0x4000  }
0x71: {  	s30 =	sshra.s32 s30, $0x2;
	[sflag:s21] =	ssyncset.done $0x0  }
0x72: {  	s31 =	sadd.s32 $0x15400, s30;
	[sflag:s21] =	ssyncadd.s32 $0xFFFFC000  }
0x73: {  	[spmem:s2] =	stream.indirect.scatter.add.f32 [tilespmem:s18], [sflag:$0x3], $0x80, s31, s17, $0xb8;
	[tilespmem:$0x1E800] =	vst v63  }
0x74: {  	_ =	swait.ge [sflag:s22], $0x4000  }
0x75: {  	[sflag:s22] =	ssyncset.done $0x0  }
0x76: {  	s31 =	sadd.s32 $0x14100, s30;
	[sflag:s22] =	ssyncadd.s32 $0xFFFFC000  }
0x77: {  	[tilespmem:s18], [sflag:$0x1] =	stream.indirect.gather [hbm4b:s4+s17], $0x80, s31, s17, $0xb8;
	[tilespmem:$0x1E800] =	vst v63  }
0x78: {  	_ =	swait.ge [sflag:s23], $0x4000  }
0x79: {  	[sflag:s23] =	ssyncset.done $0x0  }
.Ltmp1:
0x7a: {  	s31 =	sadd.s32 $0x15480, s30;
	[sflag:s23] =	ssyncadd.s32 $0xFFFFC000;
	(pc) =	sbr.rel @p0 .LBB2_4-.Ltmp1, $4  }
0x7b: {  	[spmem:s2] =	stream.indirect.scatter.add.f32 [tilespmem:s20], [sflag:$0x4], $0x80, s31, s17, $0xb8;
	[tilespmem:$0x1E800] =	vst v63  }
0x7c: {  	_ =	swait.ge [sflag:s24], $0x4000  }
0x7d: {  	[sflag:s24] =	ssyncset.done $0x0  }
0x7e: {  	s30 =	sadd.s32 $0x14180, s30;
	[sflag:s24] =	ssyncadd.s32 $0xFFFFC000  }
0x7f: {  	[tilespmem:s20], [sflag:$0x2] =	stream.indirect.gather [hbm4b:s4+s17], $0x80, s30, s17, $0xb8;
	[tilespmem:$0x1E800] =	vst v63  }
0x80: {  	_ =	swait.ge [sflag:s21], $0x4000  }
0x81: {  	[sflag:s21] =	ssyncset.done $0x0  }
0x82: {  	[sflag:s21] =	ssyncadd.s32 $0xFFFFC000  }
0x83: {  	[spmem:s2] =	stream.indirect.scatter.add.f32 [tilespmem:s18], [sflag:$0x3], $0x80, s25, s17, $0xb8;
	[tilespmem:$0x1E800] =	vst v63  }
0x84: {  	_ =	swait.ge [sflag:s22], $0x4000  }
0x85: {  	[sflag:s22] =	ssyncset.done $0x0  }
0x86: {  	[sflag:s22] =	ssyncadd.s32 $0xFFFFC000  }
0x87: {  	_ =	swait.ge [sflag:s23], $0x4000  }
0x88: {  	[sflag:s23] =	ssyncset.done $0x0  }
0x89: {  	[sflag:s23] =	ssyncadd.s32 $0xFFFFC000  }
0x8a: {  	[spmem:s2] =	stream.indirect.scatter.add.f32 [tilespmem:s20], [sflag:$0x4], $0x80, s26, s17, $0xb8;
	[tilespmem:$0x1E800] =	vst v63  }
0x8b: {  	_ =	swait.ge [sflag:s24], $0x4000  }
0x8c: {  	s28 =	sadd.s32 $0x1, s28;
	[sflag:s24] =	ssyncset.done $0x0  }
0x8d: {  	p0 =	sne.s32 s28, s12;
	[sflag:s24] =	ssyncadd.s32 $0xFFFFC000  }
.Ltmp2:
0x8e: {  	[bflag:$0x0] =	sbarrier.arrive $0xFFFF;
	(pc) =	sbr.rel @p0 .LBB2_1-.Ltmp2, $4  }
0x8f: {  	[hbm:s11], [sflag:s6] =	dma.local [spmem:s13], $0x2800  }
0x90: {  	_ =	swait.ge [sflag:s14], $0x2800  }
0x91: {  	[sflag:s14] =	ssyncset.done $0x0  }
0x92: {  	[sflag:s14] =	ssyncadd.s32 $0xFFFFD800  }
0x93: {  	_ =	sfence.sel $0x180000  }
0x94: {  	[bflag:$0x0] =	sbarrier.arrive $0xFFFF  }
0x95: {  	p0 =	sne.s32 s1, $0x0;
	_ =	strace $0x9000004D  }
0x96: {  	s0 =	sadd.s32 @!p0 $0x100000, s0;
	[bflag:$0x2] =	sbarrier.arrive $0xFFFF  }
0x97: {  	[sflag:s0] =	ssyncadd.tile.s32 @!p0 $0x1;
	_ =	shalt  }
.Lfunc_end2:
_tile_overlayer_lowered:
.L_overlay_start_2:
0x98: {  	(tag) =	ssettag $0x2  }
0x99: {  	s0 =	rddreg [dreg:$0x0];
	s2 =	stileid.u32  }
0x9a: {  	s1 =	rddreg [dreg:$0x1];
	p0 =	sne.s32 s2, $0x0  }
0x9b: {  	s3 =	rddreg [dreg:$0x2];
	[bflag:$0x3] =	sbarrier.arrive $0xFFFF;
	s2 =	simm.s32 @!p0 $0x1C05  }
0x9c: {  	[timem:s3], [sflag:s2] =	dma.local @!p0 [hbm:s0], s1  }
0x9d: {  	s0 =	simm.s32 @!p0 $0x5  }
0x9e: {  	_ =	swait.ge @!p0 [sflag:s0], s1  }
0x9f: {  	s1 =	ssub.s32 @!p0 $0x0, s1;
	[sflag:s0] =	ssyncset.done @!p0 $0x0  }
0xa0: {  	[sflag:s0] =	ssyncadd.s32 @!p0 s1  }
0xa1: {  	[bflag:$0x3] =	sbarrier.arrive $0xFFFF  }
0xa2: {  	_ =	shalt  }

// kernel: kernel.9.cloned.1.call-start
scs
__scs_entry_jumppad:
0x0: {  	(pc) =	sbr.rel $0x88, $3  }
0x1: {  	(tag) =	ssettag $0x0;
	lr =	simm.s32 $0x1  }
0x2: {  	[smem:$0x3F9B] =	sst lr;
	_ =	strace $0xD0000000  }
0x3: {  	_ = 	snop  }
0x4: {  	_ = 	snop  }
0x5: {  	_ = 	snop  }
0x6: {  	_ = 	snop  }
0x7: {  	_ = 	snop  }
__scs_overlays_trampoline_lowered:
0x8: {  	[smem:$0x3FAA] =	sst s0  }
0x9: {  	[smem:$0x3FAB] =	sst s1  }
0xa: {  	[smem:$0x3FAC] =	sst s2  }
0xb: {  	[smem:$0x3FAD] =	sst s3  }
0xc: {  	[smem:$0x3FAE] =	sst s4  }
0xd: {  	[smem:$0x3FAF] =	sst s5  }
0xe: {  	[smem:$0x3FB0] =	sst s6  }
0xf: {  	[smem:$0x3FB1] =	sst s7  }
0x10: {  	[smem:$0x3FB2] =	sst s8  }
0x11: {  	[smem:$0x3FB3] =	sst s9;
	s0 =	simm.s32 @!p0 $0x0  }
0x12: {  	s1 =	sld [smem:$0x3F99];
	s0 =	simm.s32 @p0 $0x1  }
0x13: {  	[smem:$0x3FB4] =	sst s0;
	s0 =	simm.s32 @!p1 $0x0  }
0x14: {  	s2 =	sld [smem:$0x3F98];
	s0 =	simm.s32 @p1 $0x1  }
0x15: {  	[smem:$0x3FB5] =	sst s0;
	s0 =	simm.s32 @!p2 $0x0  }
0x16: {  	s3 =	sld [smem:$0x3FDB];
	s0 =	simm.s32 @p2 $0x1  }
0x17: {  	s4 =	simm.s32 $0x1BF5;
	[smem:$0x3FB7] =	sst s0  }
0x18: {  	s0 =	sld [smem:$0x3F9A];
	_ =	swait.ge [sflag:s4], $0x0  }
0x19: {  	s7 =	sld [smem:$0x3F9B]  }
0x1a: {  	s8 =	sadd.s32 $0xFFFFE003, lr  }
0x1b: {  	s9 =	sadd.s32 $0xFFFFFEF7, lr;
	s5 =	simm.s32 $0xFFFFFFFF;
	p2 =	slt.u32 s8, $0xFFFFF086  }
0x1c: {  	p1 =	slt.u32 s9, $0xF7A;
	s5 =	simm.s32 @!p2 $0x0  }
0x1d: {  	s5 =	simm.s32 @p1 $0x1;
	p0 =	seq.s32 s7, s2  }
0x1e: {  	s7 =	smul.u32 @!p0 $0xF7A, s2;
	p2 =	seq.s32 @!p0 s5, $0x0  }
0x1f: {  	s9 =	smul.u32 $0xF7A, s1;
	s8 =	simm.s32 @!p0 $0x1BF5;
	p2 =	por !p2, p0  }
0x20: {  	[sflag:s8] =	ssyncset.s32 @!p0 $0xFFFFF086;
	s6 =	sadd.s32 @!p0 s3, s7;
	s7 =	simm.s32 @!p0 $0x108  }
0x21: {  	s3 =	sadd.s32 s3, s9;
	s6 =	sadd.s32 @!p0 $0x88, s6;
	s7 =	simm.s32 @p2 $0x1082  }
0x22: {  	[simem:s7], [sflag:s8] =	dma.local @!p0 [hbm:s6], $0xF7A  }
0x23: {  	s9 =	sor.u32 $0xD0000000, s2;
	s6 =	simm.s32 $0x108;
	_ =	swait.ge @!p0 [sflag:s8], $0x0  }
0x24: {  	s3 =	sadd.s32 $0x88, s3;
	s6 =	simm.s32 @!p1 $0x1082;
	[sflag:s4] =	ssyncset.s32 $0xFFFFF086  }
0x25: {  	[simem:s6], [sflag:s4] =	dma.local [hbm:s3], $0xF7A  }
0x26: {  	[smem:$0x3F9B] =	sst s1;
	(tag) =	ssettag s2;
	_ =	strace s9  }
0x27: {  	s1 =	sld [smem:$0x3FAB]  }
0x28: {  	s2 =	sld [smem:$0x3FAC]  }
0x29: {  	s4 =	sld [smem:$0x3FAE]  }
0x2a: {  	p0 =	seq.s32 s5, $0x0;
	s5 =	sld [smem:$0x3FAF]  }
0x2b: {  	s6 =	sld [smem:$0x3FB0]  }
0x2c: {  	s7 =	sld [smem:$0x3FB1]  }
0x2d: {  	s3 =	simm.s32 $0x108;
	s8 =	sld [smem:$0x3FB2]  }
0x2e: {  	s3 =	simm.s32 @!p0 $0x1082;
	s9 =	sld [smem:$0x3FB3]  }
0x2f: {  	lr =	sadd.s32 s0, s3;
	s0 =	sld [smem:$0x3FAA]  }
0x30: {  	s3 =	sld [smem:$0x3FAD]  }
0x31: {  	[smem:$0x3FB6] =	sst s10  }
0x32: {  	s10 =	sld [smem:$0x3FB4];
	_ =	sdelay $0x3  }
0x33: {  	p0 =	seq.s32 s10, $0x1;
	s10 =	sld [smem:$0x3FB6];
	_ =	sdelay $0x3  }
0x34: {  	[smem:$0x3FB6] =	sst s10  }
0x35: {  	s10 =	sld [smem:$0x3FB5];
	_ =	sdelay $0x3  }
0x36: {  	p1 =	seq.s32 s10, $0x1;
	s10 =	sld [smem:$0x3FB6];
	_ =	sdelay $0x3  }
0x37: {  	[smem:$0x3FB6] =	sst s10  }
0x38: {  	s10 =	sld [smem:$0x3FB7]  }
0x39: {  	_ = 	snop;
	(pc) =	sbr.ind lr, $3  }
0x3a: {  	_ = 	snop  }
0x3b: {  	_ = 	snop  }
0x3c: {  	p2 =	seq.s32 s10, $0x1;
	s10 =	sld [smem:$0x3FB6]  }
0x3d: {  	_ =	shalt  }
0x3e: {  	_ =	shalt  }
0x3f: {  	_ =	shalt  }
0x40: {  	_ =	shalt  }
0x41: {  	_ =	shalt  }
0x42: {  	_ =	shalt  }
0x43: {  	_ =	shalt  }
0x44: {  	_ =	shalt  }
0x45: {  	_ =	shalt  }
0x46: {  	_ =	shalt  }
0x47: {  	_ =	shalt  }
0x48: {  	_ =	shalt  }
0x49: {  	_ =	shalt  }
0x4a: {  	_ =	shalt  }
0x4b: {  	_ =	shalt  }
0x4c: {  	_ =	shalt  }
0x4d: {  	_ =	shalt  }
0x4e: {  	_ =	shalt  }
0x4f: {  	_ =	shalt  }
0x50: {  	_ =	shalt  }
0x51: {  	_ =	shalt  }
0x52: {  	_ =	shalt  }
0x53: {  	_ =	shalt  }
0x54: {  	_ =	shalt  }
0x55: {  	_ =	shalt  }
0x56: {  	_ =	shalt  }
0x57: {  	_ =	shalt  }
0x58: {  	_ =	shalt  }
0x59: {  	_ =	shalt  }
0x5a: {  	_ =	shalt  }
0x5b: {  	_ =	shalt  }
0x5c: {  	_ =	shalt  }
0x5d: {  	_ =	shalt  }
0x5e: {  	_ =	shalt  }
0x5f: {  	_ =	shalt  }
0x60: {  	_ =	shalt  }
0x61: {  	_ =	shalt  }
0x62: {  	_ =	shalt  }
0x63: {  	_ =	shalt  }
0x64: {  	_ =	shalt  }
0x65: {  	_ =	shalt  }
0x66: {  	_ =	shalt  }
0x67: {  	_ =	shalt  }
0x68: {  	_ =	shalt  }
0x69: {  	_ =	shalt  }
0x6a: {  	_ =	shalt  }
0x6b: {  	_ =	shalt  }
0x6c: {  	_ =	shalt  }
0x6d: {  	_ =	shalt  }
0x6e: {  	_ =	shalt  }
0x6f: {  	_ =	shalt  }
0x70: {  	_ =	shalt  }
0x71: {  	_ =	shalt  }
0x72: {  	_ =	shalt  }
0x73: {  	_ =	shalt  }
0x74: {  	_ =	shalt  }
0x75: {  	_ =	shalt  }
0x76: {  	_ =	shalt  }
0x77: {  	_ =	shalt  }
0x78: {  	_ =	shalt  }
0x79: {  	_ =	shalt  }
0x7a: {  	_ =	shalt  }
0x7b: {  	_ =	shalt  }
0x7c: {  	_ =	shalt  }
0x7d: {  	_ =	shalt  }
0x7e: {  	_ =	shalt  }
0x7f: {  	_ =	shalt  }
0x80: {  	_ =	shalt  }
0x81: {  	_ =	shalt  }
0x82: {  	_ =	shalt  }
0x83: {  	_ =	shalt  }
0x84: {  	_ =	shalt  }
0x85: {  	_ =	shalt  }
0x86: {  	_ =	shalt  }
0x87: {  	_ =	shalt  }
.Lfunc_end0:
.L_simem_size_0:
called_computation_lowered:
.L_overlay_start_0:
0x88: {  	s2 =	sld [smem:$0x3FD9]  }
0x89: {  	s3 =	sld [smem:$0x3FFE];
	_ =	sdelay $0x1  }
0x8a: {  	s1 =	srdreg.scid  }
0x8b: {  	s0 =	sand.u32 $0x1, s1  }
0x8c: {  	s17 =	sshll.u32 s0, $0xA;
	s2 =	sadd.s32 s3, s2  }
0x8d: {  	s2 =	sadd.s32 s2, s17  }
0x8e: {  	[smem:$0x3FC2] =	sst s2  }
0x8f: {  	_ = 	snop  }
0x90: {  	s2 =	sld [smem:$0x3FD0];
	(tm) =	ssettm $0x1  }
0x91: {  	s18 =	sld [smem:$0x3FFB];
	_ =	sdelay $0x3  }
0x92: {  	_ =	strace s18  }
0x93: {  	s3 =	sld [smem:$0x3FFC];
	_ =	sdelay $0x3  }
0x94: {  	_ =	strace s3  }
0x95: {  	s3 =	sld [smem:$0x3FFD];
	_ =	sdelay $0x3  }
0x96: {  	_ =	strace s3  }
0x97: {  	_ =	strace $0x8FFFFFFF  }
0x98: {  	s19 =	sld [smem:$0x3FDB];
	_ =	sdelay $0x1  }
0x99: {  	s4 =	simm.s32 $_scs_section_size  }
0x9a: {  	s5 =	simm.s32 $_size__tile_overlayer_lowered;
	s6 =	simm.s32 $_tile_overlayer_lowered  }
0x9b: {  	s22 =	simm.s32 $0x1BFF;
	s21 =	sshll.u32 s6, $0x1;
	s3 =	sadd.s32 s4, s19  }
0x9c: {  	s7 =	simm.s32 $0x0;
	s20 =	sshll.u32 s5, $0x1;
	s5 =	sadd.s32 s21, s3  }
0x9d: {  	[timem:s7], [sflag:s22] =	dma.local [hbm:s5], s20  }
0x9e: {  	_ =	swait.ge [sflag:s22], s20  }
0x9f: {  	s4 =	ssub.s32 $0x0, s20;
	[sflag:s22] =	ssyncset.done $0x0  }
0xa0: {  	[sflag:s22] =	ssyncadd.s32 s4;
	_ =	sdelay $0x1  }
0xa1: {  	s23 =	simm.s32 $0x1B8B  }
0xa2: {  	_ =	swait.ge [sflag:s23], $0x1  }
0xa3: {  	[sflag:s23] =	ssyncset.done $0x0  }
0xa4: {  	s25 =	simm.s32 $0x1B8E;
	s24 =	sld [smem:$0x3FFE];
	[sflag:s23] =	ssyncadd.s32 $0xFFFFFFFF  }
0xa5: {  	s26 =	simm.s32 $execute0_lowered;
	[smem:$0x3FD2] =	sst s25  }
0xa6: {  	s5 =	sshll.u32 s26, $0x1;
	_ =	strace $0x80000046;
	[dreg:$0x1] =	wrdreg $0xFFFFFFFF  }
0xa7: {  	s28 =	simm.s32 $_size_execute0_lowered;
	s3 =	sadd.s32 s3, s5;
	[dreg:$0x0] =	wrdreg $0x0  }
0xa8: {  	s5 =	sshll.u32 s28, $0x1;
	[dreg:$0x2] =	wrdreg s3  }
0xa9: {  	[dreg:$0x3] =	wrdreg s5  }
0xaa: {  	[dreg:$0x4] =	wrdreg $0xC0  }
0xab: {  	_ =	task [dreg:s7], $0x5FFFF  }
0xac: {  	[dreg:$0x1] =	wrdreg $0xFFFFFFFF  }
0xad: {  	[dreg:$0x0] =	wrdreg $0x60  }
0xae: {  	[dreg:$0x2] =	wrdreg s24  }
0xaf: {  	[dreg:$0x3] =	wrdreg s2  }
0xb0: {  	[dreg:$0x4] =	wrdreg $0x9  }
0xb1: {  	_ =	task.clear_ibuf [dreg:s7], $0x5FFFF;
	_ =	strace $0x90000046  }
0xb2: {  	s29 =	simm.s32 $0x9;
	_ =	strace $0x80000048  }
0xb3: {  	_ =	swait.ge [sflag:s29], $0x1  }
0xb4: {  	[sflag:s29] =	ssyncadd.s32 $0xFFFFFFFF  }
0xb5: {  	_ =	strace $0x90000048  }
0xb6: {  	_ =	sfence  }
0xb7: {  	s30 =	sld [smem:$0x0];
	_ =	sdelay $0x2  }
0xb8: {  	s31 =	sshll.u32 s1, $0xD;
	s1 =	sshrl.u32 s1, $0x2  }
0xb9: {  	s3 =	sand.u32 $0x4000, s31;
	s1 =	sadd.s32 s1, s30  }
0xba: {  	s0 =	sor.u32 s3, s0;
	s1 =	sshll.u32 s1, $0x11  }
0xbb: {  	s0 =	sor.u32 s1, s0  }
0xbc: {  	s0 =	sadd.s32 $0x8F2B, s0  }
0xbd: {  	[sflag:s0] =	ssyncadd.remote.s32 $0x1  }
0xbe: {  	_ =	sfence.sel $0xFFFF  }
0xbf: {  	[dreg:$0x0] =	wrdreg $0xFFFFFFFF;
	(pc) =	sbr.abs _section_cstart, $3  }
0xc0: {  	[dreg:$0x1] =	wrdreg $0xFFFFFFFF  }
0xc1: {  	_ =	task.clear_ibuf [dreg:s7], $0x2FFFF;
	_ =	strace $0x9FFFFFFF  }
0xc2: {  	(tm) =	ssettm $0x7FFFFFFF  }
0xc3: {  	_ =	shalt  }
tec
execute0_lowered:
.L_overlay_start_1:
0x0: {  	(tag) =	ssettag $0x1  }
0x1: {  	s3 =	rddreg [dreg:$0x0];
	s1 =	srdreg.scid  }
0x2: {  	s0 =	stileid.u32;
	s4 =	rddreg [dreg:$0x1];
	s10 =	simm.s32 $0x7800  }
0x3: {  	s11 =	simm.s32 $0x2800;
	s12 =	simm.s32 $0x80;
	s13 =	simm.s32 $0x400  }
0x4: {  	s14 =	simm.s32 $0x0;
	s5 =	sand.u32 $0x1, s1;
	s2 =	sshll.u32 s0, $0x1  }
0x5: {  	s1 =	rddreg [dreg:$0x2];
	s7 =	sshrl.u32 s0, $0x2;
	s6 =	sor.u32 s5, s2  }
0x6: {  	s2 =	simm.s32 $0x0;
	s7 =	smul.u32 $0x14000, s7;
	s8 =	sshll.u32 s6, $0x7  }
0x7: {  	s5 =	ssub.s32 $0x2, s5;
	s6 =	smul.u32 $0x500, s6;
	s8 =	sand.u32 $0x380, s8  }
0x8: {  	[smem:$0x7FF] =	sst s2;
	s31 =	sshrl.u32 s5, $0x1;
	s7 =	sor.u32 s7, s8  }
0x9: {  	_ =	strace $0x80000047;
	s9 =	sadd.s32 s6, s3;
	s7 =	sshrl.u32 s7, $0x3  }
0xa: {  	s8 =	ssub.s32 s5, s31;
	s4 =	sadd.s32 s4, s6;
	s7 =	sadd.s32 s7, s3  }
0xb: {  	s3 =	sadd.s32 $0x2600, s9;
	s9 =	simm.s32 $0x1;
	s5 =	sadd.s32 $0xC600, s7  }
0xc: {  	v0 =	vimm.f32 $0.0e+00;
	v1 =	vimm.f32 $1.000000000e+00;
	s6 =	sadd.s32 $0x16600, s7;
	s7 =	smax.u32 s8, $0x1;
	s8 =	simm.s32 $0x5000  }
.LBB2_1:
0xd: {  	s15 =	simm.s32 $0x40;
	s16 =	simm.s32 $0x0  }
.LBB2_2:
0xe: {  	p0 =	sne.s32 s15, $0x9FC0;
	[tilespmem:s16+$0x0] =	vst v0;
	s17 =	smov.u32 s15;
	s15 =	sadd.s32 $0x40, s15  }
.Ltmp0:
0xf: {  	[tilespmem:s16+$0x2800] =	vst v0;
	(pc) =	sbr.rel @p0 .LBB2_2-.Ltmp0, $2  }
0x10: {  	_ =	sdelay $0x2  }
0x11: {  	s16 =	sshra.s32 s17, $0x2  }
0x12: {  	[tilespmem:s16+$0x0] =	vst v0  }
0x13: {  	[tilespmem:s16+$0x2800] =	vst v0;
	s15 =	simm.s32 $0x0  }
0x14: {  	[tilespmem:s8], [sflag:$0x1] =	stream.linear.gather [hbm4b:s3+s15], $0x2800, $0x38;
	[tilespmem:$0xA000] =	vst v63  }
0x15: {  	_ =	swait.ge [sflag:s9], $0x2800  }
0x16: {  	[sflag:s9] =	ssyncset.done $0x0  }
0x17: {  	[sflag:s9] =	ssyncadd.s32 $0xFFFFD800  }
0x18: {  	[tilespmem:s10], [sflag:$0x1] =	stream.linear.gather [hbm4b:s4+s15], $0x2800, $0x38;
	[tilespmem:$0xA000] =	vst v63  }
0x19: {  	_ =	swait.ge [sflag:s9], $0x2800  }
0x1a: {  	[sflag:s9] =	ssyncset.done $0x0  }
0x1b: {  	s16 =	simm.s32 $0x0;
	[sflag:s9] =	ssyncadd.s32 $0xFFFFD800  }
0x1c: {  	s15 =	simm.s32 $0x40;
	v2 =	vld [tilespmem:s16+$0x5000]  }
.LBB2_4:
0x1d: {  	p0 =	sne.s32 s15, $0x9FC0;
	v3 =	vld [tilespmem:s16+$0x7800];
	_ =	sdelay $0x4  }
.Ltmp1:
0x1e: {  	(pc) =	sbr.rel @p0 .LBB2_4-.Ltmp1, $4  }
0x1f: {  	_ = 	snop  }
0x20: {  	[tilespmem:v2+s2+$0x0] =	vst.idx.add.f32.msk $0xffff, v1  }
0x21: {  	s16 =	sshra.s32 s15, $0x2;
	[tilespmem:v3+s11+$0x0] =	vst.idx.add.f32.msk $0xffff, v1  }
0x22: {  	s15 =	sadd.s32 $0x40, s15;
	v2 =	vld [tilespmem:s16+$0x5000]  }
0x23: {  	_ = 	snop  }
0x24: {  	v3 =	vld [tilespmem:s16+$0x7800];
	_ =	sdelay $0x6  }
0x25: {  	[tilespmem:v2+s2+$0x0] =	vst.idx.add.f32.msk $0xffff, v1  }
0x26: {  	[tilespmem:v3+s11+$0x0] =	vst.idx.add.f32.msk $0xffff, v1  }
0x27: {  	[hbm4b:s5+s12] =	stream.strided.scatter [tilespmem:s2], [sflag:$0x1], $0x2800, s13, s12, $0x38;
	[tilespmem:$0xA000] =	vst v63  }
0x28: {  	s14 =	sadd.s32 $0x1, s14;
	_ =	swait.ge [sflag:s9], $0x2800  }
0x29: {  	p0 =	sne.s32 s14, s7;
	[sflag:s9] =	ssyncset.done $0x0  }
.Ltmp2:
0x2a: {  	[sflag:s9] =	ssyncadd.s32 $0xFFFFD800;
	(pc) =	sbr.rel @p0 .LBB2_1-.Ltmp2, $4  }
0x2b: {  	[hbm4b:s6+s12] =	stream.strided.scatter [tilespmem:s11], [sflag:$0x1], $0x2800, s13, s12, $0x38;
	[tilespmem:$0xA000] =	vst v63  }
0x2c: {  	_ =	swait.ge [sflag:s9], $0x2800  }
0x2d: {  	[sflag:s9] =	ssyncset.done $0x0  }
0x2e: {  	[sflag:s9] =	ssyncadd.s32 $0xFFFFD800  }
0x2f: {  	_ =	sfence.sel $0x180000  }
0x30: {  	[bflag:$0x0] =	sbarrier.arrive $0xFFFF  }
0x31: {  	p0 =	sne.s32 s0, $0x0;
	_ =	strace $0x90000047  }
0x32: {  	s0 =	sadd.s32 @!p0 $0x100000, s1;
	[bflag:$0x2] =	sbarrier.arrive $0xFFFF  }
0x33: {  	[sflag:s0] =	ssyncadd.tile.s32 @!p0 $0x1;
	_ =	shalt  }
.Lfunc_end2:
_tile_overlayer_lowered:
.L_overlay_start_2:
0x34: {  	(tag) =	ssettag $0x2  }
0x35: {  	s0 =	rddreg [dreg:$0x0];
	s2 =	stileid.u32  }
0x36: {  	s1 =	rddreg [dreg:$0x1];
	p0 =	sne.s32 s2, $0x0  }
0x37: {  	s3 =	rddreg [dreg:$0x2];
	[bflag:$0x3] =	sbarrier.arrive $0xFFFF;
	s2 =	simm.s32 @!p0 $0x1C01  }
0x38: {  	[timem:s3], [sflag:s2] =	dma.local @!p0 [hbm:s0], s1  }
0x39: {  	s0 =	simm.s32 @!p0 $0x1  }
0x3a: {  	_ =	swait.ge @!p0 [sflag:s0], s1  }
0x3b: {  	s1 =	ssub.s32 @!p0 $0x0, s1;
	[sflag:s0] =	ssyncset.done @!p0 $0x0  }
0x3c: {  	[sflag:s0] =	ssyncadd.s32 @!p0 s1  }
0x3d: {  	[bflag:$0x3] =	sbarrier.arrive $0xFFFF  }
0x3e: {  	_ =	shalt  }

</sc_bundles>
